<compile_context>
chip_gen: v7x
topology: tpu7x:2x2x1
jax: 0.10.2.dev20260603
libtpu: 0.0.44.dev20260713+nightly
codegen_flags: <defaults>
</compile_context>

<pallas_src>
import functools

import jax
import jax.numpy as jnp
from jax import lax
from jax.experimental import pallas as pl
from jax.experimental.pallas import tpu as pltpu
from jax.experimental.pallas import tpu_sc as plsc

_f32 = jnp.float32
_i32 = jnp.int32


def _pcall(body, **kw):
    return pl.pallas_call(body, **kw)


def _fps(xyz, npoint):
    B, N, _ = xyz.shape
    xs = xyz[:, :, 0]
    ys = xyz[:, :, 1]
    zs = xyz[:, :, 2]

    def body(x_ref, y_ref, z_ref, out_ref):
        X = x_ref[...]
        Y = y_ref[...]
        Z = z_ref[...]
        iota = lax.broadcasted_iota(_i32, (B, N), 1)
        iop = lax.broadcasted_iota(_i32, (B, npoint), 1)

        def step(i, state):
            dists, far, idxs = state
            idxs = idxs + ((iop == i).astype(_i32)
                           * jnp.broadcast_to(far, (B, npoint)))
            sel = iota == jnp.broadcast_to(far, (B, N))
            cx = jnp.sum(jnp.where(sel, X, 0.0), axis=1, keepdims=True)
            cy = jnp.sum(jnp.where(sel, Y, 0.0), axis=1, keepdims=True)
            cz = jnp.sum(jnp.where(sel, Z, 0.0), axis=1, keepdims=True)
            dx = X - cx
            dy = Y - cy
            dz = Z - cz
            d = dx * dx + dy * dy + dz * dz
            dists = jnp.minimum(dists, d)
            m = jnp.max(dists, axis=1, keepdims=True)
            far = jnp.min(jnp.where(dists == jnp.broadcast_to(m, (B, N)),
                                    iota, N), axis=1,
                          keepdims=True).astype(_i32)
            return dists, far, idxs

        dists0 = X * 0.0 + 1e10
        far0 = (jnp.max(X * 0.0, axis=1, keepdims=True)).astype(_i32)
        idxs0 = (X[:, :npoint] * 0.0).astype(_i32)
        _, _, idxs = lax.fori_loop(0, npoint, step, (dists0, far0, idxs0))
        out_ref[...] = idxs

    return _pcall(
        body,
        out_shape=jax.ShapeDtypeStruct((B, npoint), _i32),
    )(xs, ys, zs)


def _knn(xyzT, fps_col, S, K):
    B, _, N = xyzT.shape

    def body(xt_ref, fi_ref, knn_ref, nx_ref):
        A = xt_ref[0]
        X = A[0:1, :]
        Y = A[1:2, :]
        Z = A[2:3, :]
        idx = fi_ref[0]
        iotaSN = lax.broadcasted_iota(_i32, (S, N), 1)
        sel = iotaSN == jnp.broadcast_to(idx, (S, N))
        Xb = jnp.broadcast_to(X, (S, N))
        Yb = jnp.broadcast_to(Y, (S, N))
        Zb = jnp.broadcast_to(Z, (S, N))
        cx = jnp.sum(jnp.where(sel, Xb, 0.0), axis=1, keepdims=True)
        cy = jnp.sum(jnp.where(sel, Yb, 0.0), axis=1, keepdims=True)
        cz = jnp.sum(jnp.where(sel, Zb, 0.0), axis=1, keepdims=True)
        C = jnp.concatenate([cx, cy, cz], axis=1)
        dot = lax.dot_general(C, A, (((1,), (0,)), ((), ())),
                              preferred_element_type=_f32)
        sqC = jnp.sum(C * C, axis=1, keepdims=True)
        X2 = A * A
        sqX = (X2[0:1] + X2[1:2]) + X2[2:3]
        D = (-2.0 * dot + sqC) + sqX
        iotaK = lax.broadcasted_iota(_i32, (S, K), 1)

        def step(k, st):
            D, knn = st
            m = jnp.min(D, axis=1, keepdims=True)
            j = jnp.min(jnp.where(D == jnp.broadcast_to(m, (S, N)),
                                  iotaSN, N), axis=1,
                        keepdims=True).astype(_i32)
            knn = knn + ((iotaK == k).astype(_i32)
                         * jnp.broadcast_to(j, (S, K)))
            D = jnp.where(iotaSN == jnp.broadcast_to(j, (S, N)), jnp.inf, D)
            return D, knn

        knn0 = (D[:, :K] * 0.0).astype(_i32)
        _, knn = lax.fori_loop(0, K, step, (D, knn0))
        knn_ref[...] = knn[None]
        nx_ref[...] = C[None]

    return _pcall(
        body,
        grid=(B,),
        in_specs=[
            pl.BlockSpec((1, 3, N), lambda b: (b, 0, 0)),
            pl.BlockSpec((1, S, 1), lambda b: (b, 0, 0)),
        ],
        out_specs=[
            pl.BlockSpec((1, S, K), lambda b: (b, 0, 0)),
            pl.BlockSpec((1, S, 3), lambda b: (b, 0, 0)),
        ],
        out_shape=[
            jax.ShapeDtypeStruct((B, S, K), _i32),
            jax.ShapeDtypeStruct((B, S, 3), _f32),
        ],
        compiler_params=pltpu.CompilerParams(
            dimension_semantics=("parallel",)),
    )(xyzT, fps_col)


def _sc_gather(table, idx, C):
    M = idx.shape[0]
    info = plsc.get_sparse_core_info()
    NW = info.num_cores * info.num_subcores
    per_w = M // NW
    SUB = 128
    n_sub = per_w // SUB
    mesh = plsc.VectorSubcoreMesh(core_axis_name="c", subcore_axis_name="s")

    @functools.partial(
        pl.kernel, mesh=mesh,
        out_type=jax.ShapeDtypeStruct((M, C), _f32),
        scratch_types=[
            pltpu.VMEM((SUB,), _i32),
            pltpu.VMEM((SUB, C), _f32),
            pltpu.SemaphoreType.DMA,
        ],
    )
    def k(table_hbm, idx_hbm, out_hbm, idx_v, rows_v, sem):
        wid = lax.axis_index("s") * info.num_cores + lax.axis_index("c")
        base = wid * per_w

        def body(i, carry):
            off = base + i * SUB
            pltpu.sync_copy(idx_hbm.at[pl.ds(off, SUB)], idx_v)
            pltpu.async_copy(table_hbm.at[idx_v], rows_v, sem).wait()
            pltpu.sync_copy(rows_v, out_hbm.at[pl.ds(off, SUB)])
            return carry

        lax.fori_loop(0, n_sub, body, 0)

    return k(table, idx)


def _feat_mm(x, W):
    B, N, F = x.shape
    C = W.shape[1]

    def body(x_ref, w_ref, o_ref):
        o_ref[...] = jnp.dot(x_ref[0], w_ref[...],
                             preferred_element_type=_f32)[None]

    return _pcall(
        body,
        grid=(B,),
        in_specs=[pl.BlockSpec((1, N, F), lambda b: (b, 0, 0)),
                  pl.BlockSpec((F, C), lambda b: (0, 0))],
        out_specs=pl.BlockSpec((1, N, C), lambda b: (b, 0, 0)),
        out_shape=jax.ShapeDtypeStruct((B, N, C), _f32),
        compiler_params=pltpu.CompilerParams(
            dimension_semantics=("parallel",)),
    )(x, W)


def _rel_mm(gf, gx, cent_flat, Cout, W3, b, CH):
    B, R, PAD = gf.shape
    NC = R // CH

    def body(gf_ref, gx_ref, c_ref, w_ref, b_ref, y_ref, s_ref, ss_ref):
        c = pl.program_id(1)
        rel = gx_ref[0][:, :3] - c_ref[0]
        y = (jnp.dot(rel, w_ref[...], preferred_element_type=_f32)
             + gf_ref[0][:, :Cout]) + b_ref[...]
        y_ref[...] = y[None]
        sv = jnp.sum(y, axis=0, keepdims=True)[None]
        sq = jnp.sum(y * y, axis=0, keepdims=True)[None]

        @pl.when(c == 0)
        def _():
            s_ref[...] = sv
            ss_ref[...] = sq

        @pl.when(c != 0)
        def _():
            s_ref[...] = s_ref[...] + sv
            ss_ref[...] = ss_ref[...] + sq

    return _pcall(
        body,
        grid=(B, NC),
        in_specs=[
            pl.BlockSpec((1, CH, PAD), lambda bb, cc: (bb, cc, 0)),
            pl.BlockSpec((1, CH, 128), lambda bb, cc: (bb, cc, 0)),
            pl.BlockSpec((1, CH, 3), lambda bb, cc: (bb, cc, 0)),
            pl.BlockSpec((3, Cout), lambda bb, cc: (0, 0)),
            pl.BlockSpec((1, Cout), lambda bb, cc: (0, 0)),
        ],
        out_specs=[
            pl.BlockSpec((1, CH, Cout), lambda bb, cc: (bb, cc, 0)),
            pl.BlockSpec((1, 1, Cout), lambda bb, cc: (bb, 0, 0)),
            pl.BlockSpec((1, 1, Cout), lambda bb, cc: (bb, 0, 0)),
        ],
        out_shape=[
            jax.ShapeDtypeStruct((B, R, Cout), _f32),
            jax.ShapeDtypeStruct((B, 1, Cout), _f32),
            jax.ShapeDtypeStruct((B, 1, Cout), _f32),
        ],
        compiler_params=pltpu.CompilerParams(
            dimension_semantics=("parallel", "arbitrary")),
    )(gf, gx, cent_flat, W3, b)


def _bn_mm(y, mean, rstd, gamma, beta, W, b, CH):
    B, R, Cin = y.shape
    Cout = W.shape[1]
    NC = R // CH

    def body(y_ref, m_ref, r_ref, g_ref, e_ref, w_ref, b_ref,
             o_ref, s_ref, ss_ref):
        c = pl.program_id(1)
        x = y_ref[0]
        h = (x - m_ref[...]) * r_ref[...] * g_ref[...] + e_ref[...]
        h = jnp.maximum(h, 0.0)
        y2 = jnp.dot(h, w_ref[...], preferred_element_type=_f32) + b_ref[...]
        o_ref[...] = y2[None]
        sv = jnp.sum(y2, axis=0, keepdims=True)[None]
        sq = jnp.sum(y2 * y2, axis=0, keepdims=True)[None]

        @pl.when(c == 0)
        def _():
            s_ref[...] = sv
            ss_ref[...] = sq

        @pl.when(c != 0)
        def _():
            s_ref[...] = s_ref[...] + sv
            ss_ref[...] = ss_ref[...] + sq

    return _pcall(
        body,
        grid=(B, NC),
        in_specs=[
            pl.BlockSpec((1, CH, Cin), lambda bb, cc: (bb, cc, 0)),
            pl.BlockSpec((1, Cin), lambda bb, cc: (0, 0)),
            pl.BlockSpec((1, Cin), lambda bb, cc: (0, 0)),
            pl.BlockSpec((1, Cin), lambda bb, cc: (0, 0)),
            pl.BlockSpec((1, Cin), lambda bb, cc: (0, 0)),
            pl.BlockSpec((Cin, Cout), lambda bb, cc: (0, 0)),
            pl.BlockSpec((1, Cout), lambda bb, cc: (0, 0)),
        ],
        out_specs=[
            pl.BlockSpec((1, CH, Cout), lambda bb, cc: (bb, cc, 0)),
            pl.BlockSpec((1, 1, Cout), lambda bb, cc: (bb, 0, 0)),
            pl.BlockSpec((1, 1, Cout), lambda bb, cc: (bb, 0, 0)),
        ],
        out_shape=[
            jax.ShapeDtypeStruct((B, R, Cout), _f32),
            jax.ShapeDtypeStruct((B, 1, Cout), _f32),
            jax.ShapeDtypeStruct((B, 1, Cout), _f32),
        ],
        compiler_params=pltpu.CompilerParams(
            dimension_semantics=("parallel", "arbitrary")),
    )(y, mean, rstd, gamma, beta, W, b)


def _bn_pool(y, mean, rstd, gamma, beta, S, K):
    B, R, C = y.shape

    def body(y_ref, m_ref, r_ref, g_ref, e_ref, o_ref):
        x = y_ref[0]
        h = (x - m_ref[...]) * r_ref[...] * g_ref[...] + e_ref[...]
        h = jnp.maximum(h, 0.0)
        o_ref[...] = jnp.max(h.reshape(S, K, C), axis=1)[None]

    return _pcall(
        body,
        grid=(B,),
        in_specs=[
            pl.BlockSpec((1, R, C), lambda bb: (bb, 0, 0)),
            pl.BlockSpec((1, C), lambda bb: (0, 0)),
            pl.BlockSpec((1, C), lambda bb: (0, 0)),
            pl.BlockSpec((1, C), lambda bb: (0, 0)),
            pl.BlockSpec((1, C), lambda bb: (0, 0)),
        ],
        out_specs=pl.BlockSpec((1, S, C), lambda bb: (bb, 0, 0)),
        out_shape=jax.ShapeDtypeStruct((B, S, C), _f32),
        compiler_params=pltpu.CompilerParams(
            dimension_semantics=("parallel",)),
    )(y, mean, rstd, gamma, beta)


def _tail(nx2, f2, sa3, head):
    B, S, _ = nx2.shape
    (w1, b1, g1, e1), (w2, b2, g2, e2), (w3, b3, g3, e3) = sa3
    (h1w, h1b, h1g, h1e), (h2w, h2b, h2g, h2e), (h3w, h3b, _, _) = head

    def bn_all(ymat):
        mean = jnp.mean(ymat, axis=0, keepdims=True)
        var = jnp.mean((ymat - mean) * (ymat - mean), axis=0, keepdims=True)
        return mean, lax.rsqrt(var + 1e-5)

    def body(nx_ref, f_ref,
             w1_ref, b1_ref, g1_ref, e1_ref,
             w2_ref, b2_ref, g2_ref, e2_ref,
             w3_ref, b3_ref, g3_ref, e3_ref,
             h1w_ref, h1b_ref, h1g_ref, h1e_ref,
             h2w_ref, h2b_ref, h2g_ref, h2e_ref,
             h3w_ref, h3b_ref, o_ref):
        g = jnp.concatenate([nx_ref[...], f_ref[...]], axis=2)
        x = g.reshape(B * S, g.shape[2])

        for w_r, b_r, g_r, e_r in (
                (w1_ref, b1_ref, g1_ref, e1_ref),
                (w2_ref, b2_ref, g2_ref, e2_ref),
                (w3_ref, b3_ref, g3_ref, e3_ref)):
            x = jnp.dot(x, w_r[...], preferred_element_type=_f32) + b_r[...]
            mean, rstd = bn_all(x)
            x = jnp.maximum((x - mean) * rstd * g_r[...] + e_r[...], 0.0)

        x = jnp.max(x.reshape(B, S, x.shape[1]), axis=1)

        for w_r, b_r, g_r, e_r in (
                (h1w_ref, h1b_ref, h1g_ref, h1e_ref),
                (h2w_ref, h2b_ref, h2g_ref, h2e_ref)):
            x = jnp.dot(x, w_r[...], preferred_element_type=_f32) + b_r[...]
            mean, rstd = bn_all(x)
            x = (x - mean) * rstd * g_r[...] + e_r[...]

        x = jnp.dot(x, h3w_ref[...], preferred_element_type=_f32) + h3b_ref[...]
        x = x - jnp.max(x, axis=1, keepdims=True)
        x = x - jnp.log(jnp.sum(jnp.exp(x), axis=1, keepdims=True))
        o_ref[...] = x

    args = (nx2, f2,
            w1, b1.reshape(1, -1), g1.reshape(1, -1), e1.reshape(1, -1),
            w2, b2.reshape(1, -1), g2.reshape(1, -1), e2.reshape(1, -1),
            w3, b3.reshape(1, -1), g3.reshape(1, -1), e3.reshape(1, -1),
            h1w, h1b.reshape(1, -1), h1g.reshape(1, -1), h1e.reshape(1, -1),
            h2w, h2b.reshape(1, -1), h2g.reshape(1, -1), h2e.reshape(1, -1),
            h3w, h3b.reshape(1, -1))
    return _pcall(
        body,
        out_shape=jax.ShapeDtypeStruct((B, h3w.shape[1]), _f32),
    )(*args)


def _stats(s, ss, n):
    tot = jnp.sum(s, axis=0)
    tot2 = jnp.sum(ss, axis=0)
    mean = tot / n
    var = tot2 / n - mean * mean
    return mean, lax.rsqrt(var + 1e-5)


def _sa_stage(pts_xyz, pts_feats, layers, npoint, K, CH):
    B, N, _ = pts_xyz.shape
    fps_idx = _fps(pts_xyz, npoint)
    knn, new_xyz = _knn(pts_xyz.transpose(0, 2, 1),
                        fps_idx.reshape(B, npoint, 1), npoint, K)
    R = npoint * K
    cent = jnp.broadcast_to(new_xyz[:, :, None, :],
                            (B, npoint, K, 3)).reshape(B, R, 3)

    (w1, b1, g1, e1) = layers[0]
    gidx = (knn.reshape(B, R)
            + (jnp.arange(B, dtype=_i32) * N)[:, None]).reshape(B * R)
    pfw = _feat_mm(pts_feats, w1[3:])
    Cout = pfw.shape[2]
    PAD = ((Cout + 127) // 128) * 128
    ftab = pfw if PAD == Cout else jnp.concatenate(
        [pfw, jnp.zeros((B, N, PAD - Cout), _f32)], axis=2)
    xtab = jnp.concatenate(
        [pts_xyz, jnp.zeros((B, N, 125), _f32)], axis=2)
    gf = _sc_gather(ftab.reshape(B * N, PAD), gidx, PAD)
    gx = _sc_gather(xtab.reshape(B * N, 128), gidx, 128)
    y, s, ss = _rel_mm(gf.reshape(B, R, PAD), gx.reshape(B, R, 128),
                       cent, Cout, w1[:3], b1.reshape(1, -1), CH)
    n = B * R
    for (w, b, g, e) in layers[1:]:
        mean, rstd = _stats(s, ss, n)
        prev_g, prev_e = g1, e1
        y, s, ss = _bn_mm(y, mean, rstd, prev_g.reshape(1, -1),
                          prev_e.reshape(1, -1), w, b.reshape(1, -1), CH)
        g1, e1 = g, e
    mean, rstd = _stats(s, ss, n)
    pooled = _bn_pool(y, mean, rstd, g1.reshape(1, -1), e1.reshape(1, -1),
                      npoint, K)
    return new_xyz, pooled


def kernel(xyz, normals, params):
    sa = params['sa']
    head = params['head']
    nx1, f1 = _sa_stage(xyz, normals, sa[0], npoint=512, K=32, CH=2048)
    nx2, f2 = _sa_stage(nx1, f1, sa[1], npoint=128, K=64, CH=2048)
    return _tail(nx2, f2, sa[2], head)

# --- scband reference (transcript-rebuilt; emitter-appended) ---
"""Pipeline reference for scband-pointnet-pp-cls-81716047774104 (READ-ONLY COPY).

The authoritative reference and input builder live on the scoring server;
editing this copy changes nothing except your own understanding.
"""

import jax, jax.numpy as jnp
import numpy as np

SA_CONFIGS = [
    dict(npoint=512, nsample=32, in_channel=6, mlp=[64, 64, 128], group_all=False),
    dict(npoint=128, nsample=64, in_channel=131, mlp=[128, 128, 256], group_all=False),
    dict(npoint=1, nsample=128, in_channel=259, mlp=[256, 512, 1024], group_all=True),
]
HEAD_CONFIGS = [
    dict(in_channel=1024, out_channel=512, bn=True),
    dict(in_channel=512, out_channel=256, bn=True),
    dict(in_channel=256, out_channel=40, bn=False),
]


def square_distance(src, dst):
    d = -2.0 * jnp.einsum('bmc,bnc->bmn', src, dst)
    d = d + jnp.sum(src * src, -1)[:, :, None] + jnp.sum(dst * dst, -1)[:, None, :]
    return d


def index_points(points, idx):
    B = points.shape[0]
    if idx.ndim == 2:
        return jnp.take_along_axis(points, idx[:, :, None], axis=1)
    S, K = idx.shape[1], idx.shape[2]
    flat = idx.reshape(B, S * K)
    g = jnp.take_along_axis(points, flat[:, :, None], axis=1)
    return g.reshape(B, S, K, points.shape[-1])


def farthest_point_sample(xyz, npoint):
    B, N, _ = xyz.shape

    def body(i, state):
        dists, farthest, idxs = state
        idxs = idxs.at[:, i].set(farthest)
        centroid = jnp.take_along_axis(xyz, farthest[:, None, None], axis=1)
        d = jnp.sum((xyz - centroid) ** 2, axis=-1)
        dists = jnp.minimum(dists, d)
        farthest = jnp.argmax(dists, axis=-1).astype(jnp.int32)
        return dists, farthest, idxs

    dists = jnp.full((B, N), 1e10, dtype=xyz.dtype)
    farthest = jnp.zeros((B,), dtype=jnp.int32)
    idxs = jnp.zeros((B, npoint), dtype=jnp.int32)
    _, _, idxs = jax.lax.fori_loop(0, npoint, body, (dists, farthest, idxs))
    return idxs


def mlp_bn_relu(x, layers):
    for (W, b, gamma, beta) in layers:
        x = jnp.matmul(x, W) + b
        axes = tuple(range(x.ndim - 1))
        mean = jnp.mean(x, axis=axes, keepdims=True)
        var = jnp.var(x, axis=axes, keepdims=True)
        x = (x - mean) * jax.lax.rsqrt(var + 1e-5) * gamma + beta
        x = jax.nn.relu(x)
    return x


def sa_layer(xyz, feats, cfg, layers):
    B = xyz.shape[0]
    if cfg['group_all']:
        new_xyz = jnp.zeros((B, 1, 3), dtype=xyz.dtype)
        grouped = xyz[:, None, :, :]
        if feats is not None:
            grouped = jnp.concatenate([grouped, feats[:, None, :, :]], axis=-1)
    else:
        fps_idx = farthest_point_sample(jax.lax.stop_gradient(xyz), cfg['npoint'])
        new_xyz = index_points(xyz, fps_idx)
        d = square_distance(jax.lax.stop_gradient(new_xyz), jax.lax.stop_gradient(xyz))
        _, knn_idx = jax.lax.top_k(-d, cfg['nsample'])
        grouped_xyz = index_points(xyz, knn_idx) - new_xyz[:, :, None, :]
        grouped = grouped_xyz
        if feats is not None:
            grouped = jnp.concatenate([grouped_xyz, index_points(feats, knn_idx)], axis=-1)
    x = mlp_bn_relu(grouped, layers)
    return new_xyz, jnp.max(x, axis=2)


def forward(xyz, normals, params):
    B = xyz.shape[0]
    feats = normals
    for cfg, layers in zip(SA_CONFIGS, params['sa']):
        xyz, feats = sa_layer(xyz, feats, cfg, layers)
    x = feats.reshape(B, -1)
    for (W, b, gamma, beta) in params['head']:
        x = jnp.matmul(x, W) + b
        if gamma is not None:
            mean = jnp.mean(x, axis=0, keepdims=True)
            var = jnp.var(x, axis=0, keepdims=True)
            x = (x - mean) * jax.lax.rsqrt(var + 1e-5) * gamma + beta
    return jax.nn.log_softmax(x, axis=-1)


def _init_params(key):
    sa = []
    for cfg in SA_CONFIGS:
        in_c = cfg['in_channel']
        layers = []
        for c in cfg['mlp']:
            key, k1 = jax.random.split(key)
            W = jax.random.normal(k1, (in_c, c), dtype=jnp.float32) * np.sqrt(2.0 / in_c)
            layers.append((W, jnp.zeros((c,), jnp.float32), jnp.ones((c,), jnp.float32), jnp.zeros((c,), jnp.float32)))
            in_c = c
        sa.append(layers)
    head = []
    for cfg in HEAD_CONFIGS:
        key, k1 = jax.random.split(key)
        W = jax.random.normal(k1, (cfg['in_channel'], cfg['out_channel']), dtype=jnp.float32) * np.sqrt(1.0 / cfg['in_channel'])
        b = jnp.zeros((cfg['out_channel'],), jnp.float32)
        if cfg['bn']:
            head.append((W, b, jnp.ones((cfg['out_channel'],), jnp.float32), jnp.zeros((cfg['out_channel'],), jnp.float32)))
        else:
            head.append((W, b, None, None))
    return {'sa': sa, 'head': head}


def setup_inputs(seed: int = 0):
    key = jax.random.key(seed)
    k1, k2, k3 = jax.random.split(key, 3)
    xyz = jax.random.normal(k1, (16, 2048, 3), dtype=jnp.float32)
    normals = jax.random.normal(k2, (16, 2048, 3), dtype=jnp.float32)
    params = _init_params(k3)
    return {'xyz': xyz, 'normals': normals, 'params': params}


def reference(xyz, normals, params):
    return forward(xyz, normals, params)

if __name__ == "__main__":
    import jax
    _d = setup_inputs()
    print(jax.jit(kernel)(*tuple(_d.values())))

</pallas_src>

<mosaic_0001>
#map = affine_map<(d0, d1) -> (0, 0)>
#map1 = affine_map<(d0, d1) -> (0)>
module attributes {stable_mosaic.version = 14 : i64} {
  func.func @k(%arg0: i32, %arg1: i32, %arg2: memref<8192x128xf32, #tpu.memory_space<hbm>>, %arg3: memref<131072xi32, #tpu.memory_space<hbm>>, %arg4: memref<131072x128xf32, #tpu.memory_space<hbm>>, %arg5: memref<128xi32, #tpu.memory_space<vmem>>, %arg6: memref<128x128xf32, #tpu.memory_space<vmem>>, %arg7: memref<!tpu.dma_semaphore, #tpu.memory_space<semaphore_mem>>) attributes {dimension_semantics = [#tpu.dimension_semantics<core_parallel>, #tpu.dimension_semantics<subcore_parallel>], iteration_bounds = array<i64: 2, 16>, scalar_prefetch = 0 : i64, scratch_operands = 3 : i64, tpu.core_type = #tpu.core_type<sc_vector_subcore>, window_params = [{transform_indices = #map}, {transform_indices = #map1}, {transform_indices = #map}]} {
    %mul3A = arith.constant 2 : i32
    %mul3A_0 = arith.muli %arg1, %mul3A : i32
    %add3A = arith.addi %mul3A_0, %arg0 : i32
    %mul3A_1 = arith.constant 4096 : i32
    %mul3A_2 = arith.muli %add3A, %mul3A_1 : i32
    %scan3A = arith.constant 0 : i32
    %scan3A_3 = arith.constant 0 : i32
    %scan3A_4 = arith.constant 32 : i32
    %scan3A_5 = arith.addi %scan3A_3, %scan3A_4 : i32
    %scan3A_6 = arith.constant 1 : i32
    scf.for %scan3A_8 = %scan3A_3 to %scan3A_5 step %scan3A_6  : i32 {
      %mul3A_9 = arith.constant 128 : i32
      %mul3A_10 = arith.muli %scan3A_8, %mul3A_9 : i32
      %add3A_11 = arith.addi %mul3A_2, %mul3A_10 : i32
      "tpu.region"() ({
        %run_scoped3A = tpu.sem_alloc : memref<!tpu.dma_semaphore, #tpu.memory_space<semaphore_mem>>
        %dma_start3A_16 = tpu.memref_slice %arg3[%add3A_11] : memref<131072xi32, #tpu.memory_space<hbm>> -> memref<128xi32, #tpu.memory_space<hbm>>
        %dma_start3A_17 = tpu.memref_slice %arg3[%add3A_11] : memref<131072xi32, #tpu.memory_space<hbm>> -> memref<128xi32, #tpu.memory_space<hbm>>
        tpu.enqueue_dma source(%dma_start3A_17 : memref<128xi32, #tpu.memory_space<hbm>>) target(%arg5 : memref<128xi32, #tpu.memory_space<vmem>>) target_semaphore(%run_scoped3A : memref<!tpu.dma_semaphore, #tpu.memory_space<semaphore_mem>>)
        %dma_wait3A_18 = tpu.memref_slice %arg3[%add3A_11] : memref<131072xi32, #tpu.memory_space<hbm>> -> memref<128xi32, #tpu.memory_space<hbm>>
        %dma_wait3A_19 = tpu.memref_slice %arg3[%add3A_11] : memref<131072xi32, #tpu.memory_space<hbm>> -> memref<128xi32, #tpu.memory_space<hbm>>
        tpu.wait_dma2 semaphore(%run_scoped3A : memref<!tpu.dma_semaphore, #tpu.memory_space<semaphore_mem>>) src(%dma_wait3A_19 : memref<128xi32, #tpu.memory_space<hbm>>) dst(%arg5 : memref<128xi32, #tpu.memory_space<vmem>>)
        tpu.yield
      }) : () -> ()
      %dma_start3A = arith.constant 0 : i32
      %dma_start3A_12 = arith.constant 0 : i32
      %dma_start3A_13 = tpu.memref_slice %arg2[%dma_start3A, %dma_start3A_12] : memref<8192x128xf32, #tpu.memory_space<hbm>> -> memref<8192x128xf32, #tpu.memory_space<hbm>>
      tpu.enqueue_indirect_dma source(%dma_start3A_13 : memref<8192x128xf32, #tpu.memory_space<hbm>>) target(%arg6 : memref<128x128xf32, #tpu.memory_space<vmem>>) offsets(%arg5 : memref<128xi32, #tpu.memory_space<vmem>>) semaphore(%arg7 : memref<!tpu.dma_semaphore, #tpu.memory_space<semaphore_mem>>)
      %dma_wait3A = arith.constant 0 : i32
      %dma_wait3A_14 = arith.constant 0 : i32
      %dma_wait3A_15 = tpu.memref_slice %arg2[%dma_wait3A, %dma_wait3A_14] : memref<8192x128xf32, #tpu.memory_space<hbm>> -> memref<8192x128xf32, #tpu.memory_space<hbm>>
      tpu.wait_indirect_dma semaphore(%arg7 : memref<!tpu.dma_semaphore, #tpu.memory_space<semaphore_mem>>) src(%dma_wait3A_15 : memref<8192x128xf32, #tpu.memory_space<hbm>>) dst(%arg6 : memref<128x128xf32, #tpu.memory_space<vmem>>)
      "tpu.region"() ({
        %run_scoped3A = tpu.sem_alloc : memref<!tpu.dma_semaphore, #tpu.memory_space<semaphore_mem>>
        %dma_start3A_16 = arith.constant 0 : i32
        %dma_start3A_17 = tpu.memref_slice %arg4[%add3A_11, %dma_start3A_16] : memref<131072x128xf32, #tpu.memory_space<hbm>> -> memref<128x128xf32, #tpu.memory_space<hbm>>
        %dma_start3A_18 = arith.constant 0 : i32
        %dma_start3A_19 = tpu.memref_slice %arg4[%add3A_11, %dma_start3A_18] : memref<131072x128xf32, #tpu.memory_space<hbm>> -> memref<128x128xf32, #tpu.memory_space<hbm>>
        tpu.enqueue_dma source(%arg6 : memref<128x128xf32, #tpu.memory_space<vmem>>) target(%dma_start3A_19 : memref<128x128xf32, #tpu.memory_space<hbm>>) target_semaphore(%run_scoped3A : memref<!tpu.dma_semaphore, #tpu.memory_space<semaphore_mem>>)
        %dma_wait3A_20 = arith.constant 0 : i32
        %dma_wait3A_21 = tpu.memref_slice %arg4[%add3A_11, %dma_wait3A_20] : memref<131072x128xf32, #tpu.memory_space<hbm>> -> memref<128x128xf32, #tpu.memory_space<hbm>>
        %dma_wait3A_22 = arith.constant 0 : i32
        %dma_wait3A_23 = tpu.memref_slice %arg4[%add3A_11, %dma_wait3A_22] : memref<131072x128xf32, #tpu.memory_space<hbm>> -> memref<128x128xf32, #tpu.memory_space<hbm>>
        tpu.wait_dma2 semaphore(%run_scoped3A : memref<!tpu.dma_semaphore, #tpu.memory_space<semaphore_mem>>) src(%arg6 : memref<128x128xf32, #tpu.memory_space<vmem>>) dst(%dma_wait3A_23 : memref<128x128xf32, #tpu.memory_space<hbm>>)
        tpu.yield
      }) : () -> ()
    }
    %scan3A_7 = arith.constant 32 : i32
    return
  }
}

#map = affine_map<(d0, d1) -> (0, 0)>
#map1 = affine_map<(d0, d1) -> (0)>
module attributes {stable_mosaic.version = 14 : i64} {
  func.func @k(%arg0: i32, %arg1: i32, %arg2: memref<32768x128xf32, #tpu.memory_space<hbm>>, %arg3: memref<262144xi32, #tpu.memory_space<hbm>>, %arg4: memref<262144x128xf32, #tpu.memory_space<hbm>>, %arg5: memref<128xi32, #tpu.memory_space<vmem>>, %arg6: memref<128x128xf32, #tpu.memory_space<vmem>>, %arg7: memref<!tpu.dma_semaphore, #tpu.memory_space<semaphore_mem>>) attributes {dimension_semantics = [#tpu.dimension_semantics<core_parallel>, #tpu.dimension_semantics<subcore_parallel>], iteration_bounds = array<i64: 2, 16>, scalar_prefetch = 0 : i64, scratch_operands = 3 : i64, tpu.core_type = #tpu.core_type<sc_vector_subcore>, window_params = [{transform_indices = #map}, {transform_indices = #map1}, {transform_indices = #map}]} {
    %mul3A = arith.constant 2 : i32
    %mul3A_0 = arith.muli %arg1, %mul3A : i32
    %add3A = arith.addi %mul3A_0, %arg0 : i32
    %mul3A_1 = arith.constant 8192 : i32
    %mul3A_2 = arith.muli %add3A, %mul3A_1 : i32
    %scan3A = arith.constant 0 : i32
    %scan3A_3 = arith.constant 0 : i32
    %scan3A_4 = arith.constant 64 : i32
    %scan3A_5 = arith.addi %scan3A_3, %scan3A_4 : i32
    %scan3A_6 = arith.constant 1 : i32
    scf.for %scan3A_8 = %scan3A_3 to %scan3A_5 step %scan3A_6  : i32 {
      %mul3A_9 = arith.constant 128 : i32
      %mul3A_10 = arith.muli %scan3A_8, %mul3A_9 : i32
      %add3A_11 = arith.addi %mul3A_2, %mul3A_10 : i32
      "tpu.region"() ({
        %run_scoped3A = tpu.sem_alloc : memref<!tpu.dma_semaphore, #tpu.memory_space<semaphore_mem>>
        %dma_start3A_16 = tpu.memref_slice %arg3[%add3A_11] : memref<262144xi32, #tpu.memory_space<hbm>> -> memref<128xi32, #tpu.memory_space<hbm>>
        %dma_start3A_17 = tpu.memref_slice %arg3[%add3A_11] : memref<262144xi32, #tpu.memory_space<hbm>> -> memref<128xi32, #tpu.memory_space<hbm>>
        tpu.enqueue_dma source(%dma_start3A_17 : memref<128xi32, #tpu.memory_space<hbm>>) target(%arg5 : memref<128xi32, #tpu.memory_space<vmem>>) target_semaphore(%run_scoped3A : memref<!tpu.dma_semaphore, #tpu.memory_space<semaphore_mem>>)
        %dma_wait3A_18 = tpu.memref_slice %arg3[%add3A_11] : memref<262144xi32, #tpu.memory_space<hbm>> -> memref<128xi32, #tpu.memory_space<hbm>>
        %dma_wait3A_19 = tpu.memref_slice %arg3[%add3A_11] : memref<262144xi32, #tpu.memory_space<hbm>> -> memref<128xi32, #tpu.memory_space<hbm>>
        tpu.wait_dma2 semaphore(%run_scoped3A : memref<!tpu.dma_semaphore, #tpu.memory_space<semaphore_mem>>) src(%dma_wait3A_19 : memref<128xi32, #tpu.memory_space<hbm>>) dst(%arg5 : memref<128xi32, #tpu.memory_space<vmem>>)
        tpu.yield
      }) : () -> ()
      %dma_start3A = arith.constant 0 : i32
      %dma_start3A_12 = arith.constant 0 : i32
      %dma_start3A_13 = tpu.memref_slice %arg2[%dma_start3A, %dma_start3A_12] : memref<32768x128xf32, #tpu.memory_space<hbm>> -> memref<32768x128xf32, #tpu.memory_space<hbm>>
      tpu.enqueue_indirect_dma source(%dma_start3A_13 : memref<32768x128xf32, #tpu.memory_space<hbm>>) target(%arg6 : memref<128x128xf32, #tpu.memory_space<vmem>>) offsets(%arg5 : memref<128xi32, #tpu.memory_space<vmem>>) semaphore(%arg7 : memref<!tpu.dma_semaphore, #tpu.memory_space<semaphore_mem>>)
      %dma_wait3A = arith.constant 0 : i32
      %dma_wait3A_14 = arith.constant 0 : i32
      %dma_wait3A_15 = tpu.memref_slice %arg2[%dma_wait3A, %dma_wait3A_14] : memref<32768x128xf32, #tpu.memory_space<hbm>> -> memref<32768x128xf32, #tpu.memory_space<hbm>>
      tpu.wait_indirect_dma semaphore(%arg7 : memref<!tpu.dma_semaphore, #tpu.memory_space<semaphore_mem>>) src(%dma_wait3A_15 : memref<32768x128xf32, #tpu.memory_space<hbm>>) dst(%arg6 : memref<128x128xf32, #tpu.memory_space<vmem>>)
      "tpu.region"() ({
        %run_scoped3A = tpu.sem_alloc : memref<!tpu.dma_semaphore, #tpu.memory_space<semaphore_mem>>
        %dma_start3A_16 = arith.constant 0 : i32
        %dma_start3A_17 = tpu.memref_slice %arg4[%add3A_11, %dma_start3A_16] : memref<262144x128xf32, #tpu.memory_space<hbm>> -> memref<128x128xf32, #tpu.memory_space<hbm>>
        %dma_start3A_18 = arith.constant 0 : i32
        %dma_start3A_19 = tpu.memref_slice %arg4[%add3A_11, %dma_start3A_18] : memref<262144x128xf32, #tpu.memory_space<hbm>> -> memref<128x128xf32, #tpu.memory_space<hbm>>
        tpu.enqueue_dma source(%arg6 : memref<128x128xf32, #tpu.memory_space<vmem>>) target(%dma_start3A_19 : memref<128x128xf32, #tpu.memory_space<hbm>>) target_semaphore(%run_scoped3A : memref<!tpu.dma_semaphore, #tpu.memory_space<semaphore_mem>>)
        %dma_wait3A_20 = arith.constant 0 : i32
        %dma_wait3A_21 = tpu.memref_slice %arg4[%add3A_11, %dma_wait3A_20] : memref<262144x128xf32, #tpu.memory_space<hbm>> -> memref<128x128xf32, #tpu.memory_space<hbm>>
        %dma_wait3A_22 = arith.constant 0 : i32
        %dma_wait3A_23 = tpu.memref_slice %arg4[%add3A_11, %dma_wait3A_22] : memref<262144x128xf32, #tpu.memory_space<hbm>> -> memref<128x128xf32, #tpu.memory_space<hbm>>
        tpu.wait_dma2 semaphore(%run_scoped3A : memref<!tpu.dma_semaphore, #tpu.memory_space<semaphore_mem>>) src(%arg6 : memref<128x128xf32, #tpu.memory_space<vmem>>) dst(%dma_wait3A_23 : memref<128x128xf32, #tpu.memory_space<hbm>>)
        tpu.yield
      }) : () -> ()
    }
    %scan3A_7 = arith.constant 64 : i32
    return
  }
}

#map = affine_map<(d0, d1) -> (0, 0)>
#map1 = affine_map<(d0, d1) -> (0)>
module attributes {stable_mosaic.version = 14 : i64} {
  func.func @k(%arg0: i32, %arg1: i32, %arg2: memref<8192x128xf32, #tpu.memory_space<hbm>>, %arg3: memref<131072xi32, #tpu.memory_space<hbm>>, %arg4: memref<131072x128xf32, #tpu.memory_space<hbm>>, %arg5: memref<128xi32, #tpu.memory_space<vmem>>, %arg6: memref<128x128xf32, #tpu.memory_space<vmem>>, %arg7: memref<!tpu.dma_semaphore, #tpu.memory_space<semaphore_mem>>) attributes {dimension_semantics = [#tpu.dimension_semantics<core_parallel>, #tpu.dimension_semantics<subcore_parallel>], iteration_bounds = array<i64: 2, 16>, scalar_prefetch = 0 : i64, scratch_operands = 3 : i64, tpu.core_type = #tpu.core_type<sc_vector_subcore>, window_params = [{transform_indices = #map}, {transform_indices = #map1}, {transform_indices = #map}]} {
    %mul3A = arith.constant 2 : i32
    %mul3A_0 = arith.muli %arg1, %mul3A : i32
    %add3A = arith.addi %mul3A_0, %arg0 : i32
    %mul3A_1 = arith.constant 4096 : i32
    %mul3A_2 = arith.muli %add3A, %mul3A_1 : i32
    %scan3A = arith.constant 0 : i32
    %scan3A_3 = arith.constant 0 : i32
    %scan3A_4 = arith.constant 32 : i32
    %scan3A_5 = arith.addi %scan3A_3, %scan3A_4 : i32
    %scan3A_6 = arith.constant 1 : i32
    scf.for %scan3A_8 = %scan3A_3 to %scan3A_5 step %scan3A_6  : i32 {
      %mul3A_9 = arith.constant 128 : i32
      %mul3A_10 = arith.muli %scan3A_8, %mul3A_9 : i32
      %add3A_11 = arith.addi %mul3A_2, %mul3A_10 : i32
      "tpu.region"() ({
        %run_scoped3A = tpu.sem_alloc : memref<!tpu.dma_semaphore, #tpu.memory_space<semaphore_mem>>
        %dma_start3A_16 = tpu.memref_slice %arg3[%add3A_11] : memref<131072xi32, #tpu.memory_space<hbm>> -> memref<128xi32, #tpu.memory_space<hbm>>
        %dma_start3A_17 = tpu.memref_slice %arg3[%add3A_11] : memref<131072xi32, #tpu.memory_space<hbm>> -> memref<128xi32, #tpu.memory_space<hbm>>
        tpu.enqueue_dma source(%dma_start3A_17 : memref<128xi32, #tpu.memory_space<hbm>>) target(%arg5 : memref<128xi32, #tpu.memory_space<vmem>>) target_semaphore(%run_scoped3A : memref<!tpu.dma_semaphore, #tpu.memory_space<semaphore_mem>>)
        %dma_wait3A_18 = tpu.memref_slice %arg3[%add3A_11] : memref<131072xi32, #tpu.memory_space<hbm>> -> memref<128xi32, #tpu.memory_space<hbm>>
        %dma_wait3A_19 = tpu.memref_slice %arg3[%add3A_11] : memref<131072xi32, #tpu.memory_space<hbm>> -> memref<128xi32, #tpu.memory_space<hbm>>
        tpu.wait_dma2 semaphore(%run_scoped3A : memref<!tpu.dma_semaphore, #tpu.memory_space<semaphore_mem>>) src(%dma_wait3A_19 : memref<128xi32, #tpu.memory_space<hbm>>) dst(%arg5 : memref<128xi32, #tpu.memory_space<vmem>>)
        tpu.yield
      }) : () -> ()
      %dma_start3A = arith.constant 0 : i32
      %dma_start3A_12 = arith.constant 0 : i32
      %dma_start3A_13 = tpu.memref_slice %arg2[%dma_start3A, %dma_start3A_12] : memref<8192x128xf32, #tpu.memory_space<hbm>> -> memref<8192x128xf32, #tpu.memory_space<hbm>>
      tpu.enqueue_indirect_dma source(%dma_start3A_13 : memref<8192x128xf32, #tpu.memory_space<hbm>>) target(%arg6 : memref<128x128xf32, #tpu.memory_space<vmem>>) offsets(%arg5 : memref<128xi32, #tpu.memory_space<vmem>>) semaphore(%arg7 : memref<!tpu.dma_semaphore, #tpu.memory_space<semaphore_mem>>)
      %dma_wait3A = arith.constant 0 : i32
      %dma_wait3A_14 = arith.constant 0 : i32
      %dma_wait3A_15 = tpu.memref_slice %arg2[%dma_wait3A, %dma_wait3A_14] : memref<8192x128xf32, #tpu.memory_space<hbm>> -> memref<8192x128xf32, #tpu.memory_space<hbm>>
      tpu.wait_indirect_dma semaphore(%arg7 : memref<!tpu.dma_semaphore, #tpu.memory_space<semaphore_mem>>) src(%dma_wait3A_15 : memref<8192x128xf32, #tpu.memory_space<hbm>>) dst(%arg6 : memref<128x128xf32, #tpu.memory_space<vmem>>)
      "tpu.region"() ({
        %run_scoped3A = tpu.sem_alloc : memref<!tpu.dma_semaphore, #tpu.memory_space<semaphore_mem>>
        %dma_start3A_16 = arith.constant 0 : i32
        %dma_start3A_17 = tpu.memref_slice %arg4[%add3A_11, %dma_start3A_16] : memref<131072x128xf32, #tpu.memory_space<hbm>> -> memref<128x128xf32, #tpu.memory_space<hbm>>
        %dma_start3A_18 = arith.constant 0 : i32
        %dma_start3A_19 = tpu.memref_slice %arg4[%add3A_11, %dma_start3A_18] : memref<131072x128xf32, #tpu.memory_space<hbm>> -> memref<128x128xf32, #tpu.memory_space<hbm>>
        tpu.enqueue_dma source(%arg6 : memref<128x128xf32, #tpu.memory_space<vmem>>) target(%dma_start3A_19 : memref<128x128xf32, #tpu.memory_space<hbm>>) target_semaphore(%run_scoped3A : memref<!tpu.dma_semaphore, #tpu.memory_space<semaphore_mem>>)
        %dma_wait3A_20 = arith.constant 0 : i32
        %dma_wait3A_21 = tpu.memref_slice %arg4[%add3A_11, %dma_wait3A_20] : memref<131072x128xf32, #tpu.memory_space<hbm>> -> memref<128x128xf32, #tpu.memory_space<hbm>>
        %dma_wait3A_22 = arith.constant 0 : i32
        %dma_wait3A_23 = tpu.memref_slice %arg4[%add3A_11, %dma_wait3A_22] : memref<131072x128xf32, #tpu.memory_space<hbm>> -> memref<128x128xf32, #tpu.memory_space<hbm>>
        tpu.wait_dma2 semaphore(%run_scoped3A : memref<!tpu.dma_semaphore, #tpu.memory_space<semaphore_mem>>) src(%arg6 : memref<128x128xf32, #tpu.memory_space<vmem>>) dst(%dma_wait3A_23 : memref<128x128xf32, #tpu.memory_space<hbm>>)
        tpu.yield
      }) : () -> ()
    }
    %scan3A_7 = arith.constant 32 : i32
    return
  }
}

#map = affine_map<(d0, d1) -> (0, 0)>
#map1 = affine_map<(d0, d1) -> (0)>
module attributes {stable_mosaic.version = 14 : i64} {
  func.func @k(%arg0: i32, %arg1: i32, %arg2: memref<32768x128xf32, #tpu.memory_space<hbm>>, %arg3: memref<262144xi32, #tpu.memory_space<hbm>>, %arg4: memref<262144x128xf32, #tpu.memory_space<hbm>>, %arg5: memref<128xi32, #tpu.memory_space<vmem>>, %arg6: memref<128x128xf32, #tpu.memory_space<vmem>>, %arg7: memref<!tpu.dma_semaphore, #tpu.memory_space<semaphore_mem>>) attributes {dimension_semantics = [#tpu.dimension_semantics<core_parallel>, #tpu.dimension_semantics<subcore_parallel>], iteration_bounds = array<i64: 2, 16>, scalar_prefetch = 0 : i64, scratch_operands = 3 : i64, tpu.core_type = #tpu.core_type<sc_vector_subcore>, window_params = [{transform_indices = #map}, {transform_indices = #map1}, {transform_indices = #map}]} {
    %mul3A = arith.constant 2 : i32
    %mul3A_0 = arith.muli %arg1, %mul3A : i32
    %add3A = arith.addi %mul3A_0, %arg0 : i32
    %mul3A_1 = arith.constant 8192 : i32
    %mul3A_2 = arith.muli %add3A, %mul3A_1 : i32
    %scan3A = arith.constant 0 : i32
    %scan3A_3 = arith.constant 0 : i32
    %scan3A_4 = arith.constant 64 : i32
    %scan3A_5 = arith.addi %scan3A_3, %scan3A_4 : i32
    %scan3A_6 = arith.constant 1 : i32
    scf.for %scan3A_8 = %scan3A_3 to %scan3A_5 step %scan3A_6  : i32 {
      %mul3A_9 = arith.constant 128 : i32
      %mul3A_10 = arith.muli %scan3A_8, %mul3A_9 : i32
      %add3A_11 = arith.addi %mul3A_2, %mul3A_10 : i32
      "tpu.region"() ({
        %run_scoped3A = tpu.sem_alloc : memref<!tpu.dma_semaphore, #tpu.memory_space<semaphore_mem>>
        %dma_start3A_16 = tpu.memref_slice %arg3[%add3A_11] : memref<262144xi32, #tpu.memory_space<hbm>> -> memref<128xi32, #tpu.memory_space<hbm>>
        %dma_start3A_17 = tpu.memref_slice %arg3[%add3A_11] : memref<262144xi32, #tpu.memory_space<hbm>> -> memref<128xi32, #tpu.memory_space<hbm>>
        tpu.enqueue_dma source(%dma_start3A_17 : memref<128xi32, #tpu.memory_space<hbm>>) target(%arg5 : memref<128xi32, #tpu.memory_space<vmem>>) target_semaphore(%run_scoped3A : memref<!tpu.dma_semaphore, #tpu.memory_space<semaphore_mem>>)
        %dma_wait3A_18 = tpu.memref_slice %arg3[%add3A_11] : memref<262144xi32, #tpu.memory_space<hbm>> -> memref<128xi32, #tpu.memory_space<hbm>>
        %dma_wait3A_19 = tpu.memref_slice %arg3[%add3A_11] : memref<262144xi32, #tpu.memory_space<hbm>> -> memref<128xi32, #tpu.memory_space<hbm>>
        tpu.wait_dma2 semaphore(%run_scoped3A : memref<!tpu.dma_semaphore, #tpu.memory_space<semaphore_mem>>) src(%dma_wait3A_19 : memref<128xi32, #tpu.memory_space<hbm>>) dst(%arg5 : memref<128xi32, #tpu.memory_space<vmem>>)
        tpu.yield
      }) : () -> ()
      %dma_start3A = arith.constant 0 : i32
      %dma_start3A_12 = arith.constant 0 : i32
      %dma_start3A_13 = tpu.memref_slice %arg2[%dma_start3A, %dma_start3A_12] : memref<32768x128xf32, #tpu.memory_space<hbm>> -> memref<32768x128xf32, #tpu.memory_space<hbm>>
      tpu.enqueue_indirect_dma source(%dma_start3A_13 : memref<32768x128xf32, #tpu.memory_space<hbm>>) target(%arg6 : memref<128x128xf32, #tpu.memory_space<vmem>>) offsets(%arg5 : memref<128xi32, #tpu.memory_space<vmem>>) semaphore(%arg7 : memref<!tpu.dma_semaphore, #tpu.memory_space<semaphore_mem>>)
      %dma_wait3A = arith.constant 0 : i32
      %dma_wait3A_14 = arith.constant 0 : i32
      %dma_wait3A_15 = tpu.memref_slice %arg2[%dma_wait3A, %dma_wait3A_14] : memref<32768x128xf32, #tpu.memory_space<hbm>> -> memref<32768x128xf32, #tpu.memory_space<hbm>>
      tpu.wait_indirect_dma semaphore(%arg7 : memref<!tpu.dma_semaphore, #tpu.memory_space<semaphore_mem>>) src(%dma_wait3A_15 : memref<32768x128xf32, #tpu.memory_space<hbm>>) dst(%arg6 : memref<128x128xf32, #tpu.memory_space<vmem>>)
      "tpu.region"() ({
        %run_scoped3A = tpu.sem_alloc : memref<!tpu.dma_semaphore, #tpu.memory_space<semaphore_mem>>
        %dma_start3A_16 = arith.constant 0 : i32
        %dma_start3A_17 = tpu.memref_slice %arg4[%add3A_11, %dma_start3A_16] : memref<262144x128xf32, #tpu.memory_space<hbm>> -> memref<128x128xf32, #tpu.memory_space<hbm>>
        %dma_start3A_18 = arith.constant 0 : i32
        %dma_start3A_19 = tpu.memref_slice %arg4[%add3A_11, %dma_start3A_18] : memref<262144x128xf32, #tpu.memory_space<hbm>> -> memref<128x128xf32, #tpu.memory_space<hbm>>
        tpu.enqueue_dma source(%arg6 : memref<128x128xf32, #tpu.memory_space<vmem>>) target(%dma_start3A_19 : memref<128x128xf32, #tpu.memory_space<hbm>>) target_semaphore(%run_scoped3A : memref<!tpu.dma_semaphore, #tpu.memory_space<semaphore_mem>>)
        %dma_wait3A_20 = arith.constant 0 : i32
        %dma_wait3A_21 = tpu.memref_slice %arg4[%add3A_11, %dma_wait3A_20] : memref<262144x128xf32, #tpu.memory_space<hbm>> -> memref<128x128xf32, #tpu.memory_space<hbm>>
        %dma_wait3A_22 = arith.constant 0 : i32
        %dma_wait3A_23 = tpu.memref_slice %arg4[%add3A_11, %dma_wait3A_22] : memref<262144x128xf32, #tpu.memory_space<hbm>> -> memref<128x128xf32, #tpu.memory_space<hbm>>
        tpu.wait_dma2 semaphore(%run_scoped3A : memref<!tpu.dma_semaphore, #tpu.memory_space<semaphore_mem>>) src(%arg6 : memref<128x128xf32, #tpu.memory_space<vmem>>) dst(%dma_wait3A_23 : memref<128x128xf32, #tpu.memory_space<hbm>>)
        tpu.yield
      }) : () -> ()
    }
    %scan3A_7 = arith.constant 64 : i32
    return
  }
}

module attributes {stable_mosaic.version = 14 : i64} {
  func.func @body(%arg0: memref<16x2048xf32, #tpu.memory_space<vmem>>, %arg1: memref<16x2048xf32, #tpu.memory_space<vmem>>, %arg2: memref<16x2048xf32, #tpu.memory_space<vmem>>, %arg3: memref<16x512xi32, #tpu.memory_space<vmem>>) attributes {dimension_semantics = [], scalar_prefetch = 0 : i64, scratch_operands = 0 : i64, tpu.core_type = #tpu.core_type<tc>} {
    %get3A = arith.constant 0 : index
    %get3A_0 = arith.constant 0 : index
    %get3A_1 = vector.load %arg0[%get3A, %get3A_0] : memref<16x2048xf32, #tpu.memory_space<vmem>>, vector<16x2048xf32>
    %get3A_2 = arith.constant 0 : index
    %get3A_3 = arith.constant 0 : index
    %get3A_4 = vector.load %arg1[%get3A_2, %get3A_3] : memref<16x2048xf32, #tpu.memory_space<vmem>>, vector<16x2048xf32>
    %get3A_5 = arith.constant 0 : index
    %get3A_6 = arith.constant 0 : index
    %get3A_7 = vector.load %arg2[%get3A_5, %get3A_6] : memref<16x2048xf32, #tpu.memory_space<vmem>>, vector<16x2048xf32>
    %iota3A = tpu.iota {dimensions = array<i32: 1>} : vector<16x2048xi32>
    %iota3A_8 = tpu.iota {dimensions = array<i32: 1>} : vector<16x512xi32>
    %mul3A = arith.constant 0.000000e+00 : f32
    %mul3A_9 = vector.broadcast %mul3A : f32 to vector<16x2048xf32>
    %mul3A_10 = arith.mulf %get3A_1, %mul3A_9 : vector<16x2048xf32>
    %add3A = arith.constant 1.000000e+10 : f32
    %add3A_11 = vector.broadcast %add3A : f32 to vector<16x2048xf32>
    %add3A_12 = arith.addf %mul3A_10, %add3A_11 : vector<16x2048xf32>
    %mul3A_13 = arith.constant 0.000000e+00 : f32
    %mul3A_14 = vector.broadcast %mul3A_13 : f32 to vector<16x2048xf32>
    %mul3A_15 = arith.mulf %get3A_1, %mul3A_14 : vector<16x2048xf32>
    %reduce_max3A = arith.constant dense<0xFF800000> : vector<16xf32>
    %reduce_max3A_16 = vector.multi_reduction <maximumf>, %mul3A_15, %reduce_max3A [1] : vector<16x2048xf32> to vector<16xf32>
    %broadcast_in_dim3A = vector.shape_cast %reduce_max3A_16 : vector<16xf32> to vector<16x1xf32>
    %convert_element_type3A = arith.fptosi %broadcast_in_dim3A : vector<16x1xf32> to vector<16x1xi32>
    %slice3A = vector.extract_strided_slice %get3A_1 {offsets = [0, 0], sizes = [16, 512], strides = [1, 1]} : vector<16x2048xf32> to vector<16x512xf32>
    %mul3A_17 = arith.constant 0.000000e+00 : f32
    %mul3A_18 = vector.broadcast %mul3A_17 : f32 to vector<16x512xf32>
    %mul3A_19 = arith.mulf %slice3A, %mul3A_18 : vector<16x512xf32>
    %convert_element_type3A_20 = arith.fptosi %mul3A_19 : vector<16x512xf32> to vector<16x512xi32>
    %scan3A = arith.constant 0 : i32
    %scan3A_21 = arith.constant 512 : i32
    %scan3A_22 = arith.addi %scan3A, %scan3A_21 : i32
    %scan3A_23 = arith.constant 1 : i32
    %scan3A_24:3 = scf.for %scan3A_28 = %scan3A to %scan3A_22 step %scan3A_23 iter_args(%scan3A_29 = %add3A_12, %scan3A_30 = %convert_element_type3A, %scan3A_31 = %convert_element_type3A_20) -> (vector<16x2048xf32>, vector<16x1xi32>, vector<16x512xi32>)  : i32 {
      %eq3A = vector.broadcast %scan3A_28 : i32 to vector<16x512xi32>
      %eq3A_32 = arith.cmpi eq, %iota3A_8, %eq3A : vector<16x512xi32>
      %convert_element_type3A_33 = arith.extui %eq3A_32 : vector<16x512xi1> to vector<16x512xi32>
      %broadcast_in_dim3A_34 = vector.shape_cast %scan3A_30 : vector<16x1xi32> to vector<16x1xi32>
      %broadcast_in_dim3A_35 = vector.broadcast %broadcast_in_dim3A_34 : vector<16x1xi32> to vector<16x512xi32>
      %mul3A_36 = arith.muli %convert_element_type3A_33, %broadcast_in_dim3A_35 : vector<16x512xi32>
      %add3A_37 = arith.addi %scan3A_31, %mul3A_36 : vector<16x512xi32>
      %broadcast_in_dim3A_38 = vector.shape_cast %scan3A_30 : vector<16x1xi32> to vector<16x1xi32>
      %broadcast_in_dim3A_39 = vector.broadcast %broadcast_in_dim3A_38 : vector<16x1xi32> to vector<16x2048xi32>
      %eq3A_40 = arith.cmpi eq, %iota3A, %broadcast_in_dim3A_39 : vector<16x2048xi32>
      %jit3A = arith.constant 0.000000e+00 : f32
      %broadcast_in_dim3A_41 = vector.broadcast %jit3A : f32 to vector<16x2048xf32>
      %select_n3A = arith.select %eq3A_40, %get3A_1, %broadcast_in_dim3A_41 : vector<16x2048xi1>, vector<16x2048xf32>
      %reduce_sum3A = arith.constant dense<0.000000e+00> : vector<16xf32>
      %reduce_sum3A_42 = vector.multi_reduction <add>, %select_n3A, %reduce_sum3A [1] : vector<16x2048xf32> to vector<16xf32>
      %broadcast_in_dim3A_43 = vector.shape_cast %reduce_sum3A_42 : vector<16xf32> to vector<16x1xf32>
      %jit3A_44 = arith.constant 0.000000e+00 : f32
      %broadcast_in_dim3A_45 = vector.broadcast %jit3A_44 : f32 to vector<16x2048xf32>
      %select_n3A_46 = arith.select %eq3A_40, %get3A_4, %broadcast_in_dim3A_45 : vector<16x2048xi1>, vector<16x2048xf32>
      %reduce_sum3A_47 = arith.constant dense<0.000000e+00> : vector<16xf32>
      %reduce_sum3A_48 = vector.multi_reduction <add>, %select_n3A_46, %reduce_sum3A_47 [1] : vector<16x2048xf32> to vector<16xf32>
      %broadcast_in_dim3A_49 = vector.shape_cast %reduce_sum3A_48 : vector<16xf32> to vector<16x1xf32>
      %jit3A_50 = arith.constant 0.000000e+00 : f32
      %broadcast_in_dim3A_51 = vector.broadcast %jit3A_50 : f32 to vector<16x2048xf32>
      %select_n3A_52 = arith.select %eq3A_40, %get3A_7, %broadcast_in_dim3A_51 : vector<16x2048xi1>, vector<16x2048xf32>
      %reduce_sum3A_53 = arith.constant dense<0.000000e+00> : vector<16xf32>
      %reduce_sum3A_54 = vector.multi_reduction <add>, %select_n3A_52, %reduce_sum3A_53 [1] : vector<16x2048xf32> to vector<16xf32>
      %broadcast_in_dim3A_55 = vector.shape_cast %reduce_sum3A_54 : vector<16xf32> to vector<16x1xf32>
      %sub3A = vector.broadcast %broadcast_in_dim3A_43 : vector<16x1xf32> to vector<16x2048xf32>
      %sub3A_56 = arith.subf %get3A_1, %sub3A : vector<16x2048xf32>
      %sub3A_57 = vector.broadcast %broadcast_in_dim3A_49 : vector<16x1xf32> to vector<16x2048xf32>
      %sub3A_58 = arith.subf %get3A_4, %sub3A_57 : vector<16x2048xf32>
      %sub3A_59 = vector.broadcast %broadcast_in_dim3A_55 : vector<16x1xf32> to vector<16x2048xf32>
      %sub3A_60 = arith.subf %get3A_7, %sub3A_59 : vector<16x2048xf32>
      %mul3A_61 = arith.mulf %sub3A_56, %sub3A_56 : vector<16x2048xf32>
      %mul3A_62 = arith.mulf %sub3A_58, %sub3A_58 : vector<16x2048xf32>
      %add3A_63 = arith.addf %mul3A_61, %mul3A_62 : vector<16x2048xf32>
      %mul3A_64 = arith.mulf %sub3A_60, %sub3A_60 : vector<16x2048xf32>
      %add3A_65 = arith.addf %add3A_63, %mul3A_64 : vector<16x2048xf32>
      %min3A = arith.minimumf %scan3A_29, %add3A_65 : vector<16x2048xf32>
      %reduce_max3A_66 = arith.constant dense<0xFF800000> : vector<16xf32>
      %reduce_max3A_67 = vector.multi_reduction <maximumf>, %min3A, %reduce_max3A_66 [1] : vector<16x2048xf32> to vector<16xf32>
      %broadcast_in_dim3A_68 = vector.shape_cast %reduce_max3A_67 : vector<16xf32> to vector<16x1xf32>
      %broadcast_in_dim3A_69 = vector.shape_cast %broadcast_in_dim3A_68 : vector<16x1xf32> to vector<16x1xf32>
      %broadcast_in_dim3A_70 = vector.broadcast %broadcast_in_dim3A_69 : vector<16x1xf32> to vector<16x2048xf32>
      %eq3A_71 = arith.cmpf oeq, %min3A, %broadcast_in_dim3A_70 : vector<16x2048xf32>
      %jit3A_72 = arith.constant 2048 : i32
      %broadcast_in_dim3A_73 = vector.broadcast %jit3A_72 : i32 to vector<16x2048xi32>
      %select_n3A_74 = arith.select %eq3A_71, %iota3A, %broadcast_in_dim3A_73 : vector<16x2048xi1>, vector<16x2048xi32>
      %reduce_min3A = arith.constant dense<2147483647> : vector<16xi32>
      %reduce_min3A_75 = vector.multi_reduction <minsi>, %select_n3A_74, %reduce_min3A [1] : vector<16x2048xi32> to vector<16xi32>
      %broadcast_in_dim3A_76 = vector.shape_cast %reduce_min3A_75 : vector<16xi32> to vector<16x1xi32>
      scf.yield %min3A, %broadcast_in_dim3A_76, %add3A_37 : vector<16x2048xf32>, vector<16x1xi32>, vector<16x512xi32>
    }
    %scan3A_25 = arith.constant 512 : i32
    %swap3A = arith.constant 0 : index
    %swap3A_26 = arith.constant 0 : index
    %swap3A_27 = vector.load %arg3[%swap3A, %swap3A_26] : memref<16x512xi32, #tpu.memory_space<vmem>>, vector<16x512xi32>
    tpu.vector_store %arg3[%swap3A, %swap3A_26], %scan3A_24#2 {strides = array<i32>} : memref<16x512xi32, #tpu.memory_space<vmem>>, vector<16x512xi32>,
    return
  }
}

module attributes {stable_mosaic.version = 14 : i64} {
  func.func @body(%arg0: i32, %arg1: memref<1x3x2048xf32, #tpu.memory_space<vmem>>, %arg2: memref<1x512x1xi32, #tpu.memory_space<vmem>>, %arg3: memref<1x512x32xi32, #tpu.memory_space<vmem>>, %arg4: memref<1x512x3xf32, #tpu.memory_space<vmem>>) attributes {dimension_semantics = [#tpu.dimension_semantics<parallel>], iteration_bounds = array<i64: 16>, scalar_prefetch = 0 : i64, scratch_operands = 0 : i64, tpu.core_type = #tpu.core_type<tc>, window_params = [{transform_indices = @transform_0, window_bounds = array<i64: 1, 3, 2048>}, {transform_indices = @transform_1, window_bounds = array<i64: 1, 512, 1>}, {transform_indices = @transform_2, window_bounds = array<i64: 1, 512, 32>}, {transform_indices = @transform_3, window_bounds = array<i64: 1, 512, 3>}]} {
    %get3A = arith.constant 0 : index
    %get3A_0 = arith.constant 0 : index
    %get3A_1 = arith.constant 0 : index
    %get3A_2 = vector.load %arg1[%get3A, %get3A_0, %get3A_1] : memref<1x3x2048xf32, #tpu.memory_space<vmem>>, vector<1x3x2048xf32>
    %get3A_3 = vector.shape_cast %get3A_2 : vector<1x3x2048xf32> to vector<3x2048xf32>
    %slice3A = vector.extract_strided_slice %get3A_3 {offsets = [0, 0], sizes = [1, 2048], strides = [1, 1]} : vector<3x2048xf32> to vector<1x2048xf32>
    %slice3A_4 = vector.extract_strided_slice %get3A_3 {offsets = [1, 0], sizes = [1, 2048], strides = [1, 1]} : vector<3x2048xf32> to vector<1x2048xf32>
    %slice3A_5 = vector.extract_strided_slice %get3A_3 {offsets = [2, 0], sizes = [1, 2048], strides = [1, 1]} : vector<3x2048xf32> to vector<1x2048xf32>
    %get3A_6 = arith.constant 0 : index
    %get3A_7 = arith.constant 0 : index
    %get3A_8 = arith.constant 0 : index
    %get3A_9 = vector.load %arg2[%get3A_6, %get3A_7, %get3A_8] : memref<1x512x1xi32, #tpu.memory_space<vmem>>, vector<1x512x1xi32>
    %get3A_10 = vector.shape_cast %get3A_9 : vector<1x512x1xi32> to vector<512x1xi32>
    %iota3A = tpu.iota {dimensions = array<i32: 1>} : vector<512x2048xi32>
    %broadcast_in_dim3A = vector.shape_cast %get3A_10 : vector<512x1xi32> to vector<512x1xi32>
    %broadcast_in_dim3A_11 = vector.broadcast %broadcast_in_dim3A : vector<512x1xi32> to vector<512x2048xi32>
    %eq3A = arith.cmpi eq, %iota3A, %broadcast_in_dim3A_11 : vector<512x2048xi32>
    %broadcast_in_dim3A_12 = vector.shape_cast %slice3A : vector<1x2048xf32> to vector<1x2048xf32>
    %broadcast_in_dim3A_13 = vector.broadcast %broadcast_in_dim3A_12 : vector<1x2048xf32> to vector<512x2048xf32>
    %broadcast_in_dim3A_14 = vector.shape_cast %slice3A_4 : vector<1x2048xf32> to vector<1x2048xf32>
    %broadcast_in_dim3A_15 = vector.broadcast %broadcast_in_dim3A_14 : vector<1x2048xf32> to vector<512x2048xf32>
    %broadcast_in_dim3A_16 = vector.shape_cast %slice3A_5 : vector<1x2048xf32> to vector<1x2048xf32>
    %broadcast_in_dim3A_17 = vector.broadcast %broadcast_in_dim3A_16 : vector<1x2048xf32> to vector<512x2048xf32>
    %jit3A = arith.constant 0.000000e+00 : f32
    %broadcast_in_dim3A_18 = vector.broadcast %jit3A : f32 to vector<512x2048xf32>
    %select_n3A = arith.select %eq3A, %broadcast_in_dim3A_13, %broadcast_in_dim3A_18 : vector<512x2048xi1>, vector<512x2048xf32>
    %reduce_sum3A = arith.constant dense<0.000000e+00> : vector<512xf32>
    %reduce_sum3A_19 = vector.multi_reduction <add>, %select_n3A, %reduce_sum3A [1] : vector<512x2048xf32> to vector<512xf32>
    %broadcast_in_dim3A_20 = vector.shape_cast %reduce_sum3A_19 : vector<512xf32> to vector<512x1xf32>
    %jit3A_21 = arith.constant 0.000000e+00 : f32
    %broadcast_in_dim3A_22 = vector.broadcast %jit3A_21 : f32 to vector<512x2048xf32>
    %select_n3A_23 = arith.select %eq3A, %broadcast_in_dim3A_15, %broadcast_in_dim3A_22 : vector<512x2048xi1>, vector<512x2048xf32>
    %reduce_sum3A_24 = arith.constant dense<0.000000e+00> : vector<512xf32>
    %reduce_sum3A_25 = vector.multi_reduction <add>, %select_n3A_23, %reduce_sum3A_24 [1] : vector<512x2048xf32> to vector<512xf32>
    %broadcast_in_dim3A_26 = vector.shape_cast %reduce_sum3A_25 : vector<512xf32> to vector<512x1xf32>
    %jit3A_27 = arith.constant 0.000000e+00 : f32
    %broadcast_in_dim3A_28 = vector.broadcast %jit3A_27 : f32 to vector<512x2048xf32>
    %select_n3A_29 = arith.select %eq3A, %broadcast_in_dim3A_17, %broadcast_in_dim3A_28 : vector<512x2048xi1>, vector<512x2048xf32>
    %reduce_sum3A_30 = arith.constant dense<0.000000e+00> : vector<512xf32>
    %reduce_sum3A_31 = vector.multi_reduction <add>, %select_n3A_29, %reduce_sum3A_30 [1] : vector<512x2048xf32> to vector<512xf32>
    %broadcast_in_dim3A_32 = vector.shape_cast %reduce_sum3A_31 : vector<512xf32> to vector<512x1xf32>
    %concatenate3A = tpu.concatenate %broadcast_in_dim3A_20, %broadcast_in_dim3A_26, %broadcast_in_dim3A_32 in 1 : vector<512x1xf32>, vector<512x1xf32>, vector<512x1xf32> -> vector<512x3xf32>
    %dot_general3A = arith.constant dense<0.000000e+00> : vector<512x2048xf32>
    %dot_general3A_33 = tpu.matmul %concatenate3A, %get3A_3, %dot_general3A {dimension_numbers = #tpu.dot_dimension_numbers<[1], [0], [0], [1], [0, 0, 1, 1], [], []>, transpose_lhs_hint = false} : vector<512x3xf32>, vector<3x2048xf32>, vector<512x2048xf32> -> vector<512x2048xf32>
    %mul3A = arith.mulf %concatenate3A, %concatenate3A : vector<512x3xf32>
    %reduce_sum3A_34 = arith.constant dense<0.000000e+00> : vector<512xf32>
    %reduce_sum3A_35 = vector.multi_reduction <add>, %mul3A, %reduce_sum3A_34 [1] : vector<512x3xf32> to vector<512xf32>
    %broadcast_in_dim3A_36 = vector.shape_cast %reduce_sum3A_35 : vector<512xf32> to vector<512x1xf32>
    %mul3A_37 = arith.mulf %get3A_3, %get3A_3 : vector<3x2048xf32>
    %slice3A_38 = vector.extract_strided_slice %mul3A_37 {offsets = [0, 0], sizes = [1, 2048], strides = [1, 1]} : vector<3x2048xf32> to vector<1x2048xf32>
    %slice3A_39 = vector.extract_strided_slice %mul3A_37 {offsets = [1, 0], sizes = [1, 2048], strides = [1, 1]} : vector<3x2048xf32> to vector<1x2048xf32>
    %add3A = arith.addf %slice3A_38, %slice3A_39 : vector<1x2048xf32>
    %slice3A_40 = vector.extract_strided_slice %mul3A_37 {offsets = [2, 0], sizes = [1, 2048], strides = [1, 1]} : vector<3x2048xf32> to vector<1x2048xf32>
    %add3A_41 = arith.addf %add3A, %slice3A_40 : vector<1x2048xf32>
    %mul3A_42 = arith.constant -2.000000e+00 : f32
    %mul3A_43 = vector.broadcast %mul3A_42 : f32 to vector<512x2048xf32>
    %mul3A_44 = arith.mulf %mul3A_43, %dot_general3A_33 : vector<512x2048xf32>
    %add3A_45 = vector.broadcast %broadcast_in_dim3A_36 : vector<512x1xf32> to vector<512x2048xf32>
    %add3A_46 = arith.addf %mul3A_44, %add3A_45 : vector<512x2048xf32>
    %add3A_47 = vector.broadcast %add3A_41 : vector<1x2048xf32> to vector<512x2048xf32>
    %add3A_48 = arith.addf %add3A_46, %add3A_47 : vector<512x2048xf32>
    %iota3A_49 = tpu.iota {dimensions = array<i32: 1>} : vector<512x32xi32>
    %slice3A_50 = vector.extract_strided_slice %add3A_48 {offsets = [0, 0], sizes = [512, 32], strides = [1, 1]} : vector<512x2048xf32> to vector<512x32xf32>
    %mul3A_51 = arith.constant 0.000000e+00 : f32
    %mul3A_52 = vector.broadcast %mul3A_51 : f32 to vector<512x32xf32>
    %mul3A_53 = arith.mulf %slice3A_50, %mul3A_52 : vector<512x32xf32>
    %convert_element_type3A = arith.fptosi %mul3A_53 : vector<512x32xf32> to vector<512x32xi32>
    %scan3A = arith.constant 0 : i32
    %scan3A_54 = arith.constant 32 : i32
    %scan3A_55 = arith.addi %scan3A, %scan3A_54 : i32
    %scan3A_56 = arith.constant 1 : i32
    %scan3A_57:2 = scf.for %scan3A_68 = %scan3A to %scan3A_55 step %scan3A_56 iter_args(%scan3A_69 = %add3A_48, %scan3A_70 = %convert_element_type3A) -> (vector<512x2048xf32>, vector<512x32xi32>)  : i32 {
      %reduce_min3A = arith.constant dense<0x7F800000> : vector<512xf32>
      %reduce_min3A_71 = vector.multi_reduction <minimumf>, %scan3A_69, %reduce_min3A [1] : vector<512x2048xf32> to vector<512xf32>
      %broadcast_in_dim3A_72 = vector.shape_cast %reduce_min3A_71 : vector<512xf32> to vector<512x1xf32>
      %broadcast_in_dim3A_73 = vector.shape_cast %broadcast_in_dim3A_72 : vector<512x1xf32> to vector<512x1xf32>
      %broadcast_in_dim3A_74 = vector.broadcast %broadcast_in_dim3A_73 : vector<512x1xf32> to vector<512x2048xf32>
      %eq3A_75 = arith.cmpf oeq, %scan3A_69, %broadcast_in_dim3A_74 : vector<512x2048xf32>
      %jit3A_76 = arith.constant 2048 : i32
      %broadcast_in_dim3A_77 = vector.broadcast %jit3A_76 : i32 to vector<512x2048xi32>
      %select_n3A_78 = arith.select %eq3A_75, %iota3A, %broadcast_in_dim3A_77 : vector<512x2048xi1>, vector<512x2048xi32>
      %reduce_min3A_79 = arith.constant dense<2147483647> : vector<512xi32>
      %reduce_min3A_80 = vector.multi_reduction <minsi>, %select_n3A_78, %reduce_min3A_79 [1] : vector<512x2048xi32> to vector<512xi32>
      %broadcast_in_dim3A_81 = vector.shape_cast %reduce_min3A_80 : vector<512xi32> to vector<512x1xi32>
      %eq3A_82 = vector.broadcast %scan3A_68 : i32 to vector<512x32xi32>
      %eq3A_83 = arith.cmpi eq, %iota3A_49, %eq3A_82 : vector<512x32xi32>
      %convert_element_type3A_84 = arith.extui %eq3A_83 : vector<512x32xi1> to vector<512x32xi32>
      %broadcast_in_dim3A_85 = vector.shape_cast %broadcast_in_dim3A_81 : vector<512x1xi32> to vector<512x1xi32>
      %broadcast_in_dim3A_86 = vector.broadcast %broadcast_in_dim3A_85 : vector<512x1xi32> to vector<512x32xi32>
      %mul3A_87 = arith.muli %convert_element_type3A_84, %broadcast_in_dim3A_86 : vector<512x32xi32>
      %add3A_88 = arith.addi %scan3A_70, %mul3A_87 : vector<512x32xi32>
      %broadcast_in_dim3A_89 = vector.shape_cast %broadcast_in_dim3A_81 : vector<512x1xi32> to vector<512x1xi32>
      %broadcast_in_dim3A_90 = vector.broadcast %broadcast_in_dim3A_89 : vector<512x1xi32> to vector<512x2048xi32>
      %eq3A_91 = arith.cmpi eq, %iota3A, %broadcast_in_dim3A_90 : vector<512x2048xi32>
      %jit3A_92 = arith.constant 0x7F800000 : f32
      %broadcast_in_dim3A_93 = vector.broadcast %jit3A_92 : f32 to vector<512x2048xf32>
      %select_n3A_94 = arith.select %eq3A_91, %broadcast_in_dim3A_93, %scan3A_69 : vector<512x2048xi1>, vector<512x2048xf32>
      scf.yield %select_n3A_94, %add3A_88 : vector<512x2048xf32>, vector<512x32xi32>
    }
    %scan3A_58 = arith.constant 32 : i32
    %broadcast_in_dim3A_59 = vector.shape_cast %scan3A_57#1 : vector<512x32xi32> to vector<1x512x32xi32>
    %swap3A = arith.constant 0 : index
    %swap3A_60 = arith.constant 0 : index
    %swap3A_61 = arith.constant 0 : index
    %swap3A_62 = vector.load %arg3[%swap3A, %swap3A_60, %swap3A_61] : memref<1x512x32xi32, #tpu.memory_space<vmem>>, vector<1x512x32xi32>
    tpu.vector_store %arg3[%swap3A, %swap3A_60, %swap3A_61], %broadcast_in_dim3A_59 {strides = array<i32>} : memref<1x512x32xi32, #tpu.memory_space<vmem>>, vector<1x512x32xi32>,
    %broadcast_in_dim3A_63 = vector.shape_cast %concatenate3A : vector<512x3xf32> to vector<1x512x3xf32>
    %swap3A_64 = arith.constant 0 : index
    %swap3A_65 = arith.constant 0 : index
    %swap3A_66 = arith.constant 0 : index
    %swap3A_67 = vector.load %arg4[%swap3A_64, %swap3A_65, %swap3A_66] : memref<1x512x3xf32, #tpu.memory_space<vmem>>, vector<1x512x3xf32>
    tpu.vector_store %arg4[%swap3A_64, %swap3A_65, %swap3A_66], %broadcast_in_dim3A_63 {strides = array<i32>} : memref<1x512x3xf32, #tpu.memory_space<vmem>>, vector<1x512x3xf32>,
    return
  }
  func.func @transform_0(%arg0: i32) -> (i32, i32, i32) {
    %c0_i32 = arith.constant 0 : i32
    %c0_i32_0 = arith.constant 0 : i32
    %c0_i32_1 = arith.constant 0 : i32
    return %arg0, %c0_i32, %c0_i32_0 : i32, i32, i32
  }
  func.func @transform_1(%arg0: i32) -> (i32, i32, i32) {
    %c0_i32 = arith.constant 0 : i32
    %c0_i32_0 = arith.constant 0 : i32
    %c0_i32_1 = arith.constant 0 : i32
    return %arg0, %c0_i32, %c0_i32_0 : i32, i32, i32
  }
  func.func @transform_2(%arg0: i32) -> (i32, i32, i32) {
    %c0_i32 = arith.constant 0 : i32
    %c0_i32_0 = arith.constant 0 : i32
    %c0_i32_1 = arith.constant 0 : i32
    return %arg0, %c0_i32, %c0_i32_0 : i32, i32, i32
  }
  func.func @transform_3(%arg0: i32) -> (i32, i32, i32) {
    %c0_i32 = arith.constant 0 : i32
    %c0_i32_0 = arith.constant 0 : i32
    %c0_i32_1 = arith.constant 0 : i32
    return %arg0, %c0_i32, %c0_i32_0 : i32, i32, i32
  }
}

module attributes {stable_mosaic.version = 14 : i64} {
  func.func @body(%arg0: i32, %arg1: memref<1x2048x3xf32, #tpu.memory_space<vmem>>, %arg2: memref<3x64xf32, #tpu.memory_space<vmem>>, %arg3: memref<1x2048x64xf32, #tpu.memory_space<vmem>>) attributes {dimension_semantics = [#tpu.dimension_semantics<parallel>], iteration_bounds = array<i64: 16>, scalar_prefetch = 0 : i64, scratch_operands = 0 : i64, tpu.core_type = #tpu.core_type<tc>, window_params = [{transform_indices = @transform_0, window_bounds = array<i64: 1, 2048, 3>}, {pipeline_mode = #tpu.pipeline_mode<synchronous>, transform_indices = @transform_1, window_bounds = array<i64: 3, 64>}, {transform_indices = @transform_2, window_bounds = array<i64: 1, 2048, 64>}]} {
    %get3A = arith.constant 0 : index
    %get3A_0 = arith.constant 0 : index
    %get3A_1 = arith.constant 0 : index
    %get3A_2 = vector.load %arg1[%get3A, %get3A_0, %get3A_1] : memref<1x2048x3xf32, #tpu.memory_space<vmem>>, vector<1x2048x3xf32>
    %get3A_3 = vector.shape_cast %get3A_2 : vector<1x2048x3xf32> to vector<2048x3xf32>
    %get3A_4 = arith.constant 0 : index
    %get3A_5 = arith.constant 0 : index
    %get3A_6 = vector.load %arg2[%get3A_4, %get3A_5] : memref<3x64xf32, #tpu.memory_space<vmem>>, vector<3x64xf32>
    %dot_general3A = arith.constant dense<0.000000e+00> : vector<2048x64xf32>
    %dot_general3A_7 = tpu.matmul %get3A_3, %get3A_6, %dot_general3A {dimension_numbers = #tpu.dot_dimension_numbers<[1], [0], [0], [1], [0, 0, 1, 1], [], []>, transpose_lhs_hint = false} : vector<2048x3xf32>, vector<3x64xf32>, vector<2048x64xf32> -> vector<2048x64xf32>
    %broadcast_in_dim3A = vector.shape_cast %dot_general3A_7 : vector<2048x64xf32> to vector<1x2048x64xf32>
    %swap3A = arith.constant 0 : index
    %swap3A_8 = arith.constant 0 : index
    %swap3A_9 = arith.constant 0 : index
    %swap3A_10 = vector.load %arg3[%swap3A, %swap3A_8, %swap3A_9] : memref<1x2048x64xf32, #tpu.memory_space<vmem>>, vector<1x2048x64xf32>
    tpu.vector_store %arg3[%swap3A, %swap3A_8, %swap3A_9], %broadcast_in_dim3A {strides = array<i32>} : memref<1x2048x64xf32, #tpu.memory_space<vmem>>, vector<1x2048x64xf32>,
    return
  }
  func.func @transform_0(%arg0: i32) -> (i32, i32, i32) {
    %c0_i32 = arith.constant 0 : i32
    %c0_i32_0 = arith.constant 0 : i32
    %c0_i32_1 = arith.constant 0 : i32
    return %arg0, %c0_i32, %c0_i32_0 : i32, i32, i32
  }
  func.func @transform_1(%arg0: i32) -> (i32, i32) {
    %c0_i32 = arith.constant 0 : i32
    %c0_i32_0 = arith.constant 0 : i32
    %c0_i32_1 = arith.constant 0 : i32
    return %c0_i32, %c0_i32_0 : i32, i32
  }
  func.func @transform_2(%arg0: i32) -> (i32, i32, i32) {
    %c0_i32 = arith.constant 0 : i32
    %c0_i32_0 = arith.constant 0 : i32
    %c0_i32_1 = arith.constant 0 : i32
    return %arg0, %c0_i32, %c0_i32_0 : i32, i32, i32
  }
}

module attributes {stable_mosaic.version = 14 : i64} {
  func.func @body(%arg0: memref<16x512xf32, #tpu.memory_space<vmem>>, %arg1: memref<16x512xf32, #tpu.memory_space<vmem>>, %arg2: memref<16x512xf32, #tpu.memory_space<vmem>>, %arg3: memref<16x128xi32, #tpu.memory_space<vmem>>) attributes {dimension_semantics = [], scalar_prefetch = 0 : i64, scratch_operands = 0 : i64, tpu.core_type = #tpu.core_type<tc>} {
    %get3A = arith.constant 0 : index
    %get3A_0 = arith.constant 0 : index
    %get3A_1 = vector.load %arg0[%get3A, %get3A_0] : memref<16x512xf32, #tpu.memory_space<vmem>>, vector<16x512xf32>
    %get3A_2 = arith.constant 0 : index
    %get3A_3 = arith.constant 0 : index
    %get3A_4 = vector.load %arg1[%get3A_2, %get3A_3] : memref<16x512xf32, #tpu.memory_space<vmem>>, vector<16x512xf32>
    %get3A_5 = arith.constant 0 : index
    %get3A_6 = arith.constant 0 : index
    %get3A_7 = vector.load %arg2[%get3A_5, %get3A_6] : memref<16x512xf32, #tpu.memory_space<vmem>>, vector<16x512xf32>
    %iota3A = tpu.iota {dimensions = array<i32: 1>} : vector<16x512xi32>
    %iota3A_8 = tpu.iota {dimensions = array<i32: 1>} : vector<16x128xi32>
    %mul3A = arith.constant 0.000000e+00 : f32
    %mul3A_9 = vector.broadcast %mul3A : f32 to vector<16x512xf32>
    %mul3A_10 = arith.mulf %get3A_1, %mul3A_9 : vector<16x512xf32>
    %add3A = arith.constant 1.000000e+10 : f32
    %add3A_11 = vector.broadcast %add3A : f32 to vector<16x512xf32>
    %add3A_12 = arith.addf %mul3A_10, %add3A_11 : vector<16x512xf32>
    %mul3A_13 = arith.constant 0.000000e+00 : f32
    %mul3A_14 = vector.broadcast %mul3A_13 : f32 to vector<16x512xf32>
    %mul3A_15 = arith.mulf %get3A_1, %mul3A_14 : vector<16x512xf32>
    %reduce_max3A = arith.constant dense<0xFF800000> : vector<16xf32>
    %reduce_max3A_16 = vector.multi_reduction <maximumf>, %mul3A_15, %reduce_max3A [1] : vector<16x512xf32> to vector<16xf32>
    %broadcast_in_dim3A = vector.shape_cast %reduce_max3A_16 : vector<16xf32> to vector<16x1xf32>
    %convert_element_type3A = arith.fptosi %broadcast_in_dim3A : vector<16x1xf32> to vector<16x1xi32>
    %slice3A = vector.extract_strided_slice %get3A_1 {offsets = [0, 0], sizes = [16, 128], strides = [1, 1]} : vector<16x512xf32> to vector<16x128xf32>
    %mul3A_17 = arith.constant 0.000000e+00 : f32
    %mul3A_18 = vector.broadcast %mul3A_17 : f32 to vector<16x128xf32>
    %mul3A_19 = arith.mulf %slice3A, %mul3A_18 : vector<16x128xf32>
    %convert_element_type3A_20 = arith.fptosi %mul3A_19 : vector<16x128xf32> to vector<16x128xi32>
    %scan3A = arith.constant 0 : i32
    %scan3A_21 = arith.constant 128 : i32
    %scan3A_22 = arith.addi %scan3A, %scan3A_21 : i32
    %scan3A_23 = arith.constant 1 : i32
    %scan3A_24:3 = scf.for %scan3A_28 = %scan3A to %scan3A_22 step %scan3A_23 iter_args(%scan3A_29 = %add3A_12, %scan3A_30 = %convert_element_type3A, %scan3A_31 = %convert_element_type3A_20) -> (vector<16x512xf32>, vector<16x1xi32>, vector<16x128xi32>)  : i32 {
      %eq3A = vector.broadcast %scan3A_28 : i32 to vector<16x128xi32>
      %eq3A_32 = arith.cmpi eq, %iota3A_8, %eq3A : vector<16x128xi32>
      %convert_element_type3A_33 = arith.extui %eq3A_32 : vector<16x128xi1> to vector<16x128xi32>
      %broadcast_in_dim3A_34 = vector.shape_cast %scan3A_30 : vector<16x1xi32> to vector<16x1xi32>
      %broadcast_in_dim3A_35 = vector.broadcast %broadcast_in_dim3A_34 : vector<16x1xi32> to vector<16x128xi32>
      %mul3A_36 = arith.muli %convert_element_type3A_33, %broadcast_in_dim3A_35 : vector<16x128xi32>
      %add3A_37 = arith.addi %scan3A_31, %mul3A_36 : vector<16x128xi32>
      %broadcast_in_dim3A_38 = vector.shape_cast %scan3A_30 : vector<16x1xi32> to vector<16x1xi32>
      %broadcast_in_dim3A_39 = vector.broadcast %broadcast_in_dim3A_38 : vector<16x1xi32> to vector<16x512xi32>
      %eq3A_40 = arith.cmpi eq, %iota3A, %broadcast_in_dim3A_39 : vector<16x512xi32>
      %jit3A = arith.constant 0.000000e+00 : f32
      %broadcast_in_dim3A_41 = vector.broadcast %jit3A : f32 to vector<16x512xf32>
      %select_n3A = arith.select %eq3A_40, %get3A_1, %broadcast_in_dim3A_41 : vector<16x512xi1>, vector<16x512xf32>
      %reduce_sum3A = arith.constant dense<0.000000e+00> : vector<16xf32>
      %reduce_sum3A_42 = vector.multi_reduction <add>, %select_n3A, %reduce_sum3A [1] : vector<16x512xf32> to vector<16xf32>
      %broadcast_in_dim3A_43 = vector.shape_cast %reduce_sum3A_42 : vector<16xf32> to vector<16x1xf32>
      %jit3A_44 = arith.constant 0.000000e+00 : f32
      %broadcast_in_dim3A_45 = vector.broadcast %jit3A_44 : f32 to vector<16x512xf32>
      %select_n3A_46 = arith.select %eq3A_40, %get3A_4, %broadcast_in_dim3A_45 : vector<16x512xi1>, vector<16x512xf32>
      %reduce_sum3A_47 = arith.constant dense<0.000000e+00> : vector<16xf32>
      %reduce_sum3A_48 = vector.multi_reduction <add>, %select_n3A_46, %reduce_sum3A_47 [1] : vector<16x512xf32> to vector<16xf32>
      %broadcast_in_dim3A_49 = vector.shape_cast %reduce_sum3A_48 : vector<16xf32> to vector<16x1xf32>
      %jit3A_50 = arith.constant 0.000000e+00 : f32
      %broadcast_in_dim3A_51 = vector.broadcast %jit3A_50 : f32 to vector<16x512xf32>
      %select_n3A_52 = arith.select %eq3A_40, %get3A_7, %broadcast_in_dim3A_51 : vector<16x512xi1>, vector<16x512xf32>
      %reduce_sum3A_53 = arith.constant dense<0.000000e+00> : vector<16xf32>
      %reduce_sum3A_54 = vector.multi_reduction <add>, %select_n3A_52, %reduce_sum3A_53 [1] : vector<16x512xf32> to vector<16xf32>
      %broadcast_in_dim3A_55 = vector.shape_cast %reduce_sum3A_54 : vector<16xf32> to vector<16x1xf32>
      %sub3A = vector.broadcast %broadcast_in_dim3A_43 : vector<16x1xf32> to vector<16x512xf32>
      %sub3A_56 = arith.subf %get3A_1, %sub3A : vector<16x512xf32>
      %sub3A_57 = vector.broadcast %broadcast_in_dim3A_49 : vector<16x1xf32> to vector<16x512xf32>
      %sub3A_58 = arith.subf %get3A_4, %sub3A_57 : vector<16x512xf32>
      %sub3A_59 = vector.broadcast %broadcast_in_dim3A_55 : vector<16x1xf32> to vector<16x512xf32>
      %sub3A_60 = arith.subf %get3A_7, %sub3A_59 : vector<16x512xf32>
      %mul3A_61 = arith.mulf %sub3A_56, %sub3A_56 : vector<16x512xf32>
      %mul3A_62 = arith.mulf %sub3A_58, %sub3A_58 : vector<16x512xf32>
      %add3A_63 = arith.addf %mul3A_61, %mul3A_62 : vector<16x512xf32>
      %mul3A_64 = arith.mulf %sub3A_60, %sub3A_60 : vector<16x512xf32>
      %add3A_65 = arith.addf %add3A_63, %mul3A_64 : vector<16x512xf32>
      %min3A = arith.minimumf %scan3A_29, %add3A_65 : vector<16x512xf32>
      %reduce_max3A_66 = arith.constant dense<0xFF800000> : vector<16xf32>
      %reduce_max3A_67 = vector.multi_reduction <maximumf>, %min3A, %reduce_max3A_66 [1] : vector<16x512xf32> to vector<16xf32>
      %broadcast_in_dim3A_68 = vector.shape_cast %reduce_max3A_67 : vector<16xf32> to vector<16x1xf32>
      %broadcast_in_dim3A_69 = vector.shape_cast %broadcast_in_dim3A_68 : vector<16x1xf32> to vector<16x1xf32>
      %broadcast_in_dim3A_70 = vector.broadcast %broadcast_in_dim3A_69 : vector<16x1xf32> to vector<16x512xf32>
      %eq3A_71 = arith.cmpf oeq, %min3A, %broadcast_in_dim3A_70 : vector<16x512xf32>
      %jit3A_72 = arith.constant 512 : i32
      %broadcast_in_dim3A_73 = vector.broadcast %jit3A_72 : i32 to vector<16x512xi32>
      %select_n3A_74 = arith.select %eq3A_71, %iota3A, %broadcast_in_dim3A_73 : vector<16x512xi1>, vector<16x512xi32>
      %reduce_min3A = arith.constant dense<2147483647> : vector<16xi32>
      %reduce_min3A_75 = vector.multi_reduction <minsi>, %select_n3A_74, %reduce_min3A [1] : vector<16x512xi32> to vector<16xi32>
      %broadcast_in_dim3A_76 = vector.shape_cast %reduce_min3A_75 : vector<16xi32> to vector<16x1xi32>
      scf.yield %min3A, %broadcast_in_dim3A_76, %add3A_37 : vector<16x512xf32>, vector<16x1xi32>, vector<16x128xi32>
    }
    %scan3A_25 = arith.constant 128 : i32
    %swap3A = arith.constant 0 : index
    %swap3A_26 = arith.constant 0 : index
    %swap3A_27 = vector.load %arg3[%swap3A, %swap3A_26] : memref<16x128xi32, #tpu.memory_space<vmem>>, vector<16x128xi32>
    tpu.vector_store %arg3[%swap3A, %swap3A_26], %scan3A_24#2 {strides = array<i32>} : memref<16x128xi32, #tpu.memory_space<vmem>>, vector<16x128xi32>,
    return
  }
}

module attributes {stable_mosaic.version = 14 : i64} {
  func.func @body(%arg0: i32, %arg1: memref<1x3x512xf32, #tpu.memory_space<vmem>>, %arg2: memref<1x128x1xi32, #tpu.memory_space<vmem>>, %arg3: memref<1x128x64xi32, #tpu.memory_space<vmem>>, %arg4: memref<1x128x3xf32, #tpu.memory_space<vmem>>) attributes {dimension_semantics = [#tpu.dimension_semantics<parallel>], iteration_bounds = array<i64: 16>, scalar_prefetch = 0 : i64, scratch_operands = 0 : i64, tpu.core_type = #tpu.core_type<tc>, window_params = [{transform_indices = @transform_0, window_bounds = array<i64: 1, 3, 512>}, {transform_indices = @transform_1, window_bounds = array<i64: 1, 128, 1>}, {transform_indices = @transform_2, window_bounds = array<i64: 1, 128, 64>}, {transform_indices = @transform_3, window_bounds = array<i64: 1, 128, 3>}]} {
    %get3A = arith.constant 0 : index
    %get3A_0 = arith.constant 0 : index
    %get3A_1 = arith.constant 0 : index
    %get3A_2 = vector.load %arg1[%get3A, %get3A_0, %get3A_1] : memref<1x3x512xf32, #tpu.memory_space<vmem>>, vector<1x3x512xf32>
    %get3A_3 = vector.shape_cast %get3A_2 : vector<1x3x512xf32> to vector<3x512xf32>
    %slice3A = vector.extract_strided_slice %get3A_3 {offsets = [0, 0], sizes = [1, 512], strides = [1, 1]} : vector<3x512xf32> to vector<1x512xf32>
    %slice3A_4 = vector.extract_strided_slice %get3A_3 {offsets = [1, 0], sizes = [1, 512], strides = [1, 1]} : vector<3x512xf32> to vector<1x512xf32>
    %slice3A_5 = vector.extract_strided_slice %get3A_3 {offsets = [2, 0], sizes = [1, 512], strides = [1, 1]} : vector<3x512xf32> to vector<1x512xf32>
    %get3A_6 = arith.constant 0 : index
    %get3A_7 = arith.constant 0 : index
    %get3A_8 = arith.constant 0 : index
    %get3A_9 = vector.load %arg2[%get3A_6, %get3A_7, %get3A_8] : memref<1x128x1xi32, #tpu.memory_space<vmem>>, vector<1x128x1xi32>
    %get3A_10 = vector.shape_cast %get3A_9 : vector<1x128x1xi32> to vector<128x1xi32>
    %iota3A = tpu.iota {dimensions = array<i32: 1>} : vector<128x512xi32>
    %broadcast_in_dim3A = vector.shape_cast %get3A_10 : vector<128x1xi32> to vector<128x1xi32>
    %broadcast_in_dim3A_11 = vector.broadcast %broadcast_in_dim3A : vector<128x1xi32> to vector<128x512xi32>
    %eq3A = arith.cmpi eq, %iota3A, %broadcast_in_dim3A_11 : vector<128x512xi32>
    %broadcast_in_dim3A_12 = vector.shape_cast %slice3A : vector<1x512xf32> to vector<1x512xf32>
    %broadcast_in_dim3A_13 = vector.broadcast %broadcast_in_dim3A_12 : vector<1x512xf32> to vector<128x512xf32>
    %broadcast_in_dim3A_14 = vector.shape_cast %slice3A_4 : vector<1x512xf32> to vector<1x512xf32>
    %broadcast_in_dim3A_15 = vector.broadcast %broadcast_in_dim3A_14 : vector<1x512xf32> to vector<128x512xf32>
    %broadcast_in_dim3A_16 = vector.shape_cast %slice3A_5 : vector<1x512xf32> to vector<1x512xf32>
    %broadcast_in_dim3A_17 = vector.broadcast %broadcast_in_dim3A_16 : vector<1x512xf32> to vector<128x512xf32>
    %jit3A = arith.constant 0.000000e+00 : f32
    %broadcast_in_dim3A_18 = vector.broadcast %jit3A : f32 to vector<128x512xf32>
    %select_n3A = arith.select %eq3A, %broadcast_in_dim3A_13, %broadcast_in_dim3A_18 : vector<128x512xi1>, vector<128x512xf32>
    %reduce_sum3A = arith.constant dense<0.000000e+00> : vector<128xf32>
    %reduce_sum3A_19 = vector.multi_reduction <add>, %select_n3A, %reduce_sum3A [1] : vector<128x512xf32> to vector<128xf32>
    %broadcast_in_dim3A_20 = vector.shape_cast %reduce_sum3A_19 : vector<128xf32> to vector<128x1xf32>
    %jit3A_21 = arith.constant 0.000000e+00 : f32
    %broadcast_in_dim3A_22 = vector.broadcast %jit3A_21 : f32 to vector<128x512xf32>
    %select_n3A_23 = arith.select %eq3A, %broadcast_in_dim3A_15, %broadcast_in_dim3A_22 : vector<128x512xi1>, vector<128x512xf32>
    %reduce_sum3A_24 = arith.constant dense<0.000000e+00> : vector<128xf32>
    %reduce_sum3A_25 = vector.multi_reduction <add>, %select_n3A_23, %reduce_sum3A_24 [1] : vector<128x512xf32> to vector<128xf32>
    %broadcast_in_dim3A_26 = vector.shape_cast %reduce_sum3A_25 : vector<128xf32> to vector<128x1xf32>
    %jit3A_27 = arith.constant 0.000000e+00 : f32
    %broadcast_in_dim3A_28 = vector.broadcast %jit3A_27 : f32 to vector<128x512xf32>
    %select_n3A_29 = arith.select %eq3A, %broadcast_in_dim3A_17, %broadcast_in_dim3A_28 : vector<128x512xi1>, vector<128x512xf32>
    %reduce_sum3A_30 = arith.constant dense<0.000000e+00> : vector<128xf32>
    %reduce_sum3A_31 = vector.multi_reduction <add>, %select_n3A_29, %reduce_sum3A_30 [1] : vector<128x512xf32> to vector<128xf32>
    %broadcast_in_dim3A_32 = vector.shape_cast %reduce_sum3A_31 : vector<128xf32> to vector<128x1xf32>
    %concatenate3A = tpu.concatenate %broadcast_in_dim3A_20, %broadcast_in_dim3A_26, %broadcast_in_dim3A_32 in 1 : vector<128x1xf32>, vector<128x1xf32>, vector<128x1xf32> -> vector<128x3xf32>
    %dot_general3A = arith.constant dense<0.000000e+00> : vector<128x512xf32>
    %dot_general3A_33 = tpu.matmul %concatenate3A, %get3A_3, %dot_general3A {dimension_numbers = #tpu.dot_dimension_numbers<[1], [0], [0], [1], [0, 0, 1, 1], [], []>, transpose_lhs_hint = false} : vector<128x3xf32>, vector<3x512xf32>, vector<128x512xf32> -> vector<128x512xf32>
    %mul3A = arith.mulf %concatenate3A, %concatenate3A : vector<128x3xf32>
    %reduce_sum3A_34 = arith.constant dense<0.000000e+00> : vector<128xf32>
    %reduce_sum3A_35 = vector.multi_reduction <add>, %mul3A, %reduce_sum3A_34 [1] : vector<128x3xf32> to vector<128xf32>
    %broadcast_in_dim3A_36 = vector.shape_cast %reduce_sum3A_35 : vector<128xf32> to vector<128x1xf32>
    %mul3A_37 = arith.mulf %get3A_3, %get3A_3 : vector<3x512xf32>
    %slice3A_38 = vector.extract_strided_slice %mul3A_37 {offsets = [0, 0], sizes = [1, 512], strides = [1, 1]} : vector<3x512xf32> to vector<1x512xf32>
    %slice3A_39 = vector.extract_strided_slice %mul3A_37 {offsets = [1, 0], sizes = [1, 512], strides = [1, 1]} : vector<3x512xf32> to vector<1x512xf32>
    %add3A = arith.addf %slice3A_38, %slice3A_39 : vector<1x512xf32>
    %slice3A_40 = vector.extract_strided_slice %mul3A_37 {offsets = [2, 0], sizes = [1, 512], strides = [1, 1]} : vector<3x512xf32> to vector<1x512xf32>
    %add3A_41 = arith.addf %add3A, %slice3A_40 : vector<1x512xf32>
    %mul3A_42 = arith.constant -2.000000e+00 : f32
    %mul3A_43 = vector.broadcast %mul3A_42 : f32 to vector<128x512xf32>
    %mul3A_44 = arith.mulf %mul3A_43, %dot_general3A_33 : vector<128x512xf32>
    %add3A_45 = vector.broadcast %broadcast_in_dim3A_36 : vector<128x1xf32> to vector<128x512xf32>
    %add3A_46 = arith.addf %mul3A_44, %add3A_45 : vector<128x512xf32>
    %add3A_47 = vector.broadcast %add3A_41 : vector<1x512xf32> to vector<128x512xf32>
    %add3A_48 = arith.addf %add3A_46, %add3A_47 : vector<128x512xf32>
    %iota3A_49 = tpu.iota {dimensions = array<i32: 1>} : vector<128x64xi32>
    %slice3A_50 = vector.extract_strided_slice %add3A_48 {offsets = [0, 0], sizes = [128, 64], strides = [1, 1]} : vector<128x512xf32> to vector<128x64xf32>
    %mul3A_51 = arith.constant 0.000000e+00 : f32
    %mul3A_52 = vector.broadcast %mul3A_51 : f32 to vector<128x64xf32>
    %mul3A_53 = arith.mulf %slice3A_50, %mul3A_52 : vector<128x64xf32>
    %convert_element_type3A = arith.fptosi %mul3A_53 : vector<128x64xf32> to vector<128x64xi32>
    %scan3A = arith.constant 0 : i32
    %scan3A_54 = arith.constant 64 : i32
    %scan3A_55 = arith.addi %scan3A, %scan3A_54 : i32
    %scan3A_56 = arith.constant 1 : i32
    %scan3A_57:2 = scf.for %scan3A_68 = %scan3A to %scan3A_55 step %scan3A_56 iter_args(%scan3A_69 = %add3A_48, %scan3A_70 = %convert_element_type3A) -> (vector<128x512xf32>, vector<128x64xi32>)  : i32 {
      %reduce_min3A = arith.constant dense<0x7F800000> : vector<128xf32>
      %reduce_min3A_71 = vector.multi_reduction <minimumf>, %scan3A_69, %reduce_min3A [1] : vector<128x512xf32> to vector<128xf32>
      %broadcast_in_dim3A_72 = vector.shape_cast %reduce_min3A_71 : vector<128xf32> to vector<128x1xf32>
      %broadcast_in_dim3A_73 = vector.shape_cast %broadcast_in_dim3A_72 : vector<128x1xf32> to vector<128x1xf32>
      %broadcast_in_dim3A_74 = vector.broadcast %broadcast_in_dim3A_73 : vector<128x1xf32> to vector<128x512xf32>
      %eq3A_75 = arith.cmpf oeq, %scan3A_69, %broadcast_in_dim3A_74 : vector<128x512xf32>
      %jit3A_76 = arith.constant 512 : i32
      %broadcast_in_dim3A_77 = vector.broadcast %jit3A_76 : i32 to vector<128x512xi32>
      %select_n3A_78 = arith.select %eq3A_75, %iota3A, %broadcast_in_dim3A_77 : vector<128x512xi1>, vector<128x512xi32>
      %reduce_min3A_79 = arith.constant dense<2147483647> : vector<128xi32>
      %reduce_min3A_80 = vector.multi_reduction <minsi>, %select_n3A_78, %reduce_min3A_79 [1] : vector<128x512xi32> to vector<128xi32>
      %broadcast_in_dim3A_81 = vector.shape_cast %reduce_min3A_80 : vector<128xi32> to vector<128x1xi32>
      %eq3A_82 = vector.broadcast %scan3A_68 : i32 to vector<128x64xi32>
      %eq3A_83 = arith.cmpi eq, %iota3A_49, %eq3A_82 : vector<128x64xi32>
      %convert_element_type3A_84 = arith.extui %eq3A_83 : vector<128x64xi1> to vector<128x64xi32>
      %broadcast_in_dim3A_85 = vector.shape_cast %broadcast_in_dim3A_81 : vector<128x1xi32> to vector<128x1xi32>
      %broadcast_in_dim3A_86 = vector.broadcast %broadcast_in_dim3A_85 : vector<128x1xi32> to vector<128x64xi32>
      %mul3A_87 = arith.muli %convert_element_type3A_84, %broadcast_in_dim3A_86 : vector<128x64xi32>
      %add3A_88 = arith.addi %scan3A_70, %mul3A_87 : vector<128x64xi32>
      %broadcast_in_dim3A_89 = vector.shape_cast %broadcast_in_dim3A_81 : vector<128x1xi32> to vector<128x1xi32>
      %broadcast_in_dim3A_90 = vector.broadcast %broadcast_in_dim3A_89 : vector<128x1xi32> to vector<128x512xi32>
      %eq3A_91 = arith.cmpi eq, %iota3A, %broadcast_in_dim3A_90 : vector<128x512xi32>
      %jit3A_92 = arith.constant 0x7F800000 : f32
      %broadcast_in_dim3A_93 = vector.broadcast %jit3A_92 : f32 to vector<128x512xf32>
      %select_n3A_94 = arith.select %eq3A_91, %broadcast_in_dim3A_93, %scan3A_69 : vector<128x512xi1>, vector<128x512xf32>
      scf.yield %select_n3A_94, %add3A_88 : vector<128x512xf32>, vector<128x64xi32>
    }
    %scan3A_58 = arith.constant 64 : i32
    %broadcast_in_dim3A_59 = vector.shape_cast %scan3A_57#1 : vector<128x64xi32> to vector<1x128x64xi32>
    %swap3A = arith.constant 0 : index
    %swap3A_60 = arith.constant 0 : index
    %swap3A_61 = arith.constant 0 : index
    %swap3A_62 = vector.load %arg3[%swap3A, %swap3A_60, %swap3A_61] : memref<1x128x64xi32, #tpu.memory_space<vmem>>, vector<1x128x64xi32>
    tpu.vector_store %arg3[%swap3A, %swap3A_60, %swap3A_61], %broadcast_in_dim3A_59 {strides = array<i32>} : memref<1x128x64xi32, #tpu.memory_space<vmem>>, vector<1x128x64xi32>,
    %broadcast_in_dim3A_63 = vector.shape_cast %concatenate3A : vector<128x3xf32> to vector<1x128x3xf32>
    %swap3A_64 = arith.constant 0 : index
    %swap3A_65 = arith.constant 0 : index
    %swap3A_66 = arith.constant 0 : index
    %swap3A_67 = vector.load %arg4[%swap3A_64, %swap3A_65, %swap3A_66] : memref<1x128x3xf32, #tpu.memory_space<vmem>>, vector<1x128x3xf32>
    tpu.vector_store %arg4[%swap3A_64, %swap3A_65, %swap3A_66], %broadcast_in_dim3A_63 {strides = array<i32>} : memref<1x128x3xf32, #tpu.memory_space<vmem>>, vector<1x128x3xf32>,
    return
  }
  func.func @transform_0(%arg0: i32) -> (i32, i32, i32) {
    %c0_i32 = arith.constant 0 : i32
    %c0_i32_0 = arith.constant 0 : i32
    %c0_i32_1 = arith.constant 0 : i32
    return %arg0, %c0_i32, %c0_i32_0 : i32, i32, i32
  }
  func.func @transform_1(%arg0: i32) -> (i32, i32, i32) {
    %c0_i32 = arith.constant 0 : i32
    %c0_i32_0 = arith.constant 0 : i32
    %c0_i32_1 = arith.constant 0 : i32
    return %arg0, %c0_i32, %c0_i32_0 : i32, i32, i32
  }
  func.func @transform_2(%arg0: i32) -> (i32, i32, i32) {
    %c0_i32 = arith.constant 0 : i32
    %c0_i32_0 = arith.constant 0 : i32
    %c0_i32_1 = arith.constant 0 : i32
    return %arg0, %c0_i32, %c0_i32_0 : i32, i32, i32
  }
  func.func @transform_3(%arg0: i32) -> (i32, i32, i32) {
    %c0_i32 = arith.constant 0 : i32
    %c0_i32_0 = arith.constant 0 : i32
    %c0_i32_1 = arith.constant 0 : i32
    return %arg0, %c0_i32, %c0_i32_0 : i32, i32, i32
  }
}

module attributes {stable_mosaic.version = 14 : i64} {
  func.func @body(%arg0: i32, %arg1: i32, %arg2: memref<1x2048x128xf32, #tpu.memory_space<vmem>>, %arg3: memref<1x2048x128xf32, #tpu.memory_space<vmem>>, %arg4: memref<1x2048x3xf32, #tpu.memory_space<vmem>>, %arg5: memref<3x64xf32, #tpu.memory_space<vmem>>, %arg6: memref<1x64xf32, #tpu.memory_space<vmem>>, %arg7: memref<1x2048x64xf32, #tpu.memory_space<vmem>>, %arg8: memref<1x1x64xf32, #tpu.memory_space<vmem>>, %arg9: memref<1x1x64xf32, #tpu.memory_space<vmem>>) attributes {dimension_semantics = [#tpu.dimension_semantics<parallel>, #tpu.dimension_semantics<arbitrary>], iteration_bounds = array<i64: 16, 8>, scalar_prefetch = 0 : i64, scratch_operands = 0 : i64, tpu.core_type = #tpu.core_type<tc>, window_params = [{transform_indices = @transform_0, window_bounds = array<i64: 1, 2048, 128>}, {transform_indices = @transform_1, window_bounds = array<i64: 1, 2048, 128>}, {transform_indices = @transform_2, window_bounds = array<i64: 1, 2048, 3>}, {pipeline_mode = #tpu.pipeline_mode<synchronous>, transform_indices = @transform_3, window_bounds = array<i64: 3, 64>}, {pipeline_mode = #tpu.pipeline_mode<synchronous>, transform_indices = @transform_4, window_bounds = array<i64: 1, 64>}, {transform_indices = @transform_5, window_bounds = array<i64: 1, 2048, 64>}, {transform_indices = @transform_6, window_bounds = array<i64: 1, 1, 64>}, {transform_indices = @transform_7, window_bounds = array<i64: 1, 1, 64>}]} {
    %get3A = arith.constant 0 : index
    %get3A_0 = arith.constant 0 : index
    %get3A_1 = arith.constant 0 : index
    %get3A_2 = vector.load %arg3[%get3A, %get3A_0, %get3A_1] : memref<1x2048x128xf32, #tpu.memory_space<vmem>>, vector<1x2048x128xf32>
    %get3A_3 = vector.shape_cast %get3A_2 : vector<1x2048x128xf32> to vector<2048x128xf32>
    %slice3A = vector.extract_strided_slice %get3A_3 {offsets = [0, 0], sizes = [2048, 3], strides = [1, 1]} : vector<2048x128xf32> to vector<2048x3xf32>
    %get3A_4 = arith.constant 0 : index
    %get3A_5 = arith.constant 0 : index
    %get3A_6 = arith.constant 0 : index
    %get3A_7 = vector.load %arg4[%get3A_4, %get3A_5, %get3A_6] : memref<1x2048x3xf32, #tpu.memory_space<vmem>>, vector<1x2048x3xf32>
    %get3A_8 = vector.shape_cast %get3A_7 : vector<1x2048x3xf32> to vector<2048x3xf32>
    %sub3A = arith.subf %slice3A, %get3A_8 : vector<2048x3xf32>
    %get3A_9 = arith.constant 0 : index
    %get3A_10 = arith.constant 0 : index
    %get3A_11 = vector.load %arg5[%get3A_9, %get3A_10] : memref<3x64xf32, #tpu.memory_space<vmem>>, vector<3x64xf32>
    %dot_general3A = arith.constant dense<0.000000e+00> : vector<2048x64xf32>
    %dot_general3A_12 = tpu.matmul %sub3A, %get3A_11, %dot_general3A {dimension_numbers = #tpu.dot_dimension_numbers<[1], [0], [0], [1], [0, 0, 1, 1], [], []>, transpose_lhs_hint = false} : vector<2048x3xf32>, vector<3x64xf32>, vector<2048x64xf32> -> vector<2048x64xf32>
    %get3A_13 = arith.constant 0 : index
    %get3A_14 = arith.constant 0 : index
    %get3A_15 = arith.constant 0 : index
    %get3A_16 = vector.load %arg2[%get3A_13, %get3A_14, %get3A_15] : memref<1x2048x128xf32, #tpu.memory_space<vmem>>, vector<1x2048x128xf32>
    %get3A_17 = vector.shape_cast %get3A_16 : vector<1x2048x128xf32> to vector<2048x128xf32>
    %slice3A_18 = vector.extract_strided_slice %get3A_17 {offsets = [0, 0], sizes = [2048, 64], strides = [1, 1]} : vector<2048x128xf32> to vector<2048x64xf32>
    %add3A = arith.addf %dot_general3A_12, %slice3A_18 : vector<2048x64xf32>
    %get3A_19 = arith.constant 0 : index
    %get3A_20 = arith.constant 0 : index
    %get3A_21 = vector.load %arg6[%get3A_19, %get3A_20] : memref<1x64xf32, #tpu.memory_space<vmem>>, vector<1x64xf32>
    %add3A_22 = vector.broadcast %get3A_21 : vector<1x64xf32> to vector<2048x64xf32>
    %add3A_23 = arith.addf %add3A, %add3A_22 : vector<2048x64xf32>
    %broadcast_in_dim3A = vector.shape_cast %add3A_23 : vector<2048x64xf32> to vector<1x2048x64xf32>
    %swap3A = arith.constant 0 : index
    %swap3A_24 = arith.constant 0 : index
    %swap3A_25 = arith.constant 0 : index
    %swap3A_26 = vector.load %arg7[%swap3A, %swap3A_24, %swap3A_25] : memref<1x2048x64xf32, #tpu.memory_space<vmem>>, vector<1x2048x64xf32>
    tpu.vector_store %arg7[%swap3A, %swap3A_24, %swap3A_25], %broadcast_in_dim3A {strides = array<i32>} : memref<1x2048x64xf32, #tpu.memory_space<vmem>>, vector<1x2048x64xf32>,
    %reduce_sum3A = arith.constant dense<0.000000e+00> : vector<64xf32>
    %reduce_sum3A_27 = vector.multi_reduction <add>, %add3A_23, %reduce_sum3A [0] : vector<2048x64xf32> to vector<64xf32>
    %broadcast_in_dim3A_28 = vector.shape_cast %reduce_sum3A_27 : vector<64xf32> to vector<1x64xf32>
    %broadcast_in_dim3A_29 = vector.shape_cast %broadcast_in_dim3A_28 : vector<1x64xf32> to vector<1x1x64xf32>
    %mul3A = arith.mulf %add3A_23, %add3A_23 : vector<2048x64xf32>
    %reduce_sum3A_30 = arith.constant dense<0.000000e+00> : vector<64xf32>
    %reduce_sum3A_31 = vector.multi_reduction <add>, %mul3A, %reduce_sum3A_30 [0] : vector<2048x64xf32> to vector<64xf32>
    %broadcast_in_dim3A_32 = vector.shape_cast %reduce_sum3A_31 : vector<64xf32> to vector<1x64xf32>
    %broadcast_in_dim3A_33 = vector.shape_cast %broadcast_in_dim3A_32 : vector<1x64xf32> to vector<1x1x64xf32>
    %eq3A = arith.constant 0 : i32
    %eq3A_34 = arith.cmpi eq, %arg1, %eq3A : i32
    %convert_element_type3A = arith.extui %eq3A_34 : i1 to i32
    %cond3A = arith.constant 0 : i32
    %cond3A_35 = arith.cmpi ne, %convert_element_type3A, %cond3A : i32
    scf.if %cond3A_35 {
      %swap3A_40 = arith.constant 0 : index
      %swap3A_41 = arith.constant 0 : index
      %swap3A_42 = arith.constant 0 : index
      %swap3A_43 = vector.load %arg8[%swap3A_40, %swap3A_41, %swap3A_42] : memref<1x1x64xf32, #tpu.memory_space<vmem>>, vector<1x1x64xf32>
      tpu.vector_store %arg8[%swap3A_40, %swap3A_41, %swap3A_42], %broadcast_in_dim3A_29 {strides = array<i32>} : memref<1x1x64xf32, #tpu.memory_space<vmem>>, vector<1x1x64xf32>,
      %swap3A_44 = arith.constant 0 : index
      %swap3A_45 = arith.constant 0 : index
      %swap3A_46 = arith.constant 0 : index
      %swap3A_47 = vector.load %arg9[%swap3A_44, %swap3A_45, %swap3A_46] : memref<1x1x64xf32, #tpu.memory_space<vmem>>, vector<1x1x64xf32>
      tpu.vector_store %arg9[%swap3A_44, %swap3A_45, %swap3A_46], %broadcast_in_dim3A_33 {strides = array<i32>} : memref<1x1x64xf32, #tpu.memory_space<vmem>>, vector<1x1x64xf32>,
    } else {
    }
    %ne3A = arith.constant 0 : i32
    %ne3A_36 = arith.cmpi ne, %arg1, %ne3A : i32
    %convert_element_type3A_37 = arith.extui %ne3A_36 : i1 to i32
    %cond3A_38 = arith.constant 0 : i32
    %cond3A_39 = arith.cmpi ne, %convert_element_type3A_37, %cond3A_38 : i32
    scf.if %cond3A_39 {
      %get3A_40 = arith.constant 0 : index
      %get3A_41 = arith.constant 0 : index
      %get3A_42 = arith.constant 0 : index
      %get3A_43 = vector.load %arg8[%get3A_40, %get3A_41, %get3A_42] : memref<1x1x64xf32, #tpu.memory_space<vmem>>, vector<1x1x64xf32>
      %add3A_44 = arith.addf %get3A_43, %broadcast_in_dim3A_29 : vector<1x1x64xf32>
      %swap3A_45 = arith.constant 0 : index
      %swap3A_46 = arith.constant 0 : index
      %swap3A_47 = arith.constant 0 : index
      %swap3A_48 = vector.load %arg8[%swap3A_45, %swap3A_46, %swap3A_47] : memref<1x1x64xf32, #tpu.memory_space<vmem>>, vector<1x1x64xf32>
      tpu.vector_store %arg8[%swap3A_45, %swap3A_46, %swap3A_47], %add3A_44 {strides = array<i32>} : memref<1x1x64xf32, #tpu.memory_space<vmem>>, vector<1x1x64xf32>,
      %get3A_49 = arith.constant 0 : index
      %get3A_50 = arith.constant 0 : index
      %get3A_51 = arith.constant 0 : index
      %get3A_52 = vector.load %arg9[%get3A_49, %get3A_50, %get3A_51] : memref<1x1x64xf32, #tpu.memory_space<vmem>>, vector<1x1x64xf32>
      %add3A_53 = arith.addf %get3A_52, %broadcast_in_dim3A_33 : vector<1x1x64xf32>
      %swap3A_54 = arith.constant 0 : index
      %swap3A_55 = arith.constant 0 : index
      %swap3A_56 = arith.constant 0 : index
      %swap3A_57 = vector.load %arg9[%swap3A_54, %swap3A_55, %swap3A_56] : memref<1x1x64xf32, #tpu.memory_space<vmem>>, vector<1x1x64xf32>
      tpu.vector_store %arg9[%swap3A_54, %swap3A_55, %swap3A_56], %add3A_53 {strides = array<i32>} : memref<1x1x64xf32, #tpu.memory_space<vmem>>, vector<1x1x64xf32>,
    } else {
    }
    return
  }
  func.func @transform_0(%arg0: i32, %arg1: i32) -> (i32, i32, i32) {
    %c0_i32 = arith.constant 0 : i32
    %c0_i32_0 = arith.constant 0 : i32
    return %arg0, %arg1, %c0_i32 : i32, i32, i32
  }
  func.func @transform_1(%arg0: i32, %arg1: i32) -> (i32, i32, i32) {
    %c0_i32 = arith.constant 0 : i32
    %c0_i32_0 = arith.constant 0 : i32
    return %arg0, %arg1, %c0_i32 : i32, i32, i32
  }
  func.func @transform_2(%arg0: i32, %arg1: i32) -> (i32, i32, i32) {
    %c0_i32 = arith.constant 0 : i32
    %c0_i32_0 = arith.constant 0 : i32
    return %arg0, %arg1, %c0_i32 : i32, i32, i32
  }
  func.func @transform_3(%arg0: i32, %arg1: i32) -> (i32, i32) {
    %c0_i32 = arith.constant 0 : i32
    %c0_i32_0 = arith.constant 0 : i32
    %c0_i32_1 = arith.constant 0 : i32
    return %c0_i32, %c0_i32_0 : i32, i32
  }
  func.func @transform_4(%arg0: i32, %arg1: i32) -> (i32, i32) {
    %c0_i32 = arith.constant 0 : i32
    %c0_i32_0 = arith.constant 0 : i32
    %c0_i32_1 = arith.constant 0 : i32
    return %c0_i32, %c0_i32_0 : i32, i32
  }
  func.func @transform_5(%arg0: i32, %arg1: i32) -> (i32, i32, i32) {
    %c0_i32 = arith.constant 0 : i32
    %c0_i32_0 = arith.constant 0 : i32
    return %arg0, %arg1, %c0_i32 : i32, i32, i32
  }
  func.func @transform_6(%arg0: i32, %arg1: i32) -> (i32, i32, i32) {
    %c0_i32 = arith.constant 0 : i32
    %c0_i32_0 = arith.constant 0 : i32
    %c0_i32_1 = arith.constant 0 : i32
    return %arg0, %c0_i32, %c0_i32_0 : i32, i32, i32
  }
  func.func @transform_7(%arg0: i32, %arg1: i32) -> (i32, i32, i32) {
    %c0_i32 = arith.constant 0 : i32
    %c0_i32_0 = arith.constant 0 : i32
    %c0_i32_1 = arith.constant 0 : i32
    return %arg0, %c0_i32, %c0_i32_0 : i32, i32, i32
  }
}

module attributes {stable_mosaic.version = 14 : i64} {
  func.func @body(%arg0: i32, %arg1: i32, %arg2: memref<1x2048x64xf32, #tpu.memory_space<vmem>>, %arg3: memref<1x64xf32, #tpu.memory_space<vmem>>, %arg4: memref<1x64xf32, #tpu.memory_space<vmem>>, %arg5: memref<1x64xf32, #tpu.memory_space<vmem>>, %arg6: memref<1x64xf32, #tpu.memory_space<vmem>>, %arg7: memref<64x64xf32, #tpu.memory_space<vmem>>, %arg8: memref<1x64xf32, #tpu.memory_space<vmem>>, %arg9: memref<1x2048x64xf32, #tpu.memory_space<vmem>>, %arg10: memref<1x1x64xf32, #tpu.memory_space<vmem>>, %arg11: memref<1x1x64xf32, #tpu.memory_space<vmem>>) attributes {dimension_semantics = [#tpu.dimension_semantics<parallel>, #tpu.dimension_semantics<arbitrary>], iteration_bounds = array<i64: 16, 8>, scalar_prefetch = 0 : i64, scratch_operands = 0 : i64, tpu.core_type = #tpu.core_type<tc>, window_params = [{transform_indices = @transform_0, window_bounds = array<i64: 1, 2048, 64>}, {pipeline_mode = #tpu.pipeline_mode<synchronous>, transform_indices = @transform_1, window_bounds = array<i64: 1, 64>}, {pipeline_mode = #tpu.pipeline_mode<synchronous>, transform_indices = @transform_2, window_bounds = array<i64: 1, 64>}, {pipeline_mode = #tpu.pipeline_mode<synchronous>, transform_indices = @transform_3, window_bounds = array<i64: 1, 64>}, {pipeline_mode = #tpu.pipeline_mode<synchronous>, transform_indices = @transform_4, window_bounds = array<i64: 1, 64>}, {pipeline_mode = #tpu.pipeline_mode<synchronous>, transform_indices = @transform_5, window_bounds = array<i64: 64, 64>}, {pipeline_mode = #tpu.pipeline_mode<synchronous>, transform_indices = @transform_6, window_bounds = array<i64: 1, 64>}, {transform_indices = @transform_7, window_bounds = array<i64: 1, 2048, 64>}, {transform_indices = @transform_8, window_bounds = array<i64: 1, 1, 64>}, {transform_indices = @transform_9, window_bounds = array<i64: 1, 1, 64>}]} {
    %get3A = arith.constant 0 : index
    %get3A_0 = arith.constant 0 : index
    %get3A_1 = arith.constant 0 : index
    %get3A_2 = vector.load %arg2[%get3A, %get3A_0, %get3A_1] : memref<1x2048x64xf32, #tpu.memory_space<vmem>>, vector<1x2048x64xf32>
    %get3A_3 = vector.shape_cast %get3A_2 : vector<1x2048x64xf32> to vector<2048x64xf32>
    %get3A_4 = arith.constant 0 : index
    %get3A_5 = arith.constant 0 : index
    %get3A_6 = vector.load %arg3[%get3A_4, %get3A_5] : memref<1x64xf32, #tpu.memory_space<vmem>>, vector<1x64xf32>
    %sub3A = vector.broadcast %get3A_6 : vector<1x64xf32> to vector<2048x64xf32>
    %sub3A_7 = arith.subf %get3A_3, %sub3A : vector<2048x64xf32>
    %get3A_8 = arith.constant 0 : index
    %get3A_9 = arith.constant 0 : index
    %get3A_10 = vector.load %arg4[%get3A_8, %get3A_9] : memref<1x64xf32, #tpu.memory_space<vmem>>, vector<1x64xf32>
    %mul3A = vector.broadcast %get3A_10 : vector<1x64xf32> to vector<2048x64xf32>
    %mul3A_11 = arith.mulf %sub3A_7, %mul3A : vector<2048x64xf32>
    %get3A_12 = arith.constant 0 : index
    %get3A_13 = arith.constant 0 : index
    %get3A_14 = vector.load %arg5[%get3A_12, %get3A_13] : memref<1x64xf32, #tpu.memory_space<vmem>>, vector<1x64xf32>
    %mul3A_15 = vector.broadcast %get3A_14 : vector<1x64xf32> to vector<2048x64xf32>
    %mul3A_16 = arith.mulf %mul3A_11, %mul3A_15 : vector<2048x64xf32>
    %get3A_17 = arith.constant 0 : index
    %get3A_18 = arith.constant 0 : index
    %get3A_19 = vector.load %arg6[%get3A_17, %get3A_18] : memref<1x64xf32, #tpu.memory_space<vmem>>, vector<1x64xf32>
    %add3A = vector.broadcast %get3A_19 : vector<1x64xf32> to vector<2048x64xf32>
    %add3A_20 = arith.addf %mul3A_16, %add3A : vector<2048x64xf32>
    %max3A = arith.constant 0.000000e+00 : f32
    %max3A_21 = vector.broadcast %max3A : f32 to vector<2048x64xf32>
    %max3A_22 = arith.maximumf %add3A_20, %max3A_21 : vector<2048x64xf32>
    %get3A_23 = arith.constant 0 : index
    %get3A_24 = arith.constant 0 : index
    %get3A_25 = vector.load %arg7[%get3A_23, %get3A_24] : memref<64x64xf32, #tpu.memory_space<vmem>>, vector<64x64xf32>
    %dot_general3A = arith.constant dense<0.000000e+00> : vector<2048x64xf32>
    %dot_general3A_26 = tpu.matmul %max3A_22, %get3A_25, %dot_general3A {dimension_numbers = #tpu.dot_dimension_numbers<[1], [0], [0], [1], [0, 0, 1, 1], [], []>, transpose_lhs_hint = false} : vector<2048x64xf32>, vector<64x64xf32>, vector<2048x64xf32> -> vector<2048x64xf32>
    %get3A_27 = arith.constant 0 : index
    %get3A_28 = arith.constant 0 : index
    %get3A_29 = vector.load %arg8[%get3A_27, %get3A_28] : memref<1x64xf32, #tpu.memory_space<vmem>>, vector<1x64xf32>
    %add3A_30 = vector.broadcast %get3A_29 : vector<1x64xf32> to vector<2048x64xf32>
    %add3A_31 = arith.addf %dot_general3A_26, %add3A_30 : vector<2048x64xf32>
    %broadcast_in_dim3A = vector.shape_cast %add3A_31 : vector<2048x64xf32> to vector<1x2048x64xf32>
    %swap3A = arith.constant 0 : index
    %swap3A_32 = arith.constant 0 : index
    %swap3A_33 = arith.constant 0 : index
    %swap3A_34 = vector.load %arg9[%swap3A, %swap3A_32, %swap3A_33] : memref<1x2048x64xf32, #tpu.memory_space<vmem>>, vector<1x2048x64xf32>
    tpu.vector_store %arg9[%swap3A, %swap3A_32, %swap3A_33], %broadcast_in_dim3A {strides = array<i32>} : memref<1x2048x64xf32, #tpu.memory_space<vmem>>, vector<1x2048x64xf32>,
    %reduce_sum3A = arith.constant dense<0.000000e+00> : vector<64xf32>
    %reduce_sum3A_35 = vector.multi_reduction <add>, %add3A_31, %reduce_sum3A [0] : vector<2048x64xf32> to vector<64xf32>
    %broadcast_in_dim3A_36 = vector.shape_cast %reduce_sum3A_35 : vector<64xf32> to vector<1x64xf32>
    %broadcast_in_dim3A_37 = vector.shape_cast %broadcast_in_dim3A_36 : vector<1x64xf32> to vector<1x1x64xf32>
    %mul3A_38 = arith.mulf %add3A_31, %add3A_31 : vector<2048x64xf32>
    %reduce_sum3A_39 = arith.constant dense<0.000000e+00> : vector<64xf32>
    %reduce_sum3A_40 = vector.multi_reduction <add>, %mul3A_38, %reduce_sum3A_39 [0] : vector<2048x64xf32> to vector<64xf32>
    %broadcast_in_dim3A_41 = vector.shape_cast %reduce_sum3A_40 : vector<64xf32> to vector<1x64xf32>
    %broadcast_in_dim3A_42 = vector.shape_cast %broadcast_in_dim3A_41 : vector<1x64xf32> to vector<1x1x64xf32>
    %eq3A = arith.constant 0 : i32
    %eq3A_43 = arith.cmpi eq, %arg1, %eq3A : i32
    %convert_element_type3A = arith.extui %eq3A_43 : i1 to i32
    %cond3A = arith.constant 0 : i32
    %cond3A_44 = arith.cmpi ne, %convert_element_type3A, %cond3A : i32
    scf.if %cond3A_44 {
      %swap3A_49 = arith.constant 0 : index
      %swap3A_50 = arith.constant 0 : index
      %swap3A_51 = arith.constant 0 : index
      %swap3A_52 = vector.load %arg10[%swap3A_49, %swap3A_50, %swap3A_51] : memref<1x1x64xf32, #tpu.memory_space<vmem>>, vector<1x1x64xf32>
      tpu.vector_store %arg10[%swap3A_49, %swap3A_50, %swap3A_51], %broadcast_in_dim3A_37 {strides = array<i32>} : memref<1x1x64xf32, #tpu.memory_space<vmem>>, vector<1x1x64xf32>,
      %swap3A_53 = arith.constant 0 : index
      %swap3A_54 = arith.constant 0 : index
      %swap3A_55 = arith.constant 0 : index
      %swap3A_56 = vector.load %arg11[%swap3A_53, %swap3A_54, %swap3A_55] : memref<1x1x64xf32, #tpu.memory_space<vmem>>, vector<1x1x64xf32>
      tpu.vector_store %arg11[%swap3A_53, %swap3A_54, %swap3A_55], %broadcast_in_dim3A_42 {strides = array<i32>} : memref<1x1x64xf32, #tpu.memory_space<vmem>>, vector<1x1x64xf32>,
    } else {
    }
    %ne3A = arith.constant 0 : i32
    %ne3A_45 = arith.cmpi ne, %arg1, %ne3A : i32
    %convert_element_type3A_46 = arith.extui %ne3A_45 : i1 to i32
    %cond3A_47 = arith.constant 0 : i32
    %cond3A_48 = arith.cmpi ne, %convert_element_type3A_46, %cond3A_47 : i32
    scf.if %cond3A_48 {
      %get3A_49 = arith.constant 0 : index
      %get3A_50 = arith.constant 0 : index
      %get3A_51 = arith.constant 0 : index
      %get3A_52 = vector.load %arg10[%get3A_49, %get3A_50, %get3A_51] : memref<1x1x64xf32, #tpu.memory_space<vmem>>, vector<1x1x64xf32>
      %add3A_53 = arith.addf %get3A_52, %broadcast_in_dim3A_37 : vector<1x1x64xf32>
      %swap3A_54 = arith.constant 0 : index
      %swap3A_55 = arith.constant 0 : index
      %swap3A_56 = arith.constant 0 : index
      %swap3A_57 = vector.load %arg10[%swap3A_54, %swap3A_55, %swap3A_56] : memref<1x1x64xf32, #tpu.memory_space<vmem>>, vector<1x1x64xf32>
      tpu.vector_store %arg10[%swap3A_54, %swap3A_55, %swap3A_56], %add3A_53 {strides = array<i32>} : memref<1x1x64xf32, #tpu.memory_space<vmem>>, vector<1x1x64xf32>,
      %get3A_58 = arith.constant 0 : index
      %get3A_59 = arith.constant 0 : index
      %get3A_60 = arith.constant 0 : index
      %get3A_61 = vector.load %arg11[%get3A_58, %get3A_59, %get3A_60] : memref<1x1x64xf32, #tpu.memory_space<vmem>>, vector<1x1x64xf32>
      %add3A_62 = arith.addf %get3A_61, %broadcast_in_dim3A_42 : vector<1x1x64xf32>
      %swap3A_63 = arith.constant 0 : index
      %swap3A_64 = arith.constant 0 : index
      %swap3A_65 = arith.constant 0 : index
      %swap3A_66 = vector.load %arg11[%swap3A_63, %swap3A_64, %swap3A_65] : memref<1x1x64xf32, #tpu.memory_space<vmem>>, vector<1x1x64xf32>
      tpu.vector_store %arg11[%swap3A_63, %swap3A_64, %swap3A_65], %add3A_62 {strides = array<i32>} : memref<1x1x64xf32, #tpu.memory_space<vmem>>, vector<1x1x64xf32>,
    } else {
    }
    return
  }
  func.func @transform_0(%arg0: i32, %arg1: i32) -> (i32, i32, i32) {
    %c0_i32 = arith.constant 0 : i32
    %c0_i32_0 = arith.constant 0 : i32
    return %arg0, %arg1, %c0_i32 : i32, i32, i32
  }
  func.func @transform_1(%arg0: i32, %arg1: i32) -> (i32, i32) {
    %c0_i32 = arith.constant 0 : i32
    %c0_i32_0 = arith.constant 0 : i32
    %c0_i32_1 = arith.constant 0 : i32
    return %c0_i32, %c0_i32_0 : i32, i32
  }
  func.func @transform_2(%arg0: i32, %arg1: i32) -> (i32, i32) {
    %c0_i32 = arith.constant 0 : i32
    %c0_i32_0 = arith.constant 0 : i32
    %c0_i32_1 = arith.constant 0 : i32
    return %c0_i32, %c0_i32_0 : i32, i32
  }
  func.func @transform_3(%arg0: i32, %arg1: i32) -> (i32, i32) {
    %c0_i32 = arith.constant 0 : i32
    %c0_i32_0 = arith.constant 0 : i32
    %c0_i32_1 = arith.constant 0 : i32
    return %c0_i32, %c0_i32_0 : i32, i32
  }
  func.func @transform_4(%arg0: i32, %arg1: i32) -> (i32, i32) {
    %c0_i32 = arith.constant 0 : i32
    %c0_i32_0 = arith.constant 0 : i32
    %c0_i32_1 = arith.constant 0 : i32
    return %c0_i32, %c0_i32_0 : i32, i32
  }
  func.func @transform_5(%arg0: i32, %arg1: i32) -> (i32, i32) {
    %c0_i32 = arith.constant 0 : i32
    %c0_i32_0 = arith.constant 0 : i32
    %c0_i32_1 = arith.constant 0 : i32
    return %c0_i32, %c0_i32_0 : i32, i32
  }
  func.func @transform_6(%arg0: i32, %arg1: i32) -> (i32, i32) {
    %c0_i32 = arith.constant 0 : i32
    %c0_i32_0 = arith.constant 0 : i32
    %c0_i32_1 = arith.constant 0 : i32
    return %c0_i32, %c0_i32_0 : i32, i32
  }
  func.func @transform_7(%arg0: i32, %arg1: i32) -> (i32, i32, i32) {
    %c0_i32 = arith.constant 0 : i32
    %c0_i32_0 = arith.constant 0 : i32
    return %arg0, %arg1, %c0_i32 : i32, i32, i32
  }
  func.func @transform_8(%arg0: i32, %arg1: i32) -> (i32, i32, i32) {
    %c0_i32 = arith.constant 0 : i32
    %c0_i32_0 = arith.constant 0 : i32
    %c0_i32_1 = arith.constant 0 : i32
    return %arg0, %c0_i32, %c0_i32_0 : i32, i32, i32
  }
  func.func @transform_9(%arg0: i32, %arg1: i32) -> (i32, i32, i32) {
    %c0_i32 = arith.constant 0 : i32
    %c0_i32_0 = arith.constant 0 : i32
    %c0_i32_1 = arith.constant 0 : i32
    return %arg0, %c0_i32, %c0_i32_0 : i32, i32, i32
  }
}

module attributes {stable_mosaic.version = 14 : i64} {
  func.func @body(%arg0: i32, %arg1: i32, %arg2: memref<1x2048x64xf32, #tpu.memory_space<vmem>>, %arg3: memref<1x64xf32, #tpu.memory_space<vmem>>, %arg4: memref<1x64xf32, #tpu.memory_space<vmem>>, %arg5: memref<1x64xf32, #tpu.memory_space<vmem>>, %arg6: memref<1x64xf32, #tpu.memory_space<vmem>>, %arg7: memref<64x128xf32, #tpu.memory_space<vmem>>, %arg8: memref<1x128xf32, #tpu.memory_space<vmem>>, %arg9: memref<1x2048x128xf32, #tpu.memory_space<vmem>>, %arg10: memref<1x1x128xf32, #tpu.memory_space<vmem>>, %arg11: memref<1x1x128xf32, #tpu.memory_space<vmem>>) attributes {dimension_semantics = [#tpu.dimension_semantics<parallel>, #tpu.dimension_semantics<arbitrary>], iteration_bounds = array<i64: 16, 8>, scalar_prefetch = 0 : i64, scratch_operands = 0 : i64, tpu.core_type = #tpu.core_type<tc>, window_params = [{transform_indices = @transform_0, window_bounds = array<i64: 1, 2048, 64>}, {pipeline_mode = #tpu.pipeline_mode<synchronous>, transform_indices = @transform_1, window_bounds = array<i64: 1, 64>}, {pipeline_mode = #tpu.pipeline_mode<synchronous>, transform_indices = @transform_2, window_bounds = array<i64: 1, 64>}, {pipeline_mode = #tpu.pipeline_mode<synchronous>, transform_indices = @transform_3, window_bounds = array<i64: 1, 64>}, {pipeline_mode = #tpu.pipeline_mode<synchronous>, transform_indices = @transform_4, window_bounds = array<i64: 1, 64>}, {pipeline_mode = #tpu.pipeline_mode<synchronous>, transform_indices = @transform_5, window_bounds = array<i64: 64, 128>}, {pipeline_mode = #tpu.pipeline_mode<synchronous>, transform_indices = @transform_6, window_bounds = array<i64: 1, 128>}, {transform_indices = @transform_7, window_bounds = array<i64: 1, 2048, 128>}, {transform_indices = @transform_8, window_bounds = array<i64: 1, 1, 128>}, {transform_indices = @transform_9, window_bounds = array<i64: 1, 1, 128>}]} {
    %get3A = arith.constant 0 : index
    %get3A_0 = arith.constant 0 : index
    %get3A_1 = arith.constant 0 : index
    %get3A_2 = vector.load %arg2[%get3A, %get3A_0, %get3A_1] : memref<1x2048x64xf32, #tpu.memory_space<vmem>>, vector<1x2048x64xf32>
    %get3A_3 = vector.shape_cast %get3A_2 : vector<1x2048x64xf32> to vector<2048x64xf32>
    %get3A_4 = arith.constant 0 : index
    %get3A_5 = arith.constant 0 : index
    %get3A_6 = vector.load %arg3[%get3A_4, %get3A_5] : memref<1x64xf32, #tpu.memory_space<vmem>>, vector<1x64xf32>
    %sub3A = vector.broadcast %get3A_6 : vector<1x64xf32> to vector<2048x64xf32>
    %sub3A_7 = arith.subf %get3A_3, %sub3A : vector<2048x64xf32>
    %get3A_8 = arith.constant 0 : index
    %get3A_9 = arith.constant 0 : index
    %get3A_10 = vector.load %arg4[%get3A_8, %get3A_9] : memref<1x64xf32, #tpu.memory_space<vmem>>, vector<1x64xf32>
    %mul3A = vector.broadcast %get3A_10 : vector<1x64xf32> to vector<2048x64xf32>
    %mul3A_11 = arith.mulf %sub3A_7, %mul3A : vector<2048x64xf32>
    %get3A_12 = arith.constant 0 : index
    %get3A_13 = arith.constant 0 : index
    %get3A_14 = vector.load %arg5[%get3A_12, %get3A_13] : memref<1x64xf32, #tpu.memory_space<vmem>>, vector<1x64xf32>
    %mul3A_15 = vector.broadcast %get3A_14 : vector<1x64xf32> to vector<2048x64xf32>
    %mul3A_16 = arith.mulf %mul3A_11, %mul3A_15 : vector<2048x64xf32>
    %get3A_17 = arith.constant 0 : index
    %get3A_18 = arith.constant 0 : index
    %get3A_19 = vector.load %arg6[%get3A_17, %get3A_18] : memref<1x64xf32, #tpu.memory_space<vmem>>, vector<1x64xf32>
    %add3A = vector.broadcast %get3A_19 : vector<1x64xf32> to vector<2048x64xf32>
    %add3A_20 = arith.addf %mul3A_16, %add3A : vector<2048x64xf32>
    %max3A = arith.constant 0.000000e+00 : f32
    %max3A_21 = vector.broadcast %max3A : f32 to vector<2048x64xf32>
    %max3A_22 = arith.maximumf %add3A_20, %max3A_21 : vector<2048x64xf32>
    %get3A_23 = arith.constant 0 : index
    %get3A_24 = arith.constant 0 : index
    %get3A_25 = vector.load %arg7[%get3A_23, %get3A_24] : memref<64x128xf32, #tpu.memory_space<vmem>>, vector<64x128xf32>
    %dot_general3A = arith.constant dense<0.000000e+00> : vector<2048x128xf32>
    %dot_general3A_26 = tpu.matmul %max3A_22, %get3A_25, %dot_general3A {dimension_numbers = #tpu.dot_dimension_numbers<[1], [0], [0], [1], [0, 0, 1, 1], [], []>, transpose_lhs_hint = false} : vector<2048x64xf32>, vector<64x128xf32>, vector<2048x128xf32> -> vector<2048x128xf32>
    %get3A_27 = arith.constant 0 : index
    %get3A_28 = arith.constant 0 : index
    %get3A_29 = vector.load %arg8[%get3A_27, %get3A_28] : memref<1x128xf32, #tpu.memory_space<vmem>>, vector<1x128xf32>
    %add3A_30 = vector.broadcast %get3A_29 : vector<1x128xf32> to vector<2048x128xf32>
    %add3A_31 = arith.addf %dot_general3A_26, %add3A_30 : vector<2048x128xf32>
    %broadcast_in_dim3A = vector.shape_cast %add3A_31 : vector<2048x128xf32> to vector<1x2048x128xf32>
    %swap3A = arith.constant 0 : index
    %swap3A_32 = arith.constant 0 : index
    %swap3A_33 = arith.constant 0 : index
    %swap3A_34 = vector.load %arg9[%swap3A, %swap3A_32, %swap3A_33] : memref<1x2048x128xf32, #tpu.memory_space<vmem>>, vector<1x2048x128xf32>
    tpu.vector_store %arg9[%swap3A, %swap3A_32, %swap3A_33], %broadcast_in_dim3A {strides = array<i32>} : memref<1x2048x128xf32, #tpu.memory_space<vmem>>, vector<1x2048x128xf32>,
    %reduce_sum3A = arith.constant dense<0.000000e+00> : vector<128xf32>
    %reduce_sum3A_35 = vector.multi_reduction <add>, %add3A_31, %reduce_sum3A [0] : vector<2048x128xf32> to vector<128xf32>
    %broadcast_in_dim3A_36 = vector.shape_cast %reduce_sum3A_35 : vector<128xf32> to vector<1x128xf32>
    %broadcast_in_dim3A_37 = vector.shape_cast %broadcast_in_dim3A_36 : vector<1x128xf32> to vector<1x1x128xf32>
    %mul3A_38 = arith.mulf %add3A_31, %add3A_31 : vector<2048x128xf32>
    %reduce_sum3A_39 = arith.constant dense<0.000000e+00> : vector<128xf32>
    %reduce_sum3A_40 = vector.multi_reduction <add>, %mul3A_38, %reduce_sum3A_39 [0] : vector<2048x128xf32> to vector<128xf32>
    %broadcast_in_dim3A_41 = vector.shape_cast %reduce_sum3A_40 : vector<128xf32> to vector<1x128xf32>
    %broadcast_in_dim3A_42 = vector.shape_cast %broadcast_in_dim3A_41 : vector<1x128xf32> to vector<1x1x128xf32>
    %eq3A = arith.constant 0 : i32
    %eq3A_43 = arith.cmpi eq, %arg1, %eq3A : i32
    %convert_element_type3A = arith.extui %eq3A_43 : i1 to i32
    %cond3A = arith.constant 0 : i32
    %cond3A_44 = arith.cmpi ne, %convert_element_type3A, %cond3A : i32
    scf.if %cond3A_44 {
      %swap3A_49 = arith.constant 0 : index
      %swap3A_50 = arith.constant 0 : index
      %swap3A_51 = arith.constant 0 : index
      %swap3A_52 = vector.load %arg10[%swap3A_49, %swap3A_50, %swap3A_51] : memref<1x1x128xf32, #tpu.memory_space<vmem>>, vector<1x1x128xf32>
      tpu.vector_store %arg10[%swap3A_49, %swap3A_50, %swap3A_51], %broadcast_in_dim3A_37 {strides = array<i32>} : memref<1x1x128xf32, #tpu.memory_space<vmem>>, vector<1x1x128xf32>,
      %swap3A_53 = arith.constant 0 : index
      %swap3A_54 = arith.constant 0 : index
      %swap3A_55 = arith.constant 0 : index
      %swap3A_56 = vector.load %arg11[%swap3A_53, %swap3A_54, %swap3A_55] : memref<1x1x128xf32, #tpu.memory_space<vmem>>, vector<1x1x128xf32>
      tpu.vector_store %arg11[%swap3A_53, %swap3A_54, %swap3A_55], %broadcast_in_dim3A_42 {strides = array<i32>} : memref<1x1x128xf32, #tpu.memory_space<vmem>>, vector<1x1x128xf32>,
    } else {
    }
    %ne3A = arith.constant 0 : i32
    %ne3A_45 = arith.cmpi ne, %arg1, %ne3A : i32
    %convert_element_type3A_46 = arith.extui %ne3A_45 : i1 to i32
    %cond3A_47 = arith.constant 0 : i32
    %cond3A_48 = arith.cmpi ne, %convert_element_type3A_46, %cond3A_47 : i32
    scf.if %cond3A_48 {
      %get3A_49 = arith.constant 0 : index
      %get3A_50 = arith.constant 0 : index
      %get3A_51 = arith.constant 0 : index
      %get3A_52 = vector.load %arg10[%get3A_49, %get3A_50, %get3A_51] : memref<1x1x128xf32, #tpu.memory_space<vmem>>, vector<1x1x128xf32>
      %add3A_53 = arith.addf %get3A_52, %broadcast_in_dim3A_37 : vector<1x1x128xf32>
      %swap3A_54 = arith.constant 0 : index
      %swap3A_55 = arith.constant 0 : index
      %swap3A_56 = arith.constant 0 : index
      %swap3A_57 = vector.load %arg10[%swap3A_54, %swap3A_55, %swap3A_56] : memref<1x1x128xf32, #tpu.memory_space<vmem>>, vector<1x1x128xf32>
      tpu.vector_store %arg10[%swap3A_54, %swap3A_55, %swap3A_56], %add3A_53 {strides = array<i32>} : memref<1x1x128xf32, #tpu.memory_space<vmem>>, vector<1x1x128xf32>,
      %get3A_58 = arith.constant 0 : index
      %get3A_59 = arith.constant 0 : index
      %get3A_60 = arith.constant 0 : index
      %get3A_61 = vector.load %arg11[%get3A_58, %get3A_59, %get3A_60] : memref<1x1x128xf32, #tpu.memory_space<vmem>>, vector<1x1x128xf32>
      %add3A_62 = arith.addf %get3A_61, %broadcast_in_dim3A_42 : vector<1x1x128xf32>
      %swap3A_63 = arith.constant 0 : index
      %swap3A_64 = arith.constant 0 : index
      %swap3A_65 = arith.constant 0 : index
      %swap3A_66 = vector.load %arg11[%swap3A_63, %swap3A_64, %swap3A_65] : memref<1x1x128xf32, #tpu.memory_space<vmem>>, vector<1x1x128xf32>
      tpu.vector_store %arg11[%swap3A_63, %swap3A_64, %swap3A_65], %add3A_62 {strides = array<i32>} : memref<1x1x128xf32, #tpu.memory_space<vmem>>, vector<1x1x128xf32>,
    } else {
    }
    return
  }
  func.func @transform_0(%arg0: i32, %arg1: i32) -> (i32, i32, i32) {
    %c0_i32 = arith.constant 0 : i32
    %c0_i32_0 = arith.constant 0 : i32
    return %arg0, %arg1, %c0_i32 : i32, i32, i32
  }
  func.func @transform_1(%arg0: i32, %arg1: i32) -> (i32, i32) {
    %c0_i32 = arith.constant 0 : i32
    %c0_i32_0 = arith.constant 0 : i32
    %c0_i32_1 = arith.constant 0 : i32
    return %c0_i32, %c0_i32_0 : i32, i32
  }
  func.func @transform_2(%arg0: i32, %arg1: i32) -> (i32, i32) {
    %c0_i32 = arith.constant 0 : i32
    %c0_i32_0 = arith.constant 0 : i32
    %c0_i32_1 = arith.constant 0 : i32
    return %c0_i32, %c0_i32_0 : i32, i32
  }
  func.func @transform_3(%arg0: i32, %arg1: i32) -> (i32, i32) {
    %c0_i32 = arith.constant 0 : i32
    %c0_i32_0 = arith.constant 0 : i32
    %c0_i32_1 = arith.constant 0 : i32
    return %c0_i32, %c0_i32_0 : i32, i32
  }
  func.func @transform_4(%arg0: i32, %arg1: i32) -> (i32, i32) {
    %c0_i32 = arith.constant 0 : i32
    %c0_i32_0 = arith.constant 0 : i32
    %c0_i32_1 = arith.constant 0 : i32
    return %c0_i32, %c0_i32_0 : i32, i32
  }
  func.func @transform_5(%arg0: i32, %arg1: i32) -> (i32, i32) {
    %c0_i32 = arith.constant 0 : i32
    %c0_i32_0 = arith.constant 0 : i32
    %c0_i32_1 = arith.constant 0 : i32
    return %c0_i32, %c0_i32_0 : i32, i32
  }
  func.func @transform_6(%arg0: i32, %arg1: i32) -> (i32, i32) {
    %c0_i32 = arith.constant 0 : i32
    %c0_i32_0 = arith.constant 0 : i32
    %c0_i32_1 = arith.constant 0 : i32
    return %c0_i32, %c0_i32_0 : i32, i32
  }
  func.func @transform_7(%arg0: i32, %arg1: i32) -> (i32, i32, i32) {
    %c0_i32 = arith.constant 0 : i32
    %c0_i32_0 = arith.constant 0 : i32
    return %arg0, %arg1, %c0_i32 : i32, i32, i32
  }
  func.func @transform_8(%arg0: i32, %arg1: i32) -> (i32, i32, i32) {
    %c0_i32 = arith.constant 0 : i32
    %c0_i32_0 = arith.constant 0 : i32
    %c0_i32_1 = arith.constant 0 : i32
    return %arg0, %c0_i32, %c0_i32_0 : i32, i32, i32
  }
  func.func @transform_9(%arg0: i32, %arg1: i32) -> (i32, i32, i32) {
    %c0_i32 = arith.constant 0 : i32
    %c0_i32_0 = arith.constant 0 : i32
    %c0_i32_1 = arith.constant 0 : i32
    return %arg0, %c0_i32, %c0_i32_0 : i32, i32, i32
  }
}

module attributes {stable_mosaic.version = 14 : i64} {
  func.func @body(%arg0: i32, %arg1: memref<1x16384x128xf32, #tpu.memory_space<vmem>>, %arg2: memref<1x128xf32, #tpu.memory_space<vmem>>, %arg3: memref<1x128xf32, #tpu.memory_space<vmem>>, %arg4: memref<1x128xf32, #tpu.memory_space<vmem>>, %arg5: memref<1x128xf32, #tpu.memory_space<vmem>>, %arg6: memref<1x512x128xf32, #tpu.memory_space<vmem>>) attributes {dimension_semantics = [#tpu.dimension_semantics<parallel>], iteration_bounds = array<i64: 16>, scalar_prefetch = 0 : i64, scratch_operands = 0 : i64, tpu.core_type = #tpu.core_type<tc>, window_params = [{transform_indices = @transform_0, window_bounds = array<i64: 1, 16384, 128>}, {pipeline_mode = #tpu.pipeline_mode<synchronous>, transform_indices = @transform_1, window_bounds = array<i64: 1, 128>}, {pipeline_mode = #tpu.pipeline_mode<synchronous>, transform_indices = @transform_2, window_bounds = array<i64: 1, 128>}, {pipeline_mode = #tpu.pipeline_mode<synchronous>, transform_indices = @transform_3, window_bounds = array<i64: 1, 128>}, {pipeline_mode = #tpu.pipeline_mode<synchronous>, transform_indices = @transform_4, window_bounds = array<i64: 1, 128>}, {transform_indices = @transform_5, window_bounds = array<i64: 1, 512, 128>}]} {
    %get3A = arith.constant 0 : index
    %get3A_0 = arith.constant 0 : index
    %get3A_1 = arith.constant 0 : index
    %get3A_2 = vector.load %arg1[%get3A, %get3A_0, %get3A_1] : memref<1x16384x128xf32, #tpu.memory_space<vmem>>, vector<1x16384x128xf32>
    %get3A_3 = vector.shape_cast %get3A_2 : vector<1x16384x128xf32> to vector<16384x128xf32>
    %get3A_4 = arith.constant 0 : index
    %get3A_5 = arith.constant 0 : index
    %get3A_6 = vector.load %arg2[%get3A_4, %get3A_5] : memref<1x128xf32, #tpu.memory_space<vmem>>, vector<1x128xf32>
    %sub3A = vector.broadcast %get3A_6 : vector<1x128xf32> to vector<16384x128xf32>
    %sub3A_7 = arith.subf %get3A_3, %sub3A : vector<16384x128xf32>
    %get3A_8 = arith.constant 0 : index
    %get3A_9 = arith.constant 0 : index
    %get3A_10 = vector.load %arg3[%get3A_8, %get3A_9] : memref<1x128xf32, #tpu.memory_space<vmem>>, vector<1x128xf32>
    %mul3A = vector.broadcast %get3A_10 : vector<1x128xf32> to vector<16384x128xf32>
    %mul3A_11 = arith.mulf %sub3A_7, %mul3A : vector<16384x128xf32>
    %get3A_12 = arith.constant 0 : index
    %get3A_13 = arith.constant 0 : index
    %get3A_14 = vector.load %arg4[%get3A_12, %get3A_13] : memref<1x128xf32, #tpu.memory_space<vmem>>, vector<1x128xf32>
    %mul3A_15 = vector.broadcast %get3A_14 : vector<1x128xf32> to vector<16384x128xf32>
    %mul3A_16 = arith.mulf %mul3A_11, %mul3A_15 : vector<16384x128xf32>
    %get3A_17 = arith.constant 0 : index
    %get3A_18 = arith.constant 0 : index
    %get3A_19 = vector.load %arg5[%get3A_17, %get3A_18] : memref<1x128xf32, #tpu.memory_space<vmem>>, vector<1x128xf32>
    %add3A = vector.broadcast %get3A_19 : vector<1x128xf32> to vector<16384x128xf32>
    %add3A_20 = arith.addf %mul3A_16, %add3A : vector<16384x128xf32>
    %max3A = arith.constant 0.000000e+00 : f32
    %max3A_21 = vector.broadcast %max3A : f32 to vector<16384x128xf32>
    %max3A_22 = arith.maximumf %add3A_20, %max3A_21 : vector<16384x128xf32>
    %reshape3A = vector.shape_cast %max3A_22 : vector<16384x128xf32> to vector<512x32x128xf32>
    %reduce_max3A = arith.constant dense<0xFF800000> : vector<512x128xf32>
    %reduce_max3A_23 = vector.multi_reduction <maximumf>, %reshape3A, %reduce_max3A [1] : vector<512x32x128xf32> to vector<512x128xf32>
    %broadcast_in_dim3A = vector.shape_cast %reduce_max3A_23 : vector<512x128xf32> to vector<1x512x128xf32>
    %swap3A = arith.constant 0 : index
    %swap3A_24 = arith.constant 0 : index
    %swap3A_25 = arith.constant 0 : index
    %swap3A_26 = vector.load %arg6[%swap3A, %swap3A_24, %swap3A_25] : memref<1x512x128xf32, #tpu.memory_space<vmem>>, vector<1x512x128xf32>
    tpu.vector_store %arg6[%swap3A, %swap3A_24, %swap3A_25], %broadcast_in_dim3A {strides = array<i32>} : memref<1x512x128xf32, #tpu.memory_space<vmem>>, vector<1x512x128xf32>,
    return
  }
  func.func @transform_0(%arg0: i32) -> (i32, i32, i32) {
    %c0_i32 = arith.constant 0 : i32
    %c0_i32_0 = arith.constant 0 : i32
    %c0_i32_1 = arith.constant 0 : i32
    return %arg0, %c0_i32, %c0_i32_0 : i32, i32, i32
  }
  func.func @transform_1(%arg0: i32) -> (i32, i32) {
    %c0_i32 = arith.constant 0 : i32
    %c0_i32_0 = arith.constant 0 : i32
    %c0_i32_1 = arith.constant 0 : i32
    return %c0_i32, %c0_i32_0 : i32, i32
  }
  func.func @transform_2(%arg0: i32) -> (i32, i32) {
    %c0_i32 = arith.constant 0 : i32
    %c0_i32_0 = arith.constant 0 : i32
    %c0_i32_1 = arith.constant 0 : i32
    return %c0_i32, %c0_i32_0 : i32, i32
  }
  func.func @transform_3(%arg0: i32) -> (i32, i32) {
    %c0_i32 = arith.constant 0 : i32
    %c0_i32_0 = arith.constant 0 : i32
    %c0_i32_1 = arith.constant 0 : i32
    return %c0_i32, %c0_i32_0 : i32, i32
  }
  func.func @transform_4(%arg0: i32) -> (i32, i32) {
    %c0_i32 = arith.constant 0 : i32
    %c0_i32_0 = arith.constant 0 : i32
    %c0_i32_1 = arith.constant 0 : i32
    return %c0_i32, %c0_i32_0 : i32, i32
  }
  func.func @transform_5(%arg0: i32) -> (i32, i32, i32) {
    %c0_i32 = arith.constant 0 : i32
    %c0_i32_0 = arith.constant 0 : i32
    %c0_i32_1 = arith.constant 0 : i32
    return %arg0, %c0_i32, %c0_i32_0 : i32, i32, i32
  }
}

module attributes {stable_mosaic.version = 14 : i64} {
  func.func @body(%arg0: i32, %arg1: memref<1x512x128xf32, #tpu.memory_space<vmem>>, %arg2: memref<128x128xf32, #tpu.memory_space<vmem>>, %arg3: memref<1x512x128xf32, #tpu.memory_space<vmem>>) attributes {dimension_semantics = [#tpu.dimension_semantics<parallel>], iteration_bounds = array<i64: 16>, scalar_prefetch = 0 : i64, scratch_operands = 0 : i64, tpu.core_type = #tpu.core_type<tc>, window_params = [{transform_indices = @transform_0, window_bounds = array<i64: 1, 512, 128>}, {pipeline_mode = #tpu.pipeline_mode<synchronous>, transform_indices = @transform_1, window_bounds = array<i64: 128, 128>}, {transform_indices = @transform_2, window_bounds = array<i64: 1, 512, 128>}]} {
    %get3A = arith.constant 0 : index
    %get3A_0 = arith.constant 0 : index
    %get3A_1 = arith.constant 0 : index
    %get3A_2 = vector.load %arg1[%get3A, %get3A_0, %get3A_1] : memref<1x512x128xf32, #tpu.memory_space<vmem>>, vector<1x512x128xf32>
    %get3A_3 = vector.shape_cast %get3A_2 : vector<1x512x128xf32> to vector<512x128xf32>
    %get3A_4 = arith.constant 0 : index
    %get3A_5 = arith.constant 0 : index
    %get3A_6 = vector.load %arg2[%get3A_4, %get3A_5] : memref<128x128xf32, #tpu.memory_space<vmem>>, vector<128x128xf32>
    %dot_general3A = arith.constant dense<0.000000e+00> : vector<512x128xf32>
    %dot_general3A_7 = tpu.matmul %get3A_3, %get3A_6, %dot_general3A {dimension_numbers = #tpu.dot_dimension_numbers<[1], [0], [0], [1], [0, 0, 1, 1], [], []>, transpose_lhs_hint = false} : vector<512x128xf32>, vector<128x128xf32>, vector<512x128xf32> -> vector<512x128xf32>
    %broadcast_in_dim3A = vector.shape_cast %dot_general3A_7 : vector<512x128xf32> to vector<1x512x128xf32>
    %swap3A = arith.constant 0 : index
    %swap3A_8 = arith.constant 0 : index
    %swap3A_9 = arith.constant 0 : index
    %swap3A_10 = vector.load %arg3[%swap3A, %swap3A_8, %swap3A_9] : memref<1x512x128xf32, #tpu.memory_space<vmem>>, vector<1x512x128xf32>
    tpu.vector_store %arg3[%swap3A, %swap3A_8, %swap3A_9], %broadcast_in_dim3A {strides = array<i32>} : memref<1x512x128xf32, #tpu.memory_space<vmem>>, vector<1x512x128xf32>,
    return
  }
  func.func @transform_0(%arg0: i32) -> (i32, i32, i32) {
    %c0_i32 = arith.constant 0 : i32
    %c0_i32_0 = arith.constant 0 : i32
    %c0_i32_1 = arith.constant 0 : i32
    return %arg0, %c0_i32, %c0_i32_0 : i32, i32, i32
  }
  func.func @transform_1(%arg0: i32) -> (i32, i32) {
    %c0_i32 = arith.constant 0 : i32
    %c0_i32_0 = arith.constant 0 : i32
    %c0_i32_1 = arith.constant 0 : i32
    return %c0_i32, %c0_i32_0 : i32, i32
  }
  func.func @transform_2(%arg0: i32) -> (i32, i32, i32) {
    %c0_i32 = arith.constant 0 : i32
    %c0_i32_0 = arith.constant 0 : i32
    %c0_i32_1 = arith.constant 0 : i32
    return %arg0, %c0_i32, %c0_i32_0 : i32, i32, i32
  }
}

module attributes {stable_mosaic.version = 14 : i64} {
  func.func @body(%arg0: i32, %arg1: i32, %arg2: memref<1x2048x128xf32, #tpu.memory_space<vmem>>, %arg3: memref<1x2048x128xf32, #tpu.memory_space<vmem>>, %arg4: memref<1x2048x3xf32, #tpu.memory_space<vmem>>, %arg5: memref<3x128xf32, #tpu.memory_space<vmem>>, %arg6: memref<1x128xf32, #tpu.memory_space<vmem>>, %arg7: memref<1x2048x128xf32, #tpu.memory_space<vmem>>, %arg8: memref<1x1x128xf32, #tpu.memory_space<vmem>>, %arg9: memref<1x1x128xf32, #tpu.memory_space<vmem>>) attributes {dimension_semantics = [#tpu.dimension_semantics<parallel>, #tpu.dimension_semantics<arbitrary>], iteration_bounds = array<i64: 16, 4>, scalar_prefetch = 0 : i64, scratch_operands = 0 : i64, tpu.core_type = #tpu.core_type<tc>, window_params = [{transform_indices = @transform_0, window_bounds = array<i64: 1, 2048, 128>}, {transform_indices = @transform_1, window_bounds = array<i64: 1, 2048, 128>}, {transform_indices = @transform_2, window_bounds = array<i64: 1, 2048, 3>}, {pipeline_mode = #tpu.pipeline_mode<synchronous>, transform_indices = @transform_3, window_bounds = array<i64: 3, 128>}, {pipeline_mode = #tpu.pipeline_mode<synchronous>, transform_indices = @transform_4, window_bounds = array<i64: 1, 128>}, {transform_indices = @transform_5, window_bounds = array<i64: 1, 2048, 128>}, {transform_indices = @transform_6, window_bounds = array<i64: 1, 1, 128>}, {transform_indices = @transform_7, window_bounds = array<i64: 1, 1, 128>}]} {
    %get3A = arith.constant 0 : index
    %get3A_0 = arith.constant 0 : index
    %get3A_1 = arith.constant 0 : index
    %get3A_2 = vector.load %arg3[%get3A, %get3A_0, %get3A_1] : memref<1x2048x128xf32, #tpu.memory_space<vmem>>, vector<1x2048x128xf32>
    %get3A_3 = vector.shape_cast %get3A_2 : vector<1x2048x128xf32> to vector<2048x128xf32>
    %slice3A = vector.extract_strided_slice %get3A_3 {offsets = [0, 0], sizes = [2048, 3], strides = [1, 1]} : vector<2048x128xf32> to vector<2048x3xf32>
    %get3A_4 = arith.constant 0 : index
    %get3A_5 = arith.constant 0 : index
    %get3A_6 = arith.constant 0 : index
    %get3A_7 = vector.load %arg4[%get3A_4, %get3A_5, %get3A_6] : memref<1x2048x3xf32, #tpu.memory_space<vmem>>, vector<1x2048x3xf32>
    %get3A_8 = vector.shape_cast %get3A_7 : vector<1x2048x3xf32> to vector<2048x3xf32>
    %sub3A = arith.subf %slice3A, %get3A_8 : vector<2048x3xf32>
    %get3A_9 = arith.constant 0 : index
    %get3A_10 = arith.constant 0 : index
    %get3A_11 = vector.load %arg5[%get3A_9, %get3A_10] : memref<3x128xf32, #tpu.memory_space<vmem>>, vector<3x128xf32>
    %dot_general3A = arith.constant dense<0.000000e+00> : vector<2048x128xf32>
    %dot_general3A_12 = tpu.matmul %sub3A, %get3A_11, %dot_general3A {dimension_numbers = #tpu.dot_dimension_numbers<[1], [0], [0], [1], [0, 0, 1, 1], [], []>, transpose_lhs_hint = false} : vector<2048x3xf32>, vector<3x128xf32>, vector<2048x128xf32> -> vector<2048x128xf32>
    %get3A_13 = arith.constant 0 : index
    %get3A_14 = arith.constant 0 : index
    %get3A_15 = arith.constant 0 : index
    %get3A_16 = vector.load %arg2[%get3A_13, %get3A_14, %get3A_15] : memref<1x2048x128xf32, #tpu.memory_space<vmem>>, vector<1x2048x128xf32>
    %get3A_17 = vector.shape_cast %get3A_16 : vector<1x2048x128xf32> to vector<2048x128xf32>
    %add3A = arith.addf %dot_general3A_12, %get3A_17 : vector<2048x128xf32>
    %get3A_18 = arith.constant 0 : index
    %get3A_19 = arith.constant 0 : index
    %get3A_20 = vector.load %arg6[%get3A_18, %get3A_19] : memref<1x128xf32, #tpu.memory_space<vmem>>, vector<1x128xf32>
    %add3A_21 = vector.broadcast %get3A_20 : vector<1x128xf32> to vector<2048x128xf32>
    %add3A_22 = arith.addf %add3A, %add3A_21 : vector<2048x128xf32>
    %broadcast_in_dim3A = vector.shape_cast %add3A_22 : vector<2048x128xf32> to vector<1x2048x128xf32>
    %swap3A = arith.constant 0 : index
    %swap3A_23 = arith.constant 0 : index
    %swap3A_24 = arith.constant 0 : index
    %swap3A_25 = vector.load %arg7[%swap3A, %swap3A_23, %swap3A_24] : memref<1x2048x128xf32, #tpu.memory_space<vmem>>, vector<1x2048x128xf32>
    tpu.vector_store %arg7[%swap3A, %swap3A_23, %swap3A_24], %broadcast_in_dim3A {strides = array<i32>} : memref<1x2048x128xf32, #tpu.memory_space<vmem>>, vector<1x2048x128xf32>,
    %reduce_sum3A = arith.constant dense<0.000000e+00> : vector<128xf32>
    %reduce_sum3A_26 = vector.multi_reduction <add>, %add3A_22, %reduce_sum3A [0] : vector<2048x128xf32> to vector<128xf32>
    %broadcast_in_dim3A_27 = vector.shape_cast %reduce_sum3A_26 : vector<128xf32> to vector<1x128xf32>
    %broadcast_in_dim3A_28 = vector.shape_cast %broadcast_in_dim3A_27 : vector<1x128xf32> to vector<1x1x128xf32>
    %mul3A = arith.mulf %add3A_22, %add3A_22 : vector<2048x128xf32>
    %reduce_sum3A_29 = arith.constant dense<0.000000e+00> : vector<128xf32>
    %reduce_sum3A_30 = vector.multi_reduction <add>, %mul3A, %reduce_sum3A_29 [0] : vector<2048x128xf32> to vector<128xf32>
    %broadcast_in_dim3A_31 = vector.shape_cast %reduce_sum3A_30 : vector<128xf32> to vector<1x128xf32>
    %broadcast_in_dim3A_32 = vector.shape_cast %broadcast_in_dim3A_31 : vector<1x128xf32> to vector<1x1x128xf32>
    %eq3A = arith.constant 0 : i32
    %eq3A_33 = arith.cmpi eq, %arg1, %eq3A : i32
    %convert_element_type3A = arith.extui %eq3A_33 : i1 to i32
    %cond3A = arith.constant 0 : i32
    %cond3A_34 = arith.cmpi ne, %convert_element_type3A, %cond3A : i32
    scf.if %cond3A_34 {
      %swap3A_39 = arith.constant 0 : index
      %swap3A_40 = arith.constant 0 : index
      %swap3A_41 = arith.constant 0 : index
      %swap3A_42 = vector.load %arg8[%swap3A_39, %swap3A_40, %swap3A_41] : memref<1x1x128xf32, #tpu.memory_space<vmem>>, vector<1x1x128xf32>
      tpu.vector_store %arg8[%swap3A_39, %swap3A_40, %swap3A_41], %broadcast_in_dim3A_28 {strides = array<i32>} : memref<1x1x128xf32, #tpu.memory_space<vmem>>, vector<1x1x128xf32>,
      %swap3A_43 = arith.constant 0 : index
      %swap3A_44 = arith.constant 0 : index
      %swap3A_45 = arith.constant 0 : index
      %swap3A_46 = vector.load %arg9[%swap3A_43, %swap3A_44, %swap3A_45] : memref<1x1x128xf32, #tpu.memory_space<vmem>>, vector<1x1x128xf32>
      tpu.vector_store %arg9[%swap3A_43, %swap3A_44, %swap3A_45], %broadcast_in_dim3A_32 {strides = array<i32>} : memref<1x1x128xf32, #tpu.memory_space<vmem>>, vector<1x1x128xf32>,
    } else {
    }
    %ne3A = arith.constant 0 : i32
    %ne3A_35 = arith.cmpi ne, %arg1, %ne3A : i32
    %convert_element_type3A_36 = arith.extui %ne3A_35 : i1 to i32
    %cond3A_37 = arith.constant 0 : i32
    %cond3A_38 = arith.cmpi ne, %convert_element_type3A_36, %cond3A_37 : i32
    scf.if %cond3A_38 {
      %get3A_39 = arith.constant 0 : index
      %get3A_40 = arith.constant 0 : index
      %get3A_41 = arith.constant 0 : index
      %get3A_42 = vector.load %arg8[%get3A_39, %get3A_40, %get3A_41] : memref<1x1x128xf32, #tpu.memory_space<vmem>>, vector<1x1x128xf32>
      %add3A_43 = arith.addf %get3A_42, %broadcast_in_dim3A_28 : vector<1x1x128xf32>
      %swap3A_44 = arith.constant 0 : index
      %swap3A_45 = arith.constant 0 : index
      %swap3A_46 = arith.constant 0 : index
      %swap3A_47 = vector.load %arg8[%swap3A_44, %swap3A_45, %swap3A_46] : memref<1x1x128xf32, #tpu.memory_space<vmem>>, vector<1x1x128xf32>
      tpu.vector_store %arg8[%swap3A_44, %swap3A_45, %swap3A_46], %add3A_43 {strides = array<i32>} : memref<1x1x128xf32, #tpu.memory_space<vmem>>, vector<1x1x128xf32>,
      %get3A_48 = arith.constant 0 : index
      %get3A_49 = arith.constant 0 : index
      %get3A_50 = arith.constant 0 : index
      %get3A_51 = vector.load %arg9[%get3A_48, %get3A_49, %get3A_50] : memref<1x1x128xf32, #tpu.memory_space<vmem>>, vector<1x1x128xf32>
      %add3A_52 = arith.addf %get3A_51, %broadcast_in_dim3A_32 : vector<1x1x128xf32>
      %swap3A_53 = arith.constant 0 : index
      %swap3A_54 = arith.constant 0 : index
      %swap3A_55 = arith.constant 0 : index
      %swap3A_56 = vector.load %arg9[%swap3A_53, %swap3A_54, %swap3A_55] : memref<1x1x128xf32, #tpu.memory_space<vmem>>, vector<1x1x128xf32>
      tpu.vector_store %arg9[%swap3A_53, %swap3A_54, %swap3A_55], %add3A_52 {strides = array<i32>} : memref<1x1x128xf32, #tpu.memory_space<vmem>>, vector<1x1x128xf32>,
    } else {
    }
    return
  }
  func.func @transform_0(%arg0: i32, %arg1: i32) -> (i32, i32, i32) {
    %c0_i32 = arith.constant 0 : i32
    %c0_i32_0 = arith.constant 0 : i32
    return %arg0, %arg1, %c0_i32 : i32, i32, i32
  }
  func.func @transform_1(%arg0: i32, %arg1: i32) -> (i32, i32, i32) {
    %c0_i32 = arith.constant 0 : i32
    %c0_i32_0 = arith.constant 0 : i32
    return %arg0, %arg1, %c0_i32 : i32, i32, i32
  }
  func.func @transform_2(%arg0: i32, %arg1: i32) -> (i32, i32, i32) {
    %c0_i32 = arith.constant 0 : i32
    %c0_i32_0 = arith.constant 0 : i32
    return %arg0, %arg1, %c0_i32 : i32, i32, i32
  }
  func.func @transform_3(%arg0: i32, %arg1: i32) -> (i32, i32) {
    %c0_i32 = arith.constant 0 : i32
    %c0_i32_0 = arith.constant 0 : i32
    %c0_i32_1 = arith.constant 0 : i32
    return %c0_i32, %c0_i32_0 : i32, i32
  }
  func.func @transform_4(%arg0: i32, %arg1: i32) -> (i32, i32) {
    %c0_i32 = arith.constant 0 : i32
    %c0_i32_0 = arith.constant 0 : i32
    %c0_i32_1 = arith.constant 0 : i32
    return %c0_i32, %c0_i32_0 : i32, i32
  }
  func.func @transform_5(%arg0: i32, %arg1: i32) -> (i32, i32, i32) {
    %c0_i32 = arith.constant 0 : i32
    %c0_i32_0 = arith.constant 0 : i32
    return %arg0, %arg1, %c0_i32 : i32, i32, i32
  }
  func.func @transform_6(%arg0: i32, %arg1: i32) -> (i32, i32, i32) {
    %c0_i32 = arith.constant 0 : i32
    %c0_i32_0 = arith.constant 0 : i32
    %c0_i32_1 = arith.constant 0 : i32
    return %arg0, %c0_i32, %c0_i32_0 : i32, i32, i32
  }
  func.func @transform_7(%arg0: i32, %arg1: i32) -> (i32, i32, i32) {
    %c0_i32 = arith.constant 0 : i32
    %c0_i32_0 = arith.constant 0 : i32
    %c0_i32_1 = arith.constant 0 : i32
    return %arg0, %c0_i32, %c0_i32_0 : i32, i32, i32
  }
}

module attributes {stable_mosaic.version = 14 : i64} {
  func.func @body(%arg0: i32, %arg1: i32, %arg2: memref<1x2048x128xf32, #tpu.memory_space<vmem>>, %arg3: memref<1x128xf32, #tpu.memory_space<vmem>>, %arg4: memref<1x128xf32, #tpu.memory_space<vmem>>, %arg5: memref<1x128xf32, #tpu.memory_space<vmem>>, %arg6: memref<1x128xf32, #tpu.memory_space<vmem>>, %arg7: memref<128x128xf32, #tpu.memory_space<vmem>>, %arg8: memref<1x128xf32, #tpu.memory_space<vmem>>, %arg9: memref<1x2048x128xf32, #tpu.memory_space<vmem>>, %arg10: memref<1x1x128xf32, #tpu.memory_space<vmem>>, %arg11: memref<1x1x128xf32, #tpu.memory_space<vmem>>) attributes {dimension_semantics = [#tpu.dimension_semantics<parallel>, #tpu.dimension_semantics<arbitrary>], iteration_bounds = array<i64: 16, 4>, scalar_prefetch = 0 : i64, scratch_operands = 0 : i64, tpu.core_type = #tpu.core_type<tc>, window_params = [{transform_indices = @transform_0, window_bounds = array<i64: 1, 2048, 128>}, {pipeline_mode = #tpu.pipeline_mode<synchronous>, transform_indices = @transform_1, window_bounds = array<i64: 1, 128>}, {pipeline_mode = #tpu.pipeline_mode<synchronous>, transform_indices = @transform_2, window_bounds = array<i64: 1, 128>}, {pipeline_mode = #tpu.pipeline_mode<synchronous>, transform_indices = @transform_3, window_bounds = array<i64: 1, 128>}, {pipeline_mode = #tpu.pipeline_mode<synchronous>, transform_indices = @transform_4, window_bounds = array<i64: 1, 128>}, {pipeline_mode = #tpu.pipeline_mode<synchronous>, transform_indices = @transform_5, window_bounds = array<i64: 128, 128>}, {pipeline_mode = #tpu.pipeline_mode<synchronous>, transform_indices = @transform_6, window_bounds = array<i64: 1, 128>}, {transform_indices = @transform_7, window_bounds = array<i64: 1, 2048, 128>}, {transform_indices = @transform_8, window_bounds = array<i64: 1, 1, 128>}, {transform_indices = @transform_9, window_bounds = array<i64: 1, 1, 128>}]} {
    %get3A = arith.constant 0 : index
    %get3A_0 = arith.constant 0 : index
    %get3A_1 = arith.constant 0 : index
    %get3A_2 = vector.load %arg2[%get3A, %get3A_0, %get3A_1] : memref<1x2048x128xf32, #tpu.memory_space<vmem>>, vector<1x2048x128xf32>
    %get3A_3 = vector.shape_cast %get3A_2 : vector<1x2048x128xf32> to vector<2048x128xf32>
    %get3A_4 = arith.constant 0 : index
    %get3A_5 = arith.constant 0 : index
    %get3A_6 = vector.load %arg3[%get3A_4, %get3A_5] : memref<1x128xf32, #tpu.memory_space<vmem>>, vector<1x128xf32>
    %sub3A = vector.broadcast %get3A_6 : vector<1x128xf32> to vector<2048x128xf32>
    %sub3A_7 = arith.subf %get3A_3, %sub3A : vector<2048x128xf32>
    %get3A_8 = arith.constant 0 : index
    %get3A_9 = arith.constant 0 : index
    %get3A_10 = vector.load %arg4[%get3A_8, %get3A_9] : memref<1x128xf32, #tpu.memory_space<vmem>>, vector<1x128xf32>
    %mul3A = vector.broadcast %get3A_10 : vector<1x128xf32> to vector<2048x128xf32>
    %mul3A_11 = arith.mulf %sub3A_7, %mul3A : vector<2048x128xf32>
    %get3A_12 = arith.constant 0 : index
    %get3A_13 = arith.constant 0 : index
    %get3A_14 = vector.load %arg5[%get3A_12, %get3A_13] : memref<1x128xf32, #tpu.memory_space<vmem>>, vector<1x128xf32>
    %mul3A_15 = vector.broadcast %get3A_14 : vector<1x128xf32> to vector<2048x128xf32>
    %mul3A_16 = arith.mulf %mul3A_11, %mul3A_15 : vector<2048x128xf32>
    %get3A_17 = arith.constant 0 : index
    %get3A_18 = arith.constant 0 : index
    %get3A_19 = vector.load %arg6[%get3A_17, %get3A_18] : memref<1x128xf32, #tpu.memory_space<vmem>>, vector<1x128xf32>
    %add3A = vector.broadcast %get3A_19 : vector<1x128xf32> to vector<2048x128xf32>
    %add3A_20 = arith.addf %mul3A_16, %add3A : vector<2048x128xf32>
    %max3A = arith.constant 0.000000e+00 : f32
    %max3A_21 = vector.broadcast %max3A : f32 to vector<2048x128xf32>
    %max3A_22 = arith.maximumf %add3A_20, %max3A_21 : vector<2048x128xf32>
    %get3A_23 = arith.constant 0 : index
    %get3A_24 = arith.constant 0 : index
    %get3A_25 = vector.load %arg7[%get3A_23, %get3A_24] : memref<128x128xf32, #tpu.memory_space<vmem>>, vector<128x128xf32>
    %dot_general3A = arith.constant dense<0.000000e+00> : vector<2048x128xf32>
    %dot_general3A_26 = tpu.matmul %max3A_22, %get3A_25, %dot_general3A {dimension_numbers = #tpu.dot_dimension_numbers<[1], [0], [0], [1], [0, 0, 1, 1], [], []>, transpose_lhs_hint = false} : vector<2048x128xf32>, vector<128x128xf32>, vector<2048x128xf32> -> vector<2048x128xf32>
    %get3A_27 = arith.constant 0 : index
    %get3A_28 = arith.constant 0 : index
    %get3A_29 = vector.load %arg8[%get3A_27, %get3A_28] : memref<1x128xf32, #tpu.memory_space<vmem>>, vector<1x128xf32>
    %add3A_30 = vector.broadcast %get3A_29 : vector<1x128xf32> to vector<2048x128xf32>
    %add3A_31 = arith.addf %dot_general3A_26, %add3A_30 : vector<2048x128xf32>
    %broadcast_in_dim3A = vector.shape_cast %add3A_31 : vector<2048x128xf32> to vector<1x2048x128xf32>
    %swap3A = arith.constant 0 : index
    %swap3A_32 = arith.constant 0 : index
    %swap3A_33 = arith.constant 0 : index
    %swap3A_34 = vector.load %arg9[%swap3A, %swap3A_32, %swap3A_33] : memref<1x2048x128xf32, #tpu.memory_space<vmem>>, vector<1x2048x128xf32>
    tpu.vector_store %arg9[%swap3A, %swap3A_32, %swap3A_33], %broadcast_in_dim3A {strides = array<i32>} : memref<1x2048x128xf32, #tpu.memory_space<vmem>>, vector<1x2048x128xf32>,
    %reduce_sum3A = arith.constant dense<0.000000e+00> : vector<128xf32>
    %reduce_sum3A_35 = vector.multi_reduction <add>, %add3A_31, %reduce_sum3A [0] : vector<2048x128xf32> to vector<128xf32>
    %broadcast_in_dim3A_36 = vector.shape_cast %reduce_sum3A_35 : vector<128xf32> to vector<1x128xf32>
    %broadcast_in_dim3A_37 = vector.shape_cast %broadcast_in_dim3A_36 : vector<1x128xf32> to vector<1x1x128xf32>
    %mul3A_38 = arith.mulf %add3A_31, %add3A_31 : vector<2048x128xf32>
    %reduce_sum3A_39 = arith.constant dense<0.000000e+00> : vector<128xf32>
    %reduce_sum3A_40 = vector.multi_reduction <add>, %mul3A_38, %reduce_sum3A_39 [0] : vector<2048x128xf32> to vector<128xf32>
    %broadcast_in_dim3A_41 = vector.shape_cast %reduce_sum3A_40 : vector<128xf32> to vector<1x128xf32>
    %broadcast_in_dim3A_42 = vector.shape_cast %broadcast_in_dim3A_41 : vector<1x128xf32> to vector<1x1x128xf32>
    %eq3A = arith.constant 0 : i32
    %eq3A_43 = arith.cmpi eq, %arg1, %eq3A : i32
    %convert_element_type3A = arith.extui %eq3A_43 : i1 to i32
    %cond3A = arith.constant 0 : i32
    %cond3A_44 = arith.cmpi ne, %convert_element_type3A, %cond3A : i32
    scf.if %cond3A_44 {
      %swap3A_49 = arith.constant 0 : index
      %swap3A_50 = arith.constant 0 : index
      %swap3A_51 = arith.constant 0 : index
      %swap3A_52 = vector.load %arg10[%swap3A_49, %swap3A_50, %swap3A_51] : memref<1x1x128xf32, #tpu.memory_space<vmem>>, vector<1x1x128xf32>
      tpu.vector_store %arg10[%swap3A_49, %swap3A_50, %swap3A_51], %broadcast_in_dim3A_37 {strides = array<i32>} : memref<1x1x128xf32, #tpu.memory_space<vmem>>, vector<1x1x128xf32>,
      %swap3A_53 = arith.constant 0 : index
      %swap3A_54 = arith.constant 0 : index
      %swap3A_55 = arith.constant 0 : index
      %swap3A_56 = vector.load %arg11[%swap3A_53, %swap3A_54, %swap3A_55] : memref<1x1x128xf32, #tpu.memory_space<vmem>>, vector<1x1x128xf32>
      tpu.vector_store %arg11[%swap3A_53, %swap3A_54, %swap3A_55], %broadcast_in_dim3A_42 {strides = array<i32>} : memref<1x1x128xf32, #tpu.memory_space<vmem>>, vector<1x1x128xf32>,
    } else {
    }
    %ne3A = arith.constant 0 : i32
    %ne3A_45 = arith.cmpi ne, %arg1, %ne3A : i32
    %convert_element_type3A_46 = arith.extui %ne3A_45 : i1 to i32
    %cond3A_47 = arith.constant 0 : i32
    %cond3A_48 = arith.cmpi ne, %convert_element_type3A_46, %cond3A_47 : i32
    scf.if %cond3A_48 {
      %get3A_49 = arith.constant 0 : index
      %get3A_50 = arith.constant 0 : index
      %get3A_51 = arith.constant 0 : index
      %get3A_52 = vector.load %arg10[%get3A_49, %get3A_50, %get3A_51] : memref<1x1x128xf32, #tpu.memory_space<vmem>>, vector<1x1x128xf32>
      %add3A_53 = arith.addf %get3A_52, %broadcast_in_dim3A_37 : vector<1x1x128xf32>
      %swap3A_54 = arith.constant 0 : index
      %swap3A_55 = arith.constant 0 : index
      %swap3A_56 = arith.constant 0 : index
      %swap3A_57 = vector.load %arg10[%swap3A_54, %swap3A_55, %swap3A_56] : memref<1x1x128xf32, #tpu.memory_space<vmem>>, vector<1x1x128xf32>
      tpu.vector_store %arg10[%swap3A_54, %swap3A_55, %swap3A_56], %add3A_53 {strides = array<i32>} : memref<1x1x128xf32, #tpu.memory_space<vmem>>, vector<1x1x128xf32>,
      %get3A_58 = arith.constant 0 : index
      %get3A_59 = arith.constant 0 : index
      %get3A_60 = arith.constant 0 : index
      %get3A_61 = vector.load %arg11[%get3A_58, %get3A_59, %get3A_60] : memref<1x1x128xf32, #tpu.memory_space<vmem>>, vector<1x1x128xf32>
      %add3A_62 = arith.addf %get3A_61, %broadcast_in_dim3A_42 : vector<1x1x128xf32>
      %swap3A_63 = arith.constant 0 : index
      %swap3A_64 = arith.constant 0 : index
      %swap3A_65 = arith.constant 0 : index
      %swap3A_66 = vector.load %arg11[%swap3A_63, %swap3A_64, %swap3A_65] : memref<1x1x128xf32, #tpu.memory_space<vmem>>, vector<1x1x128xf32>
      tpu.vector_store %arg11[%swap3A_63, %swap3A_64, %swap3A_65], %add3A_62 {strides = array<i32>} : memref<1x1x128xf32, #tpu.memory_space<vmem>>, vector<1x1x128xf32>,
    } else {
    }
    return
  }
  func.func @transform_0(%arg0: i32, %arg1: i32) -> (i32, i32, i32) {
    %c0_i32 = arith.constant 0 : i32
    %c0_i32_0 = arith.constant 0 : i32
    return %arg0, %arg1, %c0_i32 : i32, i32, i32
  }
  func.func @transform_1(%arg0: i32, %arg1: i32) -> (i32, i32) {
    %c0_i32 = arith.constant 0 : i32
    %c0_i32_0 = arith.constant 0 : i32
    %c0_i32_1 = arith.constant 0 : i32
    return %c0_i32, %c0_i32_0 : i32, i32
  }
  func.func @transform_2(%arg0: i32, %arg1: i32) -> (i32, i32) {
    %c0_i32 = arith.constant 0 : i32
    %c0_i32_0 = arith.constant 0 : i32
    %c0_i32_1 = arith.constant 0 : i32
    return %c0_i32, %c0_i32_0 : i32, i32
  }
  func.func @transform_3(%arg0: i32, %arg1: i32) -> (i32, i32) {
    %c0_i32 = arith.constant 0 : i32
    %c0_i32_0 = arith.constant 0 : i32
    %c0_i32_1 = arith.constant 0 : i32
    return %c0_i32, %c0_i32_0 : i32, i32
  }
  func.func @transform_4(%arg0: i32, %arg1: i32) -> (i32, i32) {
    %c0_i32 = arith.constant 0 : i32
    %c0_i32_0 = arith.constant 0 : i32
    %c0_i32_1 = arith.constant 0 : i32
    return %c0_i32, %c0_i32_0 : i32, i32
  }
  func.func @transform_5(%arg0: i32, %arg1: i32) -> (i32, i32) {
    %c0_i32 = arith.constant 0 : i32
    %c0_i32_0 = arith.constant 0 : i32
    %c0_i32_1 = arith.constant 0 : i32
    return %c0_i32, %c0_i32_0 : i32, i32
  }
  func.func @transform_6(%arg0: i32, %arg1: i32) -> (i32, i32) {
    %c0_i32 = arith.constant 0 : i32
    %c0_i32_0 = arith.constant 0 : i32
    %c0_i32_1 = arith.constant 0 : i32
    return %c0_i32, %c0_i32_0 : i32, i32
  }
  func.func @transform_7(%arg0: i32, %arg1: i32) -> (i32, i32, i32) {
    %c0_i32 = arith.constant 0 : i32
    %c0_i32_0 = arith.constant 0 : i32
    return %arg0, %arg1, %c0_i32 : i32, i32, i32
  }
  func.func @transform_8(%arg0: i32, %arg1: i32) -> (i32, i32, i32) {
    %c0_i32 = arith.constant 0 : i32
    %c0_i32_0 = arith.constant 0 : i32
    %c0_i32_1 = arith.constant 0 : i32
    return %arg0, %c0_i32, %c0_i32_0 : i32, i32, i32
  }
  func.func @transform_9(%arg0: i32, %arg1: i32) -> (i32, i32, i32) {
    %c0_i32 = arith.constant 0 : i32
    %c0_i32_0 = arith.constant 0 : i32
    %c0_i32_1 = arith.constant 0 : i32
    return %arg0, %c0_i32, %c0_i32_0 : i32, i32, i32
  }
}

module attributes {stable_mosaic.version = 14 : i64} {
  func.func @body(%arg0: i32, %arg1: i32, %arg2: memref<1x2048x128xf32, #tpu.memory_space<vmem>>, %arg3: memref<1x128xf32, #tpu.memory_space<vmem>>, %arg4: memref<1x128xf32, #tpu.memory_space<vmem>>, %arg5: memref<1x128xf32, #tpu.memory_space<vmem>>, %arg6: memref<1x128xf32, #tpu.memory_space<vmem>>, %arg7: memref<128x256xf32, #tpu.memory_space<vmem>>, %arg8: memref<1x256xf32, #tpu.memory_space<vmem>>, %arg9: memref<1x2048x256xf32, #tpu.memory_space<vmem>>, %arg10: memref<1x1x256xf32, #tpu.memory_space<vmem>>, %arg11: memref<1x1x256xf32, #tpu.memory_space<vmem>>) attributes {dimension_semantics = [#tpu.dimension_semantics<parallel>, #tpu.dimension_semantics<arbitrary>], iteration_bounds = array<i64: 16, 4>, scalar_prefetch = 0 : i64, scratch_operands = 0 : i64, tpu.core_type = #tpu.core_type<tc>, window_params = [{transform_indices = @transform_0, window_bounds = array<i64: 1, 2048, 128>}, {pipeline_mode = #tpu.pipeline_mode<synchronous>, transform_indices = @transform_1, window_bounds = array<i64: 1, 128>}, {pipeline_mode = #tpu.pipeline_mode<synchronous>, transform_indices = @transform_2, window_bounds = array<i64: 1, 128>}, {pipeline_mode = #tpu.pipeline_mode<synchronous>, transform_indices = @transform_3, window_bounds = array<i64: 1, 128>}, {pipeline_mode = #tpu.pipeline_mode<synchronous>, transform_indices = @transform_4, window_bounds = array<i64: 1, 128>}, {pipeline_mode = #tpu.pipeline_mode<synchronous>, transform_indices = @transform_5, window_bounds = array<i64: 128, 256>}, {pipeline_mode = #tpu.pipeline_mode<synchronous>, transform_indices = @transform_6, window_bounds = array<i64: 1, 256>}, {transform_indices = @transform_7, window_bounds = array<i64: 1, 2048, 256>}, {transform_indices = @transform_8, window_bounds = array<i64: 1, 1, 256>}, {transform_indices = @transform_9, window_bounds = array<i64: 1, 1, 256>}]} {
    %get3A = arith.constant 0 : index
    %get3A_0 = arith.constant 0 : index
    %get3A_1 = arith.constant 0 : index
    %get3A_2 = vector.load %arg2[%get3A, %get3A_0, %get3A_1] : memref<1x2048x128xf32, #tpu.memory_space<vmem>>, vector<1x2048x128xf32>
    %get3A_3 = vector.shape_cast %get3A_2 : vector<1x2048x128xf32> to vector<2048x128xf32>
    %get3A_4 = arith.constant 0 : index
    %get3A_5 = arith.constant 0 : index
    %get3A_6 = vector.load %arg3[%get3A_4, %get3A_5] : memref<1x128xf32, #tpu.memory_space<vmem>>, vector<1x128xf32>
    %sub3A = vector.broadcast %get3A_6 : vector<1x128xf32> to vector<2048x128xf32>
    %sub3A_7 = arith.subf %get3A_3, %sub3A : vector<2048x128xf32>
    %get3A_8 = arith.constant 0 : index
    %get3A_9 = arith.constant 0 : index
    %get3A_10 = vector.load %arg4[%get3A_8, %get3A_9] : memref<1x128xf32, #tpu.memory_space<vmem>>, vector<1x128xf32>
    %mul3A = vector.broadcast %get3A_10 : vector<1x128xf32> to vector<2048x128xf32>
    %mul3A_11 = arith.mulf %sub3A_7, %mul3A : vector<2048x128xf32>
    %get3A_12 = arith.constant 0 : index
    %get3A_13 = arith.constant 0 : index
    %get3A_14 = vector.load %arg5[%get3A_12, %get3A_13] : memref<1x128xf32, #tpu.memory_space<vmem>>, vector<1x128xf32>
    %mul3A_15 = vector.broadcast %get3A_14 : vector<1x128xf32> to vector<2048x128xf32>
    %mul3A_16 = arith.mulf %mul3A_11, %mul3A_15 : vector<2048x128xf32>
    %get3A_17 = arith.constant 0 : index
    %get3A_18 = arith.constant 0 : index
    %get3A_19 = vector.load %arg6[%get3A_17, %get3A_18] : memref<1x128xf32, #tpu.memory_space<vmem>>, vector<1x128xf32>
    %add3A = vector.broadcast %get3A_19 : vector<1x128xf32> to vector<2048x128xf32>
    %add3A_20 = arith.addf %mul3A_16, %add3A : vector<2048x128xf32>
    %max3A = arith.constant 0.000000e+00 : f32
    %max3A_21 = vector.broadcast %max3A : f32 to vector<2048x128xf32>
    %max3A_22 = arith.maximumf %add3A_20, %max3A_21 : vector<2048x128xf32>
    %get3A_23 = arith.constant 0 : index
    %get3A_24 = arith.constant 0 : index
    %get3A_25 = vector.load %arg7[%get3A_23, %get3A_24] : memref<128x256xf32, #tpu.memory_space<vmem>>, vector<128x256xf32>
    %dot_general3A = arith.constant dense<0.000000e+00> : vector<2048x256xf32>
    %dot_general3A_26 = tpu.matmul %max3A_22, %get3A_25, %dot_general3A {dimension_numbers = #tpu.dot_dimension_numbers<[1], [0], [0], [1], [0, 0, 1, 1], [], []>, transpose_lhs_hint = false} : vector<2048x128xf32>, vector<128x256xf32>, vector<2048x256xf32> -> vector<2048x256xf32>
    %get3A_27 = arith.constant 0 : index
    %get3A_28 = arith.constant 0 : index
    %get3A_29 = vector.load %arg8[%get3A_27, %get3A_28] : memref<1x256xf32, #tpu.memory_space<vmem>>, vector<1x256xf32>
    %add3A_30 = vector.broadcast %get3A_29 : vector<1x256xf32> to vector<2048x256xf32>
    %add3A_31 = arith.addf %dot_general3A_26, %add3A_30 : vector<2048x256xf32>
    %broadcast_in_dim3A = vector.shape_cast %add3A_31 : vector<2048x256xf32> to vector<1x2048x256xf32>
    %swap3A = arith.constant 0 : index
    %swap3A_32 = arith.constant 0 : index
    %swap3A_33 = arith.constant 0 : index
    %swap3A_34 = vector.load %arg9[%swap3A, %swap3A_32, %swap3A_33] : memref<1x2048x256xf32, #tpu.memory_space<vmem>>, vector<1x2048x256xf32>
    tpu.vector_store %arg9[%swap3A, %swap3A_32, %swap3A_33], %broadcast_in_dim3A {strides = array<i32>} : memref<1x2048x256xf32, #tpu.memory_space<vmem>>, vector<1x2048x256xf32>,
    %reduce_sum3A = arith.constant dense<0.000000e+00> : vector<256xf32>
    %reduce_sum3A_35 = vector.multi_reduction <add>, %add3A_31, %reduce_sum3A [0] : vector<2048x256xf32> to vector<256xf32>
    %broadcast_in_dim3A_36 = vector.shape_cast %reduce_sum3A_35 : vector<256xf32> to vector<1x256xf32>
    %broadcast_in_dim3A_37 = vector.shape_cast %broadcast_in_dim3A_36 : vector<1x256xf32> to vector<1x1x256xf32>
    %mul3A_38 = arith.mulf %add3A_31, %add3A_31 : vector<2048x256xf32>
    %reduce_sum3A_39 = arith.constant dense<0.000000e+00> : vector<256xf32>
    %reduce_sum3A_40 = vector.multi_reduction <add>, %mul3A_38, %reduce_sum3A_39 [0] : vector<2048x256xf32> to vector<256xf32>
    %broadcast_in_dim3A_41 = vector.shape_cast %reduce_sum3A_40 : vector<256xf32> to vector<1x256xf32>
    %broadcast_in_dim3A_42 = vector.shape_cast %broadcast_in_dim3A_41 : vector<1x256xf32> to vector<1x1x256xf32>
    %eq3A = arith.constant 0 : i32
    %eq3A_43 = arith.cmpi eq, %arg1, %eq3A : i32
    %convert_element_type3A = arith.extui %eq3A_43 : i1 to i32
    %cond3A = arith.constant 0 : i32
    %cond3A_44 = arith.cmpi ne, %convert_element_type3A, %cond3A : i32
    scf.if %cond3A_44 {
      %swap3A_49 = arith.constant 0 : index
      %swap3A_50 = arith.constant 0 : index
      %swap3A_51 = arith.constant 0 : index
      %swap3A_52 = vector.load %arg10[%swap3A_49, %swap3A_50, %swap3A_51] : memref<1x1x256xf32, #tpu.memory_space<vmem>>, vector<1x1x256xf32>
      tpu.vector_store %arg10[%swap3A_49, %swap3A_50, %swap3A_51], %broadcast_in_dim3A_37 {strides = array<i32>} : memref<1x1x256xf32, #tpu.memory_space<vmem>>, vector<1x1x256xf32>,
      %swap3A_53 = arith.constant 0 : index
      %swap3A_54 = arith.constant 0 : index
      %swap3A_55 = arith.constant 0 : index
      %swap3A_56 = vector.load %arg11[%swap3A_53, %swap3A_54, %swap3A_55] : memref<1x1x256xf32, #tpu.memory_space<vmem>>, vector<1x1x256xf32>
      tpu.vector_store %arg11[%swap3A_53, %swap3A_54, %swap3A_55], %broadcast_in_dim3A_42 {strides = array<i32>} : memref<1x1x256xf32, #tpu.memory_space<vmem>>, vector<1x1x256xf32>,
    } else {
    }
    %ne3A = arith.constant 0 : i32
    %ne3A_45 = arith.cmpi ne, %arg1, %ne3A : i32
    %convert_element_type3A_46 = arith.extui %ne3A_45 : i1 to i32
    %cond3A_47 = arith.constant 0 : i32
    %cond3A_48 = arith.cmpi ne, %convert_element_type3A_46, %cond3A_47 : i32
    scf.if %cond3A_48 {
      %get3A_49 = arith.constant 0 : index
      %get3A_50 = arith.constant 0 : index
      %get3A_51 = arith.constant 0 : index
      %get3A_52 = vector.load %arg10[%get3A_49, %get3A_50, %get3A_51] : memref<1x1x256xf32, #tpu.memory_space<vmem>>, vector<1x1x256xf32>
      %add3A_53 = arith.addf %get3A_52, %broadcast_in_dim3A_37 : vector<1x1x256xf32>
      %swap3A_54 = arith.constant 0 : index
      %swap3A_55 = arith.constant 0 : index
      %swap3A_56 = arith.constant 0 : index
      %swap3A_57 = vector.load %arg10[%swap3A_54, %swap3A_55, %swap3A_56] : memref<1x1x256xf32, #tpu.memory_space<vmem>>, vector<1x1x256xf32>
      tpu.vector_store %arg10[%swap3A_54, %swap3A_55, %swap3A_56], %add3A_53 {strides = array<i32>} : memref<1x1x256xf32, #tpu.memory_space<vmem>>, vector<1x1x256xf32>,
      %get3A_58 = arith.constant 0 : index
      %get3A_59 = arith.constant 0 : index
      %get3A_60 = arith.constant 0 : index
      %get3A_61 = vector.load %arg11[%get3A_58, %get3A_59, %get3A_60] : memref<1x1x256xf32, #tpu.memory_space<vmem>>, vector<1x1x256xf32>
      %add3A_62 = arith.addf %get3A_61, %broadcast_in_dim3A_42 : vector<1x1x256xf32>
      %swap3A_63 = arith.constant 0 : index
      %swap3A_64 = arith.constant 0 : index
      %swap3A_65 = arith.constant 0 : index
      %swap3A_66 = vector.load %arg11[%swap3A_63, %swap3A_64, %swap3A_65] : memref<1x1x256xf32, #tpu.memory_space<vmem>>, vector<1x1x256xf32>
      tpu.vector_store %arg11[%swap3A_63, %swap3A_64, %swap3A_65], %add3A_62 {strides = array<i32>} : memref<1x1x256xf32, #tpu.memory_space<vmem>>, vector<1x1x256xf32>,
    } else {
    }
    return
  }
  func.func @transform_0(%arg0: i32, %arg1: i32) -> (i32, i32, i32) {
    %c0_i32 = arith.constant 0 : i32
    %c0_i32_0 = arith.constant 0 : i32
    return %arg0, %arg1, %c0_i32 : i32, i32, i32
  }
  func.func @transform_1(%arg0: i32, %arg1: i32) -> (i32, i32) {
    %c0_i32 = arith.constant 0 : i32
    %c0_i32_0 = arith.constant 0 : i32
    %c0_i32_1 = arith.constant 0 : i32
    return %c0_i32, %c0_i32_0 : i32, i32
  }
  func.func @transform_2(%arg0: i32, %arg1: i32) -> (i32, i32) {
    %c0_i32 = arith.constant 0 : i32
    %c0_i32_0 = arith.constant 0 : i32
    %c0_i32_1 = arith.constant 0 : i32
    return %c0_i32, %c0_i32_0 : i32, i32
  }
  func.func @transform_3(%arg0: i32, %arg1: i32) -> (i32, i32) {
    %c0_i32 = arith.constant 0 : i32
    %c0_i32_0 = arith.constant 0 : i32
    %c0_i32_1 = arith.constant 0 : i32
    return %c0_i32, %c0_i32_0 : i32, i32
  }
  func.func @transform_4(%arg0: i32, %arg1: i32) -> (i32, i32) {
    %c0_i32 = arith.constant 0 : i32
    %c0_i32_0 = arith.constant 0 : i32
    %c0_i32_1 = arith.constant 0 : i32
    return %c0_i32, %c0_i32_0 : i32, i32
  }
  func.func @transform_5(%arg0: i32, %arg1: i32) -> (i32, i32) {
    %c0_i32 = arith.constant 0 : i32
    %c0_i32_0 = arith.constant 0 : i32
    %c0_i32_1 = arith.constant 0 : i32
    return %c0_i32, %c0_i32_0 : i32, i32
  }
  func.func @transform_6(%arg0: i32, %arg1: i32) -> (i32, i32) {
    %c0_i32 = arith.constant 0 : i32
    %c0_i32_0 = arith.constant 0 : i32
    %c0_i32_1 = arith.constant 0 : i32
    return %c0_i32, %c0_i32_0 : i32, i32
  }
  func.func @transform_7(%arg0: i32, %arg1: i32) -> (i32, i32, i32) {
    %c0_i32 = arith.constant 0 : i32
    %c0_i32_0 = arith.constant 0 : i32
    return %arg0, %arg1, %c0_i32 : i32, i32, i32
  }
  func.func @transform_8(%arg0: i32, %arg1: i32) -> (i32, i32, i32) {
    %c0_i32 = arith.constant 0 : i32
    %c0_i32_0 = arith.constant 0 : i32
    %c0_i32_1 = arith.constant 0 : i32
    return %arg0, %c0_i32, %c0_i32_0 : i32, i32, i32
  }
  func.func @transform_9(%arg0: i32, %arg1: i32) -> (i32, i32, i32) {
    %c0_i32 = arith.constant 0 : i32
    %c0_i32_0 = arith.constant 0 : i32
    %c0_i32_1 = arith.constant 0 : i32
    return %arg0, %c0_i32, %c0_i32_0 : i32, i32, i32
  }
}

module attributes {stable_mosaic.version = 14 : i64} {
  func.func @body(%arg0: i32, %arg1: memref<1x8192x256xf32, #tpu.memory_space<vmem>>, %arg2: memref<1x256xf32, #tpu.memory_space<vmem>>, %arg3: memref<1x256xf32, #tpu.memory_space<vmem>>, %arg4: memref<1x256xf32, #tpu.memory_space<vmem>>, %arg5: memref<1x256xf32, #tpu.memory_space<vmem>>, %arg6: memref<1x128x256xf32, #tpu.memory_space<vmem>>) attributes {dimension_semantics = [#tpu.dimension_semantics<parallel>], iteration_bounds = array<i64: 16>, scalar_prefetch = 0 : i64, scratch_operands = 0 : i64, tpu.core_type = #tpu.core_type<tc>, window_params = [{transform_indices = @transform_0, window_bounds = array<i64: 1, 8192, 256>}, {pipeline_mode = #tpu.pipeline_mode<synchronous>, transform_indices = @transform_1, window_bounds = array<i64: 1, 256>}, {pipeline_mode = #tpu.pipeline_mode<synchronous>, transform_indices = @transform_2, window_bounds = array<i64: 1, 256>}, {pipeline_mode = #tpu.pipeline_mode<synchronous>, transform_indices = @transform_3, window_bounds = array<i64: 1, 256>}, {pipeline_mode = #tpu.pipeline_mode<synchronous>, transform_indices = @transform_4, window_bounds = array<i64: 1, 256>}, {transform_indices = @transform_5, window_bounds = array<i64: 1, 128, 256>}]} {
    %get3A = arith.constant 0 : index
    %get3A_0 = arith.constant 0 : index
    %get3A_1 = arith.constant 0 : index
    %get3A_2 = vector.load %arg1[%get3A, %get3A_0, %get3A_1] : memref<1x8192x256xf32, #tpu.memory_space<vmem>>, vector<1x8192x256xf32>
    %get3A_3 = vector.shape_cast %get3A_2 : vector<1x8192x256xf32> to vector<8192x256xf32>
    %get3A_4 = arith.constant 0 : index
    %get3A_5 = arith.constant 0 : index
    %get3A_6 = vector.load %arg2[%get3A_4, %get3A_5] : memref<1x256xf32, #tpu.memory_space<vmem>>, vector<1x256xf32>
    %sub3A = vector.broadcast %get3A_6 : vector<1x256xf32> to vector<8192x256xf32>
    %sub3A_7 = arith.subf %get3A_3, %sub3A : vector<8192x256xf32>
    %get3A_8 = arith.constant 0 : index
    %get3A_9 = arith.constant 0 : index
    %get3A_10 = vector.load %arg3[%get3A_8, %get3A_9] : memref<1x256xf32, #tpu.memory_space<vmem>>, vector<1x256xf32>
    %mul3A = vector.broadcast %get3A_10 : vector<1x256xf32> to vector<8192x256xf32>
    %mul3A_11 = arith.mulf %sub3A_7, %mul3A : vector<8192x256xf32>
    %get3A_12 = arith.constant 0 : index
    %get3A_13 = arith.constant 0 : index
    %get3A_14 = vector.load %arg4[%get3A_12, %get3A_13] : memref<1x256xf32, #tpu.memory_space<vmem>>, vector<1x256xf32>
    %mul3A_15 = vector.broadcast %get3A_14 : vector<1x256xf32> to vector<8192x256xf32>
    %mul3A_16 = arith.mulf %mul3A_11, %mul3A_15 : vector<8192x256xf32>
    %get3A_17 = arith.constant 0 : index
    %get3A_18 = arith.constant 0 : index
    %get3A_19 = vector.load %arg5[%get3A_17, %get3A_18] : memref<1x256xf32, #tpu.memory_space<vmem>>, vector<1x256xf32>
    %add3A = vector.broadcast %get3A_19 : vector<1x256xf32> to vector<8192x256xf32>
    %add3A_20 = arith.addf %mul3A_16, %add3A : vector<8192x256xf32>
    %max3A = arith.constant 0.000000e+00 : f32
    %max3A_21 = vector.broadcast %max3A : f32 to vector<8192x256xf32>
    %max3A_22 = arith.maximumf %add3A_20, %max3A_21 : vector<8192x256xf32>
    %reshape3A = vector.shape_cast %max3A_22 : vector<8192x256xf32> to vector<128x64x256xf32>
    %reduce_max3A = arith.constant dense<0xFF800000> : vector<128x256xf32>
    %reduce_max3A_23 = vector.multi_reduction <maximumf>, %reshape3A, %reduce_max3A [1] : vector<128x64x256xf32> to vector<128x256xf32>
    %broadcast_in_dim3A = vector.shape_cast %reduce_max3A_23 : vector<128x256xf32> to vector<1x128x256xf32>
    %swap3A = arith.constant 0 : index
    %swap3A_24 = arith.constant 0 : index
    %swap3A_25 = arith.constant 0 : index
    %swap3A_26 = vector.load %arg6[%swap3A, %swap3A_24, %swap3A_25] : memref<1x128x256xf32, #tpu.memory_space<vmem>>, vector<1x128x256xf32>
    tpu.vector_store %arg6[%swap3A, %swap3A_24, %swap3A_25], %broadcast_in_dim3A {strides = array<i32>} : memref<1x128x256xf32, #tpu.memory_space<vmem>>, vector<1x128x256xf32>,
    return
  }
  func.func @transform_0(%arg0: i32) -> (i32, i32, i32) {
    %c0_i32 = arith.constant 0 : i32
    %c0_i32_0 = arith.constant 0 : i32
    %c0_i32_1 = arith.constant 0 : i32
    return %arg0, %c0_i32, %c0_i32_0 : i32, i32, i32
  }
  func.func @transform_1(%arg0: i32) -> (i32, i32) {
    %c0_i32 = arith.constant 0 : i32
    %c0_i32_0 = arith.constant 0 : i32
    %c0_i32_1 = arith.constant 0 : i32
    return %c0_i32, %c0_i32_0 : i32, i32
  }
  func.func @transform_2(%arg0: i32) -> (i32, i32) {
    %c0_i32 = arith.constant 0 : i32
    %c0_i32_0 = arith.constant 0 : i32
    %c0_i32_1 = arith.constant 0 : i32
    return %c0_i32, %c0_i32_0 : i32, i32
  }
  func.func @transform_3(%arg0: i32) -> (i32, i32) {
    %c0_i32 = arith.constant 0 : i32
    %c0_i32_0 = arith.constant 0 : i32
    %c0_i32_1 = arith.constant 0 : i32
    return %c0_i32, %c0_i32_0 : i32, i32
  }
  func.func @transform_4(%arg0: i32) -> (i32, i32) {
    %c0_i32 = arith.constant 0 : i32
    %c0_i32_0 = arith.constant 0 : i32
    %c0_i32_1 = arith.constant 0 : i32
    return %c0_i32, %c0_i32_0 : i32, i32
  }
  func.func @transform_5(%arg0: i32) -> (i32, i32, i32) {
    %c0_i32 = arith.constant 0 : i32
    %c0_i32_0 = arith.constant 0 : i32
    %c0_i32_1 = arith.constant 0 : i32
    return %arg0, %c0_i32, %c0_i32_0 : i32, i32, i32
  }
}

module attributes {stable_mosaic.version = 14 : i64} {
  func.func @body(%arg0: memref<16x128x3xf32, #tpu.memory_space<vmem>>, %arg1: memref<16x128x256xf32, #tpu.memory_space<vmem>>, %arg2: memref<259x256xf32, #tpu.memory_space<vmem>>, %arg3: memref<1x256xf32, #tpu.memory_space<vmem>>, %arg4: memref<1x256xf32, #tpu.memory_space<vmem>>, %arg5: memref<1x256xf32, #tpu.memory_space<vmem>>, %arg6: memref<256x512xf32, #tpu.memory_space<vmem>>, %arg7: memref<1x512xf32, #tpu.memory_space<vmem>>, %arg8: memref<1x512xf32, #tpu.memory_space<vmem>>, %arg9: memref<1x512xf32, #tpu.memory_space<vmem>>, %arg10: memref<512x1024xf32, #tpu.memory_space<vmem>>, %arg11: memref<1x1024xf32, #tpu.memory_space<vmem>>, %arg12: memref<1x1024xf32, #tpu.memory_space<vmem>>, %arg13: memref<1x1024xf32, #tpu.memory_space<vmem>>, %arg14: memref<1024x512xf32, #tpu.memory_space<vmem>>, %arg15: memref<1x512xf32, #tpu.memory_space<vmem>>, %arg16: memref<1x512xf32, #tpu.memory_space<vmem>>, %arg17: memref<1x512xf32, #tpu.memory_space<vmem>>, %arg18: memref<512x256xf32, #tpu.memory_space<vmem>>, %arg19: memref<1x256xf32, #tpu.memory_space<vmem>>, %arg20: memref<1x256xf32, #tpu.memory_space<vmem>>, %arg21: memref<1x256xf32, #tpu.memory_space<vmem>>, %arg22: memref<256x40xf32, #tpu.memory_space<vmem>>, %arg23: memref<1x40xf32, #tpu.memory_space<vmem>>, %arg24: memref<16x40xf32, #tpu.memory_space<vmem>>) attributes {dimension_semantics = [], scalar_prefetch = 0 : i64, scratch_operands = 0 : i64, tpu.core_type = #tpu.core_type<tc>} {
    %get3A = arith.constant 0 : index
    %get3A_0 = arith.constant 0 : index
    %get3A_1 = arith.constant 0 : index
    %get3A_2 = vector.load %arg0[%get3A, %get3A_0, %get3A_1] : memref<16x128x3xf32, #tpu.memory_space<vmem>>, vector<16x128x3xf32>
    %get3A_3 = arith.constant 0 : index
    %get3A_4 = arith.constant 0 : index
    %get3A_5 = arith.constant 0 : index
    %get3A_6 = vector.load %arg1[%get3A_3, %get3A_4, %get3A_5] : memref<16x128x256xf32, #tpu.memory_space<vmem>>, vector<16x128x256xf32>
    %concatenate3A = tpu.concatenate %get3A_2, %get3A_6 in 2 : vector<16x128x3xf32>, vector<16x128x256xf32> -> vector<16x128x259xf32>
    %reshape3A = vector.shape_cast %concatenate3A : vector<16x128x259xf32> to vector<2048x259xf32>
    %get3A_7 = arith.constant 0 : index
    %get3A_8 = arith.constant 0 : index
    %get3A_9 = vector.load %arg2[%get3A_7, %get3A_8] : memref<259x256xf32, #tpu.memory_space<vmem>>, vector<259x256xf32>
    %dot_general3A = arith.constant dense<0.000000e+00> : vector<2048x256xf32>
    %dot_general3A_10 = tpu.matmul %reshape3A, %get3A_9, %dot_general3A {dimension_numbers = #tpu.dot_dimension_numbers<[1], [0], [0], [1], [0, 0, 1, 1], [], []>, transpose_lhs_hint = false} : vector<2048x259xf32>, vector<259x256xf32>, vector<2048x256xf32> -> vector<2048x256xf32>
    %get3A_11 = arith.constant 0 : index
    %get3A_12 = arith.constant 0 : index
    %get3A_13 = vector.load %arg3[%get3A_11, %get3A_12] : memref<1x256xf32, #tpu.memory_space<vmem>>, vector<1x256xf32>
    %add3A = vector.broadcast %get3A_13 : vector<1x256xf32> to vector<2048x256xf32>
    %add3A_14 = arith.addf %dot_general3A_10, %add3A : vector<2048x256xf32>
    %reduce_sum3A = arith.constant dense<0.000000e+00> : vector<256xf32>
    %reduce_sum3A_15 = vector.multi_reduction <add>, %add3A_14, %reduce_sum3A [0] : vector<2048x256xf32> to vector<256xf32>
    %broadcast_in_dim3A = vector.shape_cast %reduce_sum3A_15 : vector<256xf32> to vector<1x256xf32>
    %div3A = arith.constant 2.048000e+03 : f32
    %div3A_16 = vector.broadcast %div3A : f32 to vector<1x256xf32>
    %div3A_17 = arith.divf %broadcast_in_dim3A, %div3A_16 : vector<1x256xf32>
    %sub3A = vector.broadcast %div3A_17 : vector<1x256xf32> to vector<2048x256xf32>
    %sub3A_18 = arith.subf %add3A_14, %sub3A : vector<2048x256xf32>
    %sub3A_19 = vector.broadcast %div3A_17 : vector<1x256xf32> to vector<2048x256xf32>
    %sub3A_20 = arith.subf %add3A_14, %sub3A_19 : vector<2048x256xf32>
    %mul3A = arith.mulf %sub3A_18, %sub3A_20 : vector<2048x256xf32>
    %reduce_sum3A_21 = arith.constant dense<0.000000e+00> : vector<256xf32>
    %reduce_sum3A_22 = vector.multi_reduction <add>, %mul3A, %reduce_sum3A_21 [0] : vector<2048x256xf32> to vector<256xf32>
    %broadcast_in_dim3A_23 = vector.shape_cast %reduce_sum3A_22 : vector<256xf32> to vector<1x256xf32>
    %div3A_24 = arith.constant 2.048000e+03 : f32
    %div3A_25 = vector.broadcast %div3A_24 : f32 to vector<1x256xf32>
    %div3A_26 = arith.divf %broadcast_in_dim3A_23, %div3A_25 : vector<1x256xf32>
    %add3A_27 = arith.constant 9.99999974E-6 : f32
    %add3A_28 = vector.broadcast %add3A_27 : f32 to vector<1x256xf32>
    %add3A_29 = arith.addf %div3A_26, %add3A_28 : vector<1x256xf32>
    %rsqrt3A = math.rsqrt %add3A_29 : vector<1x256xf32>
    %sub3A_30 = vector.broadcast %div3A_17 : vector<1x256xf32> to vector<2048x256xf32>
    %sub3A_31 = arith.subf %add3A_14, %sub3A_30 : vector<2048x256xf32>
    %mul3A_32 = vector.broadcast %rsqrt3A : vector<1x256xf32> to vector<2048x256xf32>
    %mul3A_33 = arith.mulf %sub3A_31, %mul3A_32 : vector<2048x256xf32>
    %get3A_34 = arith.constant 0 : index
    %get3A_35 = arith.constant 0 : index
    %get3A_36 = vector.load %arg4[%get3A_34, %get3A_35] : memref<1x256xf32, #tpu.memory_space<vmem>>, vector<1x256xf32>
    %mul3A_37 = vector.broadcast %get3A_36 : vector<1x256xf32> to vector<2048x256xf32>
    %mul3A_38 = arith.mulf %mul3A_33, %mul3A_37 : vector<2048x256xf32>
    %get3A_39 = arith.constant 0 : index
    %get3A_40 = arith.constant 0 : index
    %get3A_41 = vector.load %arg5[%get3A_39, %get3A_40] : memref<1x256xf32, #tpu.memory_space<vmem>>, vector<1x256xf32>
    %add3A_42 = vector.broadcast %get3A_41 : vector<1x256xf32> to vector<2048x256xf32>
    %add3A_43 = arith.addf %mul3A_38, %add3A_42 : vector<2048x256xf32>
    %max3A = arith.constant 0.000000e+00 : f32
    %max3A_44 = vector.broadcast %max3A : f32 to vector<2048x256xf32>
    %max3A_45 = arith.maximumf %add3A_43, %max3A_44 : vector<2048x256xf32>
    %get3A_46 = arith.constant 0 : index
    %get3A_47 = arith.constant 0 : index
    %get3A_48 = vector.load %arg6[%get3A_46, %get3A_47] : memref<256x512xf32, #tpu.memory_space<vmem>>, vector<256x512xf32>
    %dot_general3A_49 = arith.constant dense<0.000000e+00> : vector<2048x512xf32>
    %dot_general3A_50 = tpu.matmul %max3A_45, %get3A_48, %dot_general3A_49 {dimension_numbers = #tpu.dot_dimension_numbers<[1], [0], [0], [1], [0, 0, 1, 1], [], []>, transpose_lhs_hint = false} : vector<2048x256xf32>, vector<256x512xf32>, vector<2048x512xf32> -> vector<2048x512xf32>
    %get3A_51 = arith.constant 0 : index
    %get3A_52 = arith.constant 0 : index
    %get3A_53 = vector.load %arg7[%get3A_51, %get3A_52] : memref<1x512xf32, #tpu.memory_space<vmem>>, vector<1x512xf32>
    %add3A_54 = vector.broadcast %get3A_53 : vector<1x512xf32> to vector<2048x512xf32>
    %add3A_55 = arith.addf %dot_general3A_50, %add3A_54 : vector<2048x512xf32>
    %reduce_sum3A_56 = arith.constant dense<0.000000e+00> : vector<512xf32>
    %reduce_sum3A_57 = vector.multi_reduction <add>, %add3A_55, %reduce_sum3A_56 [0] : vector<2048x512xf32> to vector<512xf32>
    %broadcast_in_dim3A_58 = vector.shape_cast %reduce_sum3A_57 : vector<512xf32> to vector<1x512xf32>
    %div3A_59 = arith.constant 2.048000e+03 : f32
    %div3A_60 = vector.broadcast %div3A_59 : f32 to vector<1x512xf32>
    %div3A_61 = arith.divf %broadcast_in_dim3A_58, %div3A_60 : vector<1x512xf32>
    %sub3A_62 = vector.broadcast %div3A_61 : vector<1x512xf32> to vector<2048x512xf32>
    %sub3A_63 = arith.subf %add3A_55, %sub3A_62 : vector<2048x512xf32>
    %sub3A_64 = vector.broadcast %div3A_61 : vector<1x512xf32> to vector<2048x512xf32>
    %sub3A_65 = arith.subf %add3A_55, %sub3A_64 : vector<2048x512xf32>
    %mul3A_66 = arith.mulf %sub3A_63, %sub3A_65 : vector<2048x512xf32>
    %reduce_sum3A_67 = arith.constant dense<0.000000e+00> : vector<512xf32>
    %reduce_sum3A_68 = vector.multi_reduction <add>, %mul3A_66, %reduce_sum3A_67 [0] : vector<2048x512xf32> to vector<512xf32>
    %broadcast_in_dim3A_69 = vector.shape_cast %reduce_sum3A_68 : vector<512xf32> to vector<1x512xf32>
    %div3A_70 = arith.constant 2.048000e+03 : f32
    %div3A_71 = vector.broadcast %div3A_70 : f32 to vector<1x512xf32>
    %div3A_72 = arith.divf %broadcast_in_dim3A_69, %div3A_71 : vector<1x512xf32>
    %add3A_73 = arith.constant 9.99999974E-6 : f32
    %add3A_74 = vector.broadcast %add3A_73 : f32 to vector<1x512xf32>
    %add3A_75 = arith.addf %div3A_72, %add3A_74 : vector<1x512xf32>
    %rsqrt3A_76 = math.rsqrt %add3A_75 : vector<1x512xf32>
    %sub3A_77 = vector.broadcast %div3A_61 : vector<1x512xf32> to vector<2048x512xf32>
    %sub3A_78 = arith.subf %add3A_55, %sub3A_77 : vector<2048x512xf32>
    %mul3A_79 = vector.broadcast %rsqrt3A_76 : vector<1x512xf32> to vector<2048x512xf32>
    %mul3A_80 = arith.mulf %sub3A_78, %mul3A_79 : vector<2048x512xf32>
    %get3A_81 = arith.constant 0 : index
    %get3A_82 = arith.constant 0 : index
    %get3A_83 = vector.load %arg8[%get3A_81, %get3A_82] : memref<1x512xf32, #tpu.memory_space<vmem>>, vector<1x512xf32>
    %mul3A_84 = vector.broadcast %get3A_83 : vector<1x512xf32> to vector<2048x512xf32>
    %mul3A_85 = arith.mulf %mul3A_80, %mul3A_84 : vector<2048x512xf32>
    %get3A_86 = arith.constant 0 : index
    %get3A_87 = arith.constant 0 : index
    %get3A_88 = vector.load %arg9[%get3A_86, %get3A_87] : memref<1x512xf32, #tpu.memory_space<vmem>>, vector<1x512xf32>
    %add3A_89 = vector.broadcast %get3A_88 : vector<1x512xf32> to vector<2048x512xf32>
    %add3A_90 = arith.addf %mul3A_85, %add3A_89 : vector<2048x512xf32>
    %max3A_91 = arith.constant 0.000000e+00 : f32
    %max3A_92 = vector.broadcast %max3A_91 : f32 to vector<2048x512xf32>
    %max3A_93 = arith.maximumf %add3A_90, %max3A_92 : vector<2048x512xf32>
    %get3A_94 = arith.constant 0 : index
    %get3A_95 = arith.constant 0 : index
    %get3A_96 = vector.load %arg10[%get3A_94, %get3A_95] : memref<512x1024xf32, #tpu.memory_space<vmem>>, vector<512x1024xf32>
    %dot_general3A_97 = arith.constant dense<0.000000e+00> : vector<2048x1024xf32>
    %dot_general3A_98 = tpu.matmul %max3A_93, %get3A_96, %dot_general3A_97 {dimension_numbers = #tpu.dot_dimension_numbers<[1], [0], [0], [1], [0, 0, 1, 1], [], []>, transpose_lhs_hint = false} : vector<2048x512xf32>, vector<512x1024xf32>, vector<2048x1024xf32> -> vector<2048x1024xf32>
    %get3A_99 = arith.constant 0 : index
    %get3A_100 = arith.constant 0 : index
    %get3A_101 = vector.load %arg11[%get3A_99, %get3A_100] : memref<1x1024xf32, #tpu.memory_space<vmem>>, vector<1x1024xf32>
    %add3A_102 = vector.broadcast %get3A_101 : vector<1x1024xf32> to vector<2048x1024xf32>
    %add3A_103 = arith.addf %dot_general3A_98, %add3A_102 : vector<2048x1024xf32>
    %reduce_sum3A_104 = arith.constant dense<0.000000e+00> : vector<1024xf32>
    %reduce_sum3A_105 = vector.multi_reduction <add>, %add3A_103, %reduce_sum3A_104 [0] : vector<2048x1024xf32> to vector<1024xf32>
    %broadcast_in_dim3A_106 = vector.shape_cast %reduce_sum3A_105 : vector<1024xf32> to vector<1x1024xf32>
    %div3A_107 = arith.constant 2.048000e+03 : f32
    %div3A_108 = vector.broadcast %div3A_107 : f32 to vector<1x1024xf32>
    %div3A_109 = arith.divf %broadcast_in_dim3A_106, %div3A_108 : vector<1x1024xf32>
    %sub3A_110 = vector.broadcast %div3A_109 : vector<1x1024xf32> to vector<2048x1024xf32>
    %sub3A_111 = arith.subf %add3A_103, %sub3A_110 : vector<2048x1024xf32>
    %sub3A_112 = vector.broadcast %div3A_109 : vector<1x1024xf32> to vector<2048x1024xf32>
    %sub3A_113 = arith.subf %add3A_103, %sub3A_112 : vector<2048x1024xf32>
    %mul3A_114 = arith.mulf %sub3A_111, %sub3A_113 : vector<2048x1024xf32>
    %reduce_sum3A_115 = arith.constant dense<0.000000e+00> : vector<1024xf32>
    %reduce_sum3A_116 = vector.multi_reduction <add>, %mul3A_114, %reduce_sum3A_115 [0] : vector<2048x1024xf32> to vector<1024xf32>
    %broadcast_in_dim3A_117 = vector.shape_cast %reduce_sum3A_116 : vector<1024xf32> to vector<1x1024xf32>
    %div3A_118 = arith.constant 2.048000e+03 : f32
    %div3A_119 = vector.broadcast %div3A_118 : f32 to vector<1x1024xf32>
    %div3A_120 = arith.divf %broadcast_in_dim3A_117, %div3A_119 : vector<1x1024xf32>
    %add3A_121 = arith.constant 9.99999974E-6 : f32
    %add3A_122 = vector.broadcast %add3A_121 : f32 to vector<1x1024xf32>
    %add3A_123 = arith.addf %div3A_120, %add3A_122 : vector<1x1024xf32>
    %rsqrt3A_124 = math.rsqrt %add3A_123 : vector<1x1024xf32>
    %sub3A_125 = vector.broadcast %div3A_109 : vector<1x1024xf32> to vector<2048x1024xf32>
    %sub3A_126 = arith.subf %add3A_103, %sub3A_125 : vector<2048x1024xf32>
    %mul3A_127 = vector.broadcast %rsqrt3A_124 : vector<1x1024xf32> to vector<2048x1024xf32>
    %mul3A_128 = arith.mulf %sub3A_126, %mul3A_127 : vector<2048x1024xf32>
    %get3A_129 = arith.constant 0 : index
    %get3A_130 = arith.constant 0 : index
    %get3A_131 = vector.load %arg12[%get3A_129, %get3A_130] : memref<1x1024xf32, #tpu.memory_space<vmem>>, vector<1x1024xf32>
    %mul3A_132 = vector.broadcast %get3A_131 : vector<1x1024xf32> to vector<2048x1024xf32>
    %mul3A_133 = arith.mulf %mul3A_128, %mul3A_132 : vector<2048x1024xf32>
    %get3A_134 = arith.constant 0 : index
    %get3A_135 = arith.constant 0 : index
    %get3A_136 = vector.load %arg13[%get3A_134, %get3A_135] : memref<1x1024xf32, #tpu.memory_space<vmem>>, vector<1x1024xf32>
    %add3A_137 = vector.broadcast %get3A_136 : vector<1x1024xf32> to vector<2048x1024xf32>
    %add3A_138 = arith.addf %mul3A_133, %add3A_137 : vector<2048x1024xf32>
    %max3A_139 = arith.constant 0.000000e+00 : f32
    %max3A_140 = vector.broadcast %max3A_139 : f32 to vector<2048x1024xf32>
    %max3A_141 = arith.maximumf %add3A_138, %max3A_140 : vector<2048x1024xf32>
    %reshape3A_142 = vector.shape_cast %max3A_141 : vector<2048x1024xf32> to vector<16x128x1024xf32>
    %reduce_max3A = arith.constant dense<0xFF800000> : vector<16x1024xf32>
    %reduce_max3A_143 = vector.multi_reduction <maximumf>, %reshape3A_142, %reduce_max3A [1] : vector<16x128x1024xf32> to vector<16x1024xf32>
    %get3A_144 = arith.constant 0 : index
    %get3A_145 = arith.constant 0 : index
    %get3A_146 = vector.load %arg14[%get3A_144, %get3A_145] : memref<1024x512xf32, #tpu.memory_space<vmem>>, vector<1024x512xf32>
    %dot_general3A_147 = arith.constant dense<0.000000e+00> : vector<16x512xf32>
    %dot_general3A_148 = tpu.matmul %reduce_max3A_143, %get3A_146, %dot_general3A_147 {dimension_numbers = #tpu.dot_dimension_numbers<[1], [0], [0], [1], [0, 0, 1, 1], [], []>, transpose_lhs_hint = false} : vector<16x1024xf32>, vector<1024x512xf32>, vector<16x512xf32> -> vector<16x512xf32>
    %get3A_149 = arith.constant 0 : index
    %get3A_150 = arith.constant 0 : index
    %get3A_151 = vector.load %arg15[%get3A_149, %get3A_150] : memref<1x512xf32, #tpu.memory_space<vmem>>, vector<1x512xf32>
    %add3A_152 = vector.broadcast %get3A_151 : vector<1x512xf32> to vector<16x512xf32>
    %add3A_153 = arith.addf %dot_general3A_148, %add3A_152 : vector<16x512xf32>
    %reduce_sum3A_154 = arith.constant dense<0.000000e+00> : vector<512xf32>
    %reduce_sum3A_155 = vector.multi_reduction <add>, %add3A_153, %reduce_sum3A_154 [0] : vector<16x512xf32> to vector<512xf32>
    %broadcast_in_dim3A_156 = vector.shape_cast %reduce_sum3A_155 : vector<512xf32> to vector<1x512xf32>
    %div3A_157 = arith.constant 1.600000e+01 : f32
    %div3A_158 = vector.broadcast %div3A_157 : f32 to vector<1x512xf32>
    %div3A_159 = arith.divf %broadcast_in_dim3A_156, %div3A_158 : vector<1x512xf32>
    %sub3A_160 = vector.broadcast %div3A_159 : vector<1x512xf32> to vector<16x512xf32>
    %sub3A_161 = arith.subf %add3A_153, %sub3A_160 : vector<16x512xf32>
    %sub3A_162 = vector.broadcast %div3A_159 : vector<1x512xf32> to vector<16x512xf32>
    %sub3A_163 = arith.subf %add3A_153, %sub3A_162 : vector<16x512xf32>
    %mul3A_164 = arith.mulf %sub3A_161, %sub3A_163 : vector<16x512xf32>
    %reduce_sum3A_165 = arith.constant dense<0.000000e+00> : vector<512xf32>
    %reduce_sum3A_166 = vector.multi_reduction <add>, %mul3A_164, %reduce_sum3A_165 [0] : vector<16x512xf32> to vector<512xf32>
    %broadcast_in_dim3A_167 = vector.shape_cast %reduce_sum3A_166 : vector<512xf32> to vector<1x512xf32>
    %div3A_168 = arith.constant 1.600000e+01 : f32
    %div3A_169 = vector.broadcast %div3A_168 : f32 to vector<1x512xf32>
    %div3A_170 = arith.divf %broadcast_in_dim3A_167, %div3A_169 : vector<1x512xf32>
    %add3A_171 = arith.constant 9.99999974E-6 : f32
    %add3A_172 = vector.broadcast %add3A_171 : f32 to vector<1x512xf32>
    %add3A_173 = arith.addf %div3A_170, %add3A_172 : vector<1x512xf32>
    %rsqrt3A_174 = math.rsqrt %add3A_173 : vector<1x512xf32>
    %sub3A_175 = vector.broadcast %div3A_159 : vector<1x512xf32> to vector<16x512xf32>
    %sub3A_176 = arith.subf %add3A_153, %sub3A_175 : vector<16x512xf32>
    %mul3A_177 = vector.broadcast %rsqrt3A_174 : vector<1x512xf32> to vector<16x512xf32>
    %mul3A_178 = arith.mulf %sub3A_176, %mul3A_177 : vector<16x512xf32>
    %get3A_179 = arith.constant 0 : index
    %get3A_180 = arith.constant 0 : index
    %get3A_181 = vector.load %arg16[%get3A_179, %get3A_180] : memref<1x512xf32, #tpu.memory_space<vmem>>, vector<1x512xf32>
    %mul3A_182 = vector.broadcast %get3A_181 : vector<1x512xf32> to vector<16x512xf32>
    %mul3A_183 = arith.mulf %mul3A_178, %mul3A_182 : vector<16x512xf32>
    %get3A_184 = arith.constant 0 : index
    %get3A_185 = arith.constant 0 : index
    %get3A_186 = vector.load %arg17[%get3A_184, %get3A_185] : memref<1x512xf32, #tpu.memory_space<vmem>>, vector<1x512xf32>
    %add3A_187 = vector.broadcast %get3A_186 : vector<1x512xf32> to vector<16x512xf32>
    %add3A_188 = arith.addf %mul3A_183, %add3A_187 : vector<16x512xf32>
    %get3A_189 = arith.constant 0 : index
    %get3A_190 = arith.constant 0 : index
    %get3A_191 = vector.load %arg18[%get3A_189, %get3A_190] : memref<512x256xf32, #tpu.memory_space<vmem>>, vector<512x256xf32>
    %dot_general3A_192 = arith.constant dense<0.000000e+00> : vector<16x256xf32>
    %dot_general3A_193 = tpu.matmul %add3A_188, %get3A_191, %dot_general3A_192 {dimension_numbers = #tpu.dot_dimension_numbers<[1], [0], [0], [1], [0, 0, 1, 1], [], []>, transpose_lhs_hint = false} : vector<16x512xf32>, vector<512x256xf32>, vector<16x256xf32> -> vector<16x256xf32>
    %get3A_194 = arith.constant 0 : index
    %get3A_195 = arith.constant 0 : index
    %get3A_196 = vector.load %arg19[%get3A_194, %get3A_195] : memref<1x256xf32, #tpu.memory_space<vmem>>, vector<1x256xf32>
    %add3A_197 = vector.broadcast %get3A_196 : vector<1x256xf32> to vector<16x256xf32>
    %add3A_198 = arith.addf %dot_general3A_193, %add3A_197 : vector<16x256xf32>
    %reduce_sum3A_199 = arith.constant dense<0.000000e+00> : vector<256xf32>
    %reduce_sum3A_200 = vector.multi_reduction <add>, %add3A_198, %reduce_sum3A_199 [0] : vector<16x256xf32> to vector<256xf32>
    %broadcast_in_dim3A_201 = vector.shape_cast %reduce_sum3A_200 : vector<256xf32> to vector<1x256xf32>
    %div3A_202 = arith.constant 1.600000e+01 : f32
    %div3A_203 = vector.broadcast %div3A_202 : f32 to vector<1x256xf32>
    %div3A_204 = arith.divf %broadcast_in_dim3A_201, %div3A_203 : vector<1x256xf32>
    %sub3A_205 = vector.broadcast %div3A_204 : vector<1x256xf32> to vector<16x256xf32>
    %sub3A_206 = arith.subf %add3A_198, %sub3A_205 : vector<16x256xf32>
    %sub3A_207 = vector.broadcast %div3A_204 : vector<1x256xf32> to vector<16x256xf32>
    %sub3A_208 = arith.subf %add3A_198, %sub3A_207 : vector<16x256xf32>
    %mul3A_209 = arith.mulf %sub3A_206, %sub3A_208 : vector<16x256xf32>
    %reduce_sum3A_210 = arith.constant dense<0.000000e+00> : vector<256xf32>
    %reduce_sum3A_211 = vector.multi_reduction <add>, %mul3A_209, %reduce_sum3A_210 [0] : vector<16x256xf32> to vector<256xf32>
    %broadcast_in_dim3A_212 = vector.shape_cast %reduce_sum3A_211 : vector<256xf32> to vector<1x256xf32>
    %div3A_213 = arith.constant 1.600000e+01 : f32
    %div3A_214 = vector.broadcast %div3A_213 : f32 to vector<1x256xf32>
    %div3A_215 = arith.divf %broadcast_in_dim3A_212, %div3A_214 : vector<1x256xf32>
    %add3A_216 = arith.constant 9.99999974E-6 : f32
    %add3A_217 = vector.broadcast %add3A_216 : f32 to vector<1x256xf32>
    %add3A_218 = arith.addf %div3A_215, %add3A_217 : vector<1x256xf32>
    %rsqrt3A_219 = math.rsqrt %add3A_218 : vector<1x256xf32>
    %sub3A_220 = vector.broadcast %div3A_204 : vector<1x256xf32> to vector<16x256xf32>
    %sub3A_221 = arith.subf %add3A_198, %sub3A_220 : vector<16x256xf32>
    %mul3A_222 = vector.broadcast %rsqrt3A_219 : vector<1x256xf32> to vector<16x256xf32>
    %mul3A_223 = arith.mulf %sub3A_221, %mul3A_222 : vector<16x256xf32>
    %get3A_224 = arith.constant 0 : index
    %get3A_225 = arith.constant 0 : index
    %get3A_226 = vector.load %arg20[%get3A_224, %get3A_225] : memref<1x256xf32, #tpu.memory_space<vmem>>, vector<1x256xf32>
    %mul3A_227 = vector.broadcast %get3A_226 : vector<1x256xf32> to vector<16x256xf32>
    %mul3A_228 = arith.mulf %mul3A_223, %mul3A_227 : vector<16x256xf32>
    %get3A_229 = arith.constant 0 : index
    %get3A_230 = arith.constant 0 : index
    %get3A_231 = vector.load %arg21[%get3A_229, %get3A_230] : memref<1x256xf32, #tpu.memory_space<vmem>>, vector<1x256xf32>
    %add3A_232 = vector.broadcast %get3A_231 : vector<1x256xf32> to vector<16x256xf32>
    %add3A_233 = arith.addf %mul3A_228, %add3A_232 : vector<16x256xf32>
    %get3A_234 = arith.constant 0 : index
    %get3A_235 = arith.constant 0 : index
    %get3A_236 = vector.load %arg22[%get3A_234, %get3A_235] : memref<256x40xf32, #tpu.memory_space<vmem>>, vector<256x40xf32>
    %dot_general3A_237 = arith.constant dense<0.000000e+00> : vector<16x40xf32>
    %dot_general3A_238 = tpu.matmul %add3A_233, %get3A_236, %dot_general3A_237 {dimension_numbers = #tpu.dot_dimension_numbers<[1], [0], [0], [1], [0, 0, 1, 1], [], []>, transpose_lhs_hint = false} : vector<16x256xf32>, vector<256x40xf32>, vector<16x40xf32> -> vector<16x40xf32>
    %get3A_239 = arith.constant 0 : index
    %get3A_240 = arith.constant 0 : index
    %get3A_241 = vector.load %arg23[%get3A_239, %get3A_240] : memref<1x40xf32, #tpu.memory_space<vmem>>, vector<1x40xf32>
    %add3A_242 = vector.broadcast %get3A_241 : vector<1x40xf32> to vector<16x40xf32>
    %add3A_243 = arith.addf %dot_general3A_238, %add3A_242 : vector<16x40xf32>
    %reduce_max3A_244 = arith.constant dense<0xFF800000> : vector<16xf32>
    %reduce_max3A_245 = vector.multi_reduction <maximumf>, %add3A_243, %reduce_max3A_244 [1] : vector<16x40xf32> to vector<16xf32>
    %broadcast_in_dim3A_246 = vector.shape_cast %reduce_max3A_245 : vector<16xf32> to vector<16x1xf32>
    %sub3A_247 = vector.broadcast %broadcast_in_dim3A_246 : vector<16x1xf32> to vector<16x40xf32>
    %sub3A_248 = arith.subf %add3A_243, %sub3A_247 : vector<16x40xf32>
    %exp3A = math.exp %sub3A_248 : vector<16x40xf32>
    %reduce_sum3A_249 = arith.constant dense<0.000000e+00> : vector<16xf32>
    %reduce_sum3A_250 = vector.multi_reduction <add>, %exp3A, %reduce_sum3A_249 [1] : vector<16x40xf32> to vector<16xf32>
    %broadcast_in_dim3A_251 = vector.shape_cast %reduce_sum3A_250 : vector<16xf32> to vector<16x1xf32>
    %log3A = math.log %broadcast_in_dim3A_251 : vector<16x1xf32>
    %sub3A_252 = vector.broadcast %log3A : vector<16x1xf32> to vector<16x40xf32>
    %sub3A_253 = arith.subf %sub3A_248, %sub3A_252 : vector<16x40xf32>
    %swap3A = arith.constant 0 : index
    %swap3A_254 = arith.constant 0 : index
    %swap3A_255 = vector.load %arg24[%swap3A, %swap3A_254] : memref<16x40xf32, #tpu.memory_space<vmem>>, vector<16x40xf32>
    tpu.vector_store %arg24[%swap3A, %swap3A_254], %sub3A_253 {strides = array<i32>} : memref<16x40xf32, #tpu.memory_space<vmem>>, vector<16x40xf32>,
    return
  }
}

</mosaic_0001>

<sc_bundles>
// kernel: kernel.21.cloned.1.call-start
scs
__scs_entry_jumppad:
0x0: {  	(pc) =	sbr.rel $0x88, $3  }
0x1: {  	(tag) =	ssettag $0x0;
	lr =	simm.s32 $0x1  }
0x2: {  	[smem:$0x3F71] =	sst lr;
	_ =	strace $0xD0000000  }
0x3: {  	_ = 	snop  }
0x4: {  	_ = 	snop  }
0x5: {  	_ = 	snop  }
0x6: {  	_ = 	snop  }
0x7: {  	_ = 	snop  }
__scs_overlays_trampoline_lowered:
0x8: {  	[smem:$0x3F80] =	sst s0  }
0x9: {  	[smem:$0x3F81] =	sst s1  }
0xa: {  	[smem:$0x3F82] =	sst s2  }
0xb: {  	[smem:$0x3F83] =	sst s3  }
0xc: {  	[smem:$0x3F84] =	sst s4  }
0xd: {  	[smem:$0x3F85] =	sst s5  }
0xe: {  	[smem:$0x3F86] =	sst s6  }
0xf: {  	[smem:$0x3F87] =	sst s7  }
0x10: {  	[smem:$0x3F88] =	sst s8  }
0x11: {  	[smem:$0x3F89] =	sst s9;
	s0 =	simm.s32 @!p0 $0x0  }
0x12: {  	s1 =	sld [smem:$0x3F6F];
	s0 =	simm.s32 @p0 $0x1  }
0x13: {  	[smem:$0x3F8A] =	sst s0;
	s0 =	simm.s32 @!p1 $0x0  }
0x14: {  	s2 =	sld [smem:$0x3F6E];
	s0 =	simm.s32 @p1 $0x1  }
0x15: {  	[smem:$0x3F8B] =	sst s0;
	s0 =	simm.s32 @!p2 $0x0  }
0x16: {  	s3 =	sld [smem:$0x3FDB];
	s0 =	simm.s32 @p2 $0x1  }
0x17: {  	s4 =	simm.s32 $0x1BF5;
	[smem:$0x3F8D] =	sst s0  }
0x18: {  	s0 =	sld [smem:$0x3F70];
	_ =	swait.ge [sflag:s4], $0x0  }
0x19: {  	s7 =	sld [smem:$0x3F71]  }
0x1a: {  	s8 =	sadd.s32 $0xFFFFE003, lr  }
0x1b: {  	s9 =	sadd.s32 $0xFFFFFEF7, lr;
	s5 =	simm.s32 $0xFFFFFFFF;
	p2 =	slt.u32 s8, $0xFFFFF086  }
0x1c: {  	p1 =	slt.u32 s9, $0xF7A;
	s5 =	simm.s32 @!p2 $0x0  }
0x1d: {  	s5 =	simm.s32 @p1 $0x1;
	p0 =	seq.s32 s7, s2  }
0x1e: {  	s7 =	smul.u32 @!p0 $0xF7A, s2;
	p2 =	seq.s32 @!p0 s5, $0x0  }
0x1f: {  	s9 =	smul.u32 $0xF7A, s1;
	s8 =	simm.s32 @!p0 $0x1BF5;
	p2 =	por !p2, p0  }
0x20: {  	[sflag:s8] =	ssyncset.s32 @!p0 $0xFFFFF086;
	s6 =	sadd.s32 @!p0 s3, s7;
	s7 =	simm.s32 @!p0 $0x108  }
0x21: {  	s3 =	sadd.s32 s3, s9;
	s6 =	sadd.s32 @!p0 $0x88, s6;
	s7 =	simm.s32 @p2 $0x1082  }
0x22: {  	[simem:s7], [sflag:s8] =	dma.local @!p0 [hbm:s6], $0xF7A  }
0x23: {  	s9 =	sor.u32 $0xD0000000, s2;
	s6 =	simm.s32 $0x108;
	_ =	swait.ge @!p0 [sflag:s8], $0x0  }
0x24: {  	s3 =	sadd.s32 $0x88, s3;
	s6 =	simm.s32 @!p1 $0x1082;
	[sflag:s4] =	ssyncset.s32 $0xFFFFF086  }
0x25: {  	[simem:s6], [sflag:s4] =	dma.local [hbm:s3], $0xF7A  }
0x26: {  	[smem:$0x3F71] =	sst s1;
	(tag) =	ssettag s2;
	_ =	strace s9  }
0x27: {  	s1 =	sld [smem:$0x3F81]  }
0x28: {  	s2 =	sld [smem:$0x3F82]  }
0x29: {  	s4 =	sld [smem:$0x3F84]  }
0x2a: {  	p0 =	seq.s32 s5, $0x0;
	s5 =	sld [smem:$0x3F85]  }
0x2b: {  	s6 =	sld [smem:$0x3F86]  }
0x2c: {  	s7 =	sld [smem:$0x3F87]  }
0x2d: {  	s3 =	simm.s32 $0x108;
	s8 =	sld [smem:$0x3F88]  }
0x2e: {  	s3 =	simm.s32 @!p0 $0x1082;
	s9 =	sld [smem:$0x3F89]  }
0x2f: {  	lr =	sadd.s32 s0, s3;
	s0 =	sld [smem:$0x3F80]  }
0x30: {  	s3 =	sld [smem:$0x3F83]  }
0x31: {  	[smem:$0x3F8C] =	sst s10  }
0x32: {  	s10 =	sld [smem:$0x3F8A];
	_ =	sdelay $0x3  }
0x33: {  	p0 =	seq.s32 s10, $0x1;
	s10 =	sld [smem:$0x3F8C];
	_ =	sdelay $0x3  }
0x34: {  	[smem:$0x3F8C] =	sst s10  }
0x35: {  	s10 =	sld [smem:$0x3F8B];
	_ =	sdelay $0x3  }
0x36: {  	p1 =	seq.s32 s10, $0x1;
	s10 =	sld [smem:$0x3F8C];
	_ =	sdelay $0x3  }
0x37: {  	[smem:$0x3F8C] =	sst s10  }
0x38: {  	s10 =	sld [smem:$0x3F8D]  }
0x39: {  	_ = 	snop;
	(pc) =	sbr.ind lr, $3  }
0x3a: {  	_ = 	snop  }
0x3b: {  	_ = 	snop  }
0x3c: {  	p2 =	seq.s32 s10, $0x1;
	s10 =	sld [smem:$0x3F8C]  }
0x3d: {  	_ =	shalt  }
0x3e: {  	_ =	shalt  }
0x3f: {  	_ =	shalt  }
0x40: {  	_ =	shalt  }
0x41: {  	_ =	shalt  }
0x42: {  	_ =	shalt  }
0x43: {  	_ =	shalt  }
0x44: {  	_ =	shalt  }
0x45: {  	_ =	shalt  }
0x46: {  	_ =	shalt  }
0x47: {  	_ =	shalt  }
0x48: {  	_ =	shalt  }
0x49: {  	_ =	shalt  }
0x4a: {  	_ =	shalt  }
0x4b: {  	_ =	shalt  }
0x4c: {  	_ =	shalt  }
0x4d: {  	_ =	shalt  }
0x4e: {  	_ =	shalt  }
0x4f: {  	_ =	shalt  }
0x50: {  	_ =	shalt  }
0x51: {  	_ =	shalt  }
0x52: {  	_ =	shalt  }
0x53: {  	_ =	shalt  }
0x54: {  	_ =	shalt  }
0x55: {  	_ =	shalt  }
0x56: {  	_ =	shalt  }
0x57: {  	_ =	shalt  }
0x58: {  	_ =	shalt  }
0x59: {  	_ =	shalt  }
0x5a: {  	_ =	shalt  }
0x5b: {  	_ =	shalt  }
0x5c: {  	_ =	shalt  }
0x5d: {  	_ =	shalt  }
0x5e: {  	_ =	shalt  }
0x5f: {  	_ =	shalt  }
0x60: {  	_ =	shalt  }
0x61: {  	_ =	shalt  }
0x62: {  	_ =	shalt  }
0x63: {  	_ =	shalt  }
0x64: {  	_ =	shalt  }
0x65: {  	_ =	shalt  }
0x66: {  	_ =	shalt  }
0x67: {  	_ =	shalt  }
0x68: {  	_ =	shalt  }
0x69: {  	_ =	shalt  }
0x6a: {  	_ =	shalt  }
0x6b: {  	_ =	shalt  }
0x6c: {  	_ =	shalt  }
0x6d: {  	_ =	shalt  }
0x6e: {  	_ =	shalt  }
0x6f: {  	_ =	shalt  }
0x70: {  	_ =	shalt  }
0x71: {  	_ =	shalt  }
0x72: {  	_ =	shalt  }
0x73: {  	_ =	shalt  }
0x74: {  	_ =	shalt  }
0x75: {  	_ =	shalt  }
0x76: {  	_ =	shalt  }
0x77: {  	_ =	shalt  }
0x78: {  	_ =	shalt  }
0x79: {  	_ =	shalt  }
0x7a: {  	_ =	shalt  }
0x7b: {  	_ =	shalt  }
0x7c: {  	_ =	shalt  }
0x7d: {  	_ =	shalt  }
0x7e: {  	_ =	shalt  }
0x7f: {  	_ =	shalt  }
0x80: {  	_ =	shalt  }
0x81: {  	_ =	shalt  }
0x82: {  	_ =	shalt  }
0x83: {  	_ =	shalt  }
0x84: {  	_ =	shalt  }
0x85: {  	_ =	shalt  }
0x86: {  	_ =	shalt  }
0x87: {  	_ =	shalt  }
.Lfunc_end0:
.L_simem_size_0:
called_computation_lowered:
.L_overlay_start_0:
0x88: {  	s2 =	sld [smem:$0x3FD9]  }
0x89: {  	s3 =	sld [smem:$0x3FFE];
	_ =	sdelay $0x1  }
0x8a: {  	s1 =	srdreg.scid  }
0x8b: {  	s0 =	sand.u32 $0x1, s1  }
0x8c: {  	s16 =	sshll.u32 s0, $0xA;
	s2 =	sadd.s32 s3, s2  }
0x8d: {  	s2 =	sadd.s32 s2, s16  }
0x8e: {  	[smem:$0x3F98] =	sst s2  }
0x8f: {  	_ = 	snop  }
0x90: {  	(tm) =	ssettm $0x1  }
0x91: {  	s17 =	sld [smem:$0x3FFB];
	_ =	sdelay $0x3  }
0x92: {  	_ =	strace s17  }
0x93: {  	s2 =	sld [smem:$0x3FFC];
	_ =	sdelay $0x3  }
0x94: {  	_ =	strace s2  }
0x95: {  	s2 =	sld [smem:$0x3FFD];
	_ =	sdelay $0x3  }
0x96: {  	_ =	strace s2  }
0x97: {  	_ =	strace $0x8FFFFFFF  }
0x98: {  	s18 =	sld [smem:$0x3FDB];
	_ =	sdelay $0x1  }
0x99: {  	s19 =	simm.s32 $_scs_section_size  }
0x9a: {  	s4 =	simm.s32 $_size__tile_overlayer_lowered;
	s5 =	simm.s32 $_tile_overlayer_lowered  }
0x9b: {  	s22 =	simm.s32 $0x1BFF;
	s21 =	sshll.u32 s5, $0x1;
	s2 =	sadd.s32 s19, s18  }
0x9c: {  	s6 =	simm.s32 $0x0;
	s20 =	sshll.u32 s4, $0x1;
	s4 =	sadd.s32 s21, s2  }
0x9d: {  	[timem:s6], [sflag:s22] =	dma.local [hbm:s4], s20  }
0x9e: {  	_ =	swait.ge [sflag:s22], s20  }
0x9f: {  	s3 =	ssub.s32 $0x0, s20;
	[sflag:s22] =	ssyncset.done $0x0  }
0xa0: {  	[sflag:s22] =	ssyncadd.s32 s3;
	_ =	sdelay $0x1  }
0xa1: {  	s23 =	simm.s32 $0x1B8B  }
0xa2: {  	_ =	swait.ge [sflag:s23], $0x1  }
0xa3: {  	[sflag:s23] =	ssyncset.done $0x0  }
0xa4: {  	s25 =	simm.s32 $0x1B8E;
	s24 =	sld [smem:$0x3FFE];
	[sflag:s23] =	ssyncadd.s32 $0xFFFFFFFF  }
0xa5: {  	s26 =	simm.s32 $execute0_lowered;
	[smem:$0x3FD2] =	sst s25  }
0xa6: {  	s4 =	sshll.u32 s26, $0x1;
	_ =	strace $0x80000046;
	[dreg:$0x1] =	wrdreg $0xFFFFFFFF  }
0xa7: {  	s28 =	simm.s32 $_size_execute0_lowered;
	s2 =	sadd.s32 s2, s4;
	[dreg:$0x0] =	wrdreg $0x0  }
0xa8: {  	s4 =	sshll.u32 s28, $0x1;
	[dreg:$0x2] =	wrdreg s2  }
0xa9: {  	[dreg:$0x3] =	wrdreg s4  }
0xaa: {  	[dreg:$0x4] =	wrdreg $0xC0  }
0xab: {  	_ =	task [dreg:s6], $0x5FFFF  }
0xac: {  	[dreg:$0x1] =	wrdreg $0xFFFFFFFF  }
0xad: {  	[dreg:$0x0] =	wrdreg $0x60  }
0xae: {  	[dreg:$0x2] =	wrdreg s24  }
0xaf: {  	[dreg:$0x3] =	wrdreg $0xA  }
0xb0: {  	_ =	task.clear_ibuf [dreg:s6], $0x4FFFF;
	_ =	strace $0x90000046  }
0xb1: {  	s29 =	simm.s32 $0xA;
	_ =	strace $0x80000048  }
0xb2: {  	_ =	swait.ge [sflag:s29], $0x1  }
0xb3: {  	[sflag:s29] =	ssyncadd.s32 $0xFFFFFFFF  }
0xb4: {  	_ =	strace $0x90000048  }
0xb5: {  	_ =	sfence  }
0xb6: {  	s30 =	sld [smem:$0x0];
	_ =	sdelay $0x2  }
0xb7: {  	s31 =	sshll.u32 s1, $0xD;
	s1 =	sshrl.u32 s1, $0x2  }
0xb8: {  	s3 =	sand.u32 $0x4000, s31;
	s1 =	sadd.s32 s1, s30  }
0xb9: {  	s0 =	sor.u32 s3, s0;
	s1 =	sshll.u32 s1, $0x11  }
0xba: {  	s0 =	sor.u32 s1, s0  }
0xbb: {  	s0 =	sadd.s32 $0x8F2B, s0  }
0xbc: {  	[sflag:s0] =	ssyncadd.remote.s32 $0x1  }
0xbd: {  	_ =	sfence.sel $0xFFFF  }
0xbe: {  	[dreg:$0x0] =	wrdreg $0xFFFFFFFF;
	(pc) =	sbr.abs _section_cstart, $3  }
0xbf: {  	[dreg:$0x1] =	wrdreg $0xFFFFFFFF  }
0xc0: {  	_ =	task.clear_ibuf [dreg:s6], $0x2FFFF;
	_ =	strace $0x9FFFFFFF  }
0xc1: {  	(tm) =	ssettm $0x7FFFFFFF  }
tec
execute0_lowered:
.L_overlay_start_1:
0x0: {  	(tag) =	ssettag $0x1  }
0x1: {  	s4 =	rddreg [dreg:$0x0]  }
0x2: {  	s0 =	rddreg [dreg:$0x1];
	s2 =	simm.s32 $0x0;
	s3 =	srdreg.scid  }
0x3: {  	s1 =	stileid.u32;
	s10 =	simm.s32 $0x0;
	[smem:$0x7FF] =	sst s2  }
0x4: {  	s5 =	sand.u32 $0x1, s3;
	s6 =	sshll.u32 s1, $0xE;
	s3 =	sadd.s32 $0x25000, s4  }
0x5: {  	s8 =	sshll.u32 s1, $0x12;
	_ =	strace $0x80000047;
	s7 =	sshll.u32 s5, $0xD  }
0x6: {  	s31 =	ssub.s32 $0x2, s5;
	s8 =	sadd.s32 s8, s4;
	s5 =	sshll.u32 s5, $0x11  }
0x7: {  	s6 =	sor.u32 s7, s6;
	s9 =	sshrl.u32 s31, $0x1;
	s5 =	sadd.s32 s5, s8  }
0x8: {  	s8 =	simm.s32 $0x80;
	s6 =	sshrl.u32 s6, $0x3;
	s7 =	ssub.s32 s31, s9  }
0x9: {  	s5 =	sadd.s32 $0xAD000, s5;
	s9 =	simm.s32 $0x1;
	s6 =	sadd.s32 s6, s4  }
0xa: {  	s4 =	smax.u32 s7, $0x1;
	s7 =	simm.s32 $0x2;
	s6 =	sadd.s32 $0xA5000, s6  }
.LBB2_1:
0xb: {  	s11 =	sadd.s32 $0x0, s6  }
0xc: {  	[tilespmem:s2], [sflag:$0x2] =	stream.linear.gather [hbm4b:s11+s2], $0x80, $0x38;
	[tilespmem:$0x4080] =	vst v63  }
0xd: {  	_ =	swait.ge [sflag:s7], $0x80  }
0xe: {  	[sflag:s7] =	ssyncset.done $0x0  }
0xf: {  	[sflag:s7] =	ssyncadd.s32 $0xFFFFFF80  }
0x10: {  	[tilespmem:s8], [sflag:$0x1] =	stream.indirect.gather [hbm4b:s3+s8], $0x80, s2, s8, $0xb8;
	[tilespmem:$0x4080] =	vst v63  }
0x11: {  	_ =	swait.ge [sflag:s9], $0x4000  }
0x12: {  	[sflag:s9] =	ssyncset.done $0x0  }
0x13: {  	[sflag:s9] =	ssyncadd.s32 $0xFFFFC000  }
0x14: {  	[hbm4b:s5+s2] =	stream.linear.scatter [tilespmem:s8], [sflag:$0x2], $0x4000, $0x38;
	[tilespmem:$0x4080] =	vst v63  }
0x15: {  	s12 =	simm.s32 $0x10;
	_ =	swait.ge [sflag:s7], $0x4000  }
0x16: {  	s13 =	simm.s32 $0x20;
	s11 =	sadd.s32 $0x800, s5;
	[sflag:s7] =	ssyncset.done $0x0  }
.LBB2_2:
0x17: {  	s14 =	sadd.s32 s12, s6  }
0x18: {  	[sflag:s7] =	ssyncadd.s32 $0xFFFFC000;
	s12 =	smov.u32 s13;
	s15 =	sadd.s32 $0x10, s13  }
0x19: {  	[tilespmem:s2], [sflag:$0x2] =	stream.linear.gather [hbm4b:s14+s2], $0x80, $0x38;
	[tilespmem:$0x4080] =	vst v63  }
0x1a: {  	p0 =	sne.s32 s13, $0x3F0;
	_ =	swait.ge [sflag:s7], $0x80  }
0x1b: {  	[sflag:s7] =	ssyncset.done $0x0  }
0x1c: {  	[sflag:s7] =	ssyncadd.s32 $0xFFFFFF80  }
0x1d: {  	[tilespmem:s8], [sflag:$0x1] =	stream.indirect.gather [hbm4b:s3+s8], $0x80, s2, s8, $0xb8;
	[tilespmem:$0x4080] =	vst v63  }
0x1e: {  	_ =	swait.ge [sflag:s9], $0x4000  }
.Ltmp0:
0x1f: {  	[sflag:s9] =	ssyncset.done $0x0;
	(pc) =	sbr.rel @p0 .LBB2_2-.Ltmp0, $4  }
0x20: {  	[sflag:s9] =	ssyncadd.s32 $0xFFFFC000  }
0x21: {  	[hbm4b:s11+s2] =	stream.linear.scatter [tilespmem:s8], [sflag:$0x2], $0x4000, $0x38;
	[tilespmem:$0x4080] =	vst v63  }
0x22: {  	_ =	swait.ge [sflag:s7], $0x4000  }
0x23: {  	s13 =	smov.u32 s15;
	s11 =	sadd.s32 $0x800, s11;
	[sflag:s7] =	ssyncset.done $0x0  }
0x24: {  	s12 =	sadd.s32 s12, s6;
	[sflag:s7] =	ssyncadd.s32 $0xFFFFC000  }
0x25: {  	[tilespmem:s2], [sflag:$0x2] =	stream.linear.gather [hbm4b:s12+s2], $0x80, $0x38;
	[tilespmem:$0x4080] =	vst v63  }
0x26: {  	_ =	swait.ge [sflag:s7], $0x80  }
0x27: {  	[sflag:s7] =	ssyncset.done $0x0  }
0x28: {  	[sflag:s7] =	ssyncadd.s32 $0xFFFFFF80  }
0x29: {  	[tilespmem:s8], [sflag:$0x1] =	stream.indirect.gather [hbm4b:s3+s8], $0x80, s2, s8, $0xb8;
	[tilespmem:$0x4080] =	vst v63  }
0x2a: {  	s10 =	sadd.s32 $0x1, s10;
	_ =	swait.ge [sflag:s9], $0x4000  }
0x2b: {  	p0 =	sne.s32 s10, s4;
	[sflag:s9] =	ssyncset.done $0x0  }
.Ltmp1:
0x2c: {  	[sflag:s9] =	ssyncadd.s32 $0xFFFFC000;
	(pc) =	sbr.rel @p0 .LBB2_1-.Ltmp1, $4  }
0x2d: {  	[hbm4b:s11+s2] =	stream.linear.scatter [tilespmem:s8], [sflag:$0x2], $0x4000, $0x38;
	[tilespmem:$0x4080] =	vst v63  }
0x2e: {  	_ =	swait.ge [sflag:s7], $0x4000  }
0x2f: {  	[sflag:s7] =	ssyncset.done $0x0  }
0x30: {  	[sflag:s7] =	ssyncadd.s32 $0xFFFFC000  }
0x31: {  	_ =	sfence.sel $0x180000  }
0x32: {  	[bflag:$0x0] =	sbarrier.arrive $0xFFFF  }
0x33: {  	p0 =	sne.s32 s1, $0x0;
	_ =	strace $0x90000047  }
0x34: {  	s0 =	sadd.s32 @!p0 $0x100000, s0;
	[bflag:$0x2] =	sbarrier.arrive $0xFFFF  }
0x35: {  	[sflag:s0] =	ssyncadd.tile.s32 @!p0 $0x1;
	_ =	shalt  }
.Lfunc_end2:
_tile_overlayer_lowered:
.L_overlay_start_2:
0x36: {  	(tag) =	ssettag $0x2  }
0x37: {  	s0 =	rddreg [dreg:$0x0];
	s2 =	stileid.u32  }
0x38: {  	s1 =	rddreg [dreg:$0x1];
	p0 =	sne.s32 s2, $0x0  }
0x39: {  	s3 =	rddreg [dreg:$0x2];
	[bflag:$0x3] =	sbarrier.arrive $0xFFFF;
	s2 =	simm.s32 @!p0 $0x1C02  }
0x3a: {  	[timem:s3], [sflag:s2] =	dma.local @!p0 [hbm:s0], s1  }
0x3b: {  	s0 =	simm.s32 @!p0 $0x2  }
0x3c: {  	_ =	swait.ge @!p0 [sflag:s0], s1  }
0x3d: {  	s1 =	ssub.s32 @!p0 $0x0, s1;
	[sflag:s0] =	ssyncset.done @!p0 $0x0  }
0x3e: {  	[sflag:s0] =	ssyncadd.s32 @!p0 s1  }
0x3f: {  	[bflag:$0x3] =	sbarrier.arrive $0xFFFF  }
0x40: {  	_ =	shalt  }

// kernel: kernel.24.cloned.1.call-start
scs
__scs_entry_jumppad:
0x0: {  	(pc) =	sbr.rel $0x88, $3  }
0x1: {  	(tag) =	ssettag $0x0;
	lr =	simm.s32 $0x1  }
0x2: {  	[smem:$0x3F71] =	sst lr;
	_ =	strace $0xD0000000  }
0x3: {  	_ = 	snop  }
0x4: {  	_ = 	snop  }
0x5: {  	_ = 	snop  }
0x6: {  	_ = 	snop  }
0x7: {  	_ = 	snop  }
__scs_overlays_trampoline_lowered:
0x8: {  	[smem:$0x3F80] =	sst s0  }
0x9: {  	[smem:$0x3F81] =	sst s1  }
0xa: {  	[smem:$0x3F82] =	sst s2  }
0xb: {  	[smem:$0x3F83] =	sst s3  }
0xc: {  	[smem:$0x3F84] =	sst s4  }
0xd: {  	[smem:$0x3F85] =	sst s5  }
0xe: {  	[smem:$0x3F86] =	sst s6  }
0xf: {  	[smem:$0x3F87] =	sst s7  }
0x10: {  	[smem:$0x3F88] =	sst s8  }
0x11: {  	[smem:$0x3F89] =	sst s9;
	s0 =	simm.s32 @!p0 $0x0  }
0x12: {  	s1 =	sld [smem:$0x3F6F];
	s0 =	simm.s32 @p0 $0x1  }
0x13: {  	[smem:$0x3F8A] =	sst s0;
	s0 =	simm.s32 @!p1 $0x0  }
0x14: {  	s2 =	sld [smem:$0x3F6E];
	s0 =	simm.s32 @p1 $0x1  }
0x15: {  	[smem:$0x3F8B] =	sst s0;
	s0 =	simm.s32 @!p2 $0x0  }
0x16: {  	s3 =	sld [smem:$0x3FDB];
	s0 =	simm.s32 @p2 $0x1  }
0x17: {  	s4 =	simm.s32 $0x1BF5;
	[smem:$0x3F8D] =	sst s0  }
0x18: {  	s0 =	sld [smem:$0x3F70];
	_ =	swait.ge [sflag:s4], $0x0  }
0x19: {  	s7 =	sld [smem:$0x3F71]  }
0x1a: {  	s8 =	sadd.s32 $0xFFFFE003, lr  }
0x1b: {  	s9 =	sadd.s32 $0xFFFFFEF7, lr;
	s5 =	simm.s32 $0xFFFFFFFF;
	p2 =	slt.u32 s8, $0xFFFFF086  }
0x1c: {  	p1 =	slt.u32 s9, $0xF7A;
	s5 =	simm.s32 @!p2 $0x0  }
0x1d: {  	s5 =	simm.s32 @p1 $0x1;
	p0 =	seq.s32 s7, s2  }
0x1e: {  	s7 =	smul.u32 @!p0 $0xF7A, s2;
	p2 =	seq.s32 @!p0 s5, $0x0  }
0x1f: {  	s9 =	smul.u32 $0xF7A, s1;
	s8 =	simm.s32 @!p0 $0x1BF5;
	p2 =	por !p2, p0  }
0x20: {  	[sflag:s8] =	ssyncset.s32 @!p0 $0xFFFFF086;
	s6 =	sadd.s32 @!p0 s3, s7;
	s7 =	simm.s32 @!p0 $0x108  }
0x21: {  	s3 =	sadd.s32 s3, s9;
	s6 =	sadd.s32 @!p0 $0x88, s6;
	s7 =	simm.s32 @p2 $0x1082  }
0x22: {  	[simem:s7], [sflag:s8] =	dma.local @!p0 [hbm:s6], $0xF7A  }
0x23: {  	s9 =	sor.u32 $0xD0000000, s2;
	s6 =	simm.s32 $0x108;
	_ =	swait.ge @!p0 [sflag:s8], $0x0  }
0x24: {  	s3 =	sadd.s32 $0x88, s3;
	s6 =	simm.s32 @!p1 $0x1082;
	[sflag:s4] =	ssyncset.s32 $0xFFFFF086  }
0x25: {  	[simem:s6], [sflag:s4] =	dma.local [hbm:s3], $0xF7A  }
0x26: {  	[smem:$0x3F71] =	sst s1;
	(tag) =	ssettag s2;
	_ =	strace s9  }
0x27: {  	s1 =	sld [smem:$0x3F81]  }
0x28: {  	s2 =	sld [smem:$0x3F82]  }
0x29: {  	s4 =	sld [smem:$0x3F84]  }
0x2a: {  	p0 =	seq.s32 s5, $0x0;
	s5 =	sld [smem:$0x3F85]  }
0x2b: {  	s6 =	sld [smem:$0x3F86]  }
0x2c: {  	s7 =	sld [smem:$0x3F87]  }
0x2d: {  	s3 =	simm.s32 $0x108;
	s8 =	sld [smem:$0x3F88]  }
0x2e: {  	s3 =	simm.s32 @!p0 $0x1082;
	s9 =	sld [smem:$0x3F89]  }
0x2f: {  	lr =	sadd.s32 s0, s3;
	s0 =	sld [smem:$0x3F80]  }
0x30: {  	s3 =	sld [smem:$0x3F83]  }
0x31: {  	[smem:$0x3F8C] =	sst s10  }
0x32: {  	s10 =	sld [smem:$0x3F8A];
	_ =	sdelay $0x3  }
0x33: {  	p0 =	seq.s32 s10, $0x1;
	s10 =	sld [smem:$0x3F8C];
	_ =	sdelay $0x3  }
0x34: {  	[smem:$0x3F8C] =	sst s10  }
0x35: {  	s10 =	sld [smem:$0x3F8B];
	_ =	sdelay $0x3  }
0x36: {  	p1 =	seq.s32 s10, $0x1;
	s10 =	sld [smem:$0x3F8C];
	_ =	sdelay $0x3  }
0x37: {  	[smem:$0x3F8C] =	sst s10  }
0x38: {  	s10 =	sld [smem:$0x3F8D]  }
0x39: {  	_ = 	snop;
	(pc) =	sbr.ind lr, $3  }
0x3a: {  	_ = 	snop  }
0x3b: {  	_ = 	snop  }
0x3c: {  	p2 =	seq.s32 s10, $0x1;
	s10 =	sld [smem:$0x3F8C]  }
0x3d: {  	_ =	shalt  }
0x3e: {  	_ =	shalt  }
0x3f: {  	_ =	shalt  }
0x40: {  	_ =	shalt  }
0x41: {  	_ =	shalt  }
0x42: {  	_ =	shalt  }
0x43: {  	_ =	shalt  }
0x44: {  	_ =	shalt  }
0x45: {  	_ =	shalt  }
0x46: {  	_ =	shalt  }
0x47: {  	_ =	shalt  }
0x48: {  	_ =	shalt  }
0x49: {  	_ =	shalt  }
0x4a: {  	_ =	shalt  }
0x4b: {  	_ =	shalt  }
0x4c: {  	_ =	shalt  }
0x4d: {  	_ =	shalt  }
0x4e: {  	_ =	shalt  }
0x4f: {  	_ =	shalt  }
0x50: {  	_ =	shalt  }
0x51: {  	_ =	shalt  }
0x52: {  	_ =	shalt  }
0x53: {  	_ =	shalt  }
0x54: {  	_ =	shalt  }
0x55: {  	_ =	shalt  }
0x56: {  	_ =	shalt  }
0x57: {  	_ =	shalt  }
0x58: {  	_ =	shalt  }
0x59: {  	_ =	shalt  }
0x5a: {  	_ =	shalt  }
0x5b: {  	_ =	shalt  }
0x5c: {  	_ =	shalt  }
0x5d: {  	_ =	shalt  }
0x5e: {  	_ =	shalt  }
0x5f: {  	_ =	shalt  }
0x60: {  	_ =	shalt  }
0x61: {  	_ =	shalt  }
0x62: {  	_ =	shalt  }
0x63: {  	_ =	shalt  }
0x64: {  	_ =	shalt  }
0x65: {  	_ =	shalt  }
0x66: {  	_ =	shalt  }
0x67: {  	_ =	shalt  }
0x68: {  	_ =	shalt  }
0x69: {  	_ =	shalt  }
0x6a: {  	_ =	shalt  }
0x6b: {  	_ =	shalt  }
0x6c: {  	_ =	shalt  }
0x6d: {  	_ =	shalt  }
0x6e: {  	_ =	shalt  }
0x6f: {  	_ =	shalt  }
0x70: {  	_ =	shalt  }
0x71: {  	_ =	shalt  }
0x72: {  	_ =	shalt  }
0x73: {  	_ =	shalt  }
0x74: {  	_ =	shalt  }
0x75: {  	_ =	shalt  }
0x76: {  	_ =	shalt  }
0x77: {  	_ =	shalt  }
0x78: {  	_ =	shalt  }
0x79: {  	_ =	shalt  }
0x7a: {  	_ =	shalt  }
0x7b: {  	_ =	shalt  }
0x7c: {  	_ =	shalt  }
0x7d: {  	_ =	shalt  }
0x7e: {  	_ =	shalt  }
0x7f: {  	_ =	shalt  }
0x80: {  	_ =	shalt  }
0x81: {  	_ =	shalt  }
0x82: {  	_ =	shalt  }
0x83: {  	_ =	shalt  }
0x84: {  	_ =	shalt  }
0x85: {  	_ =	shalt  }
0x86: {  	_ =	shalt  }
0x87: {  	_ =	shalt  }
.Lfunc_end0:
.L_simem_size_0:
called_computation.1_lowered:
.L_overlay_start_0:
0x88: {  	s2 =	sld [smem:$0x3FD9]  }
0x89: {  	s3 =	sld [smem:$0x3FFE];
	_ =	sdelay $0x1  }
0x8a: {  	s1 =	srdreg.scid  }
0x8b: {  	s0 =	sand.u32 $0x1, s1  }
0x8c: {  	s17 =	sshll.u32 s0, $0xA;
	s2 =	sadd.s32 s3, s2  }
0x8d: {  	s2 =	sadd.s32 s2, s17  }
0x8e: {  	[smem:$0x3F98] =	sst s2  }
0x8f: {  	_ = 	snop  }
0x90: {  	(tm) =	ssettm $0x1  }
0x91: {  	s18 =	sld [smem:$0x3FFB];
	_ =	sdelay $0x3  }
0x92: {  	_ =	strace s18  }
0x93: {  	s2 =	sld [smem:$0x3FFC];
	_ =	sdelay $0x3  }
0x94: {  	_ =	strace s2  }
0x95: {  	s2 =	sld [smem:$0x3FFD];
	_ =	sdelay $0x3  }
0x96: {  	_ =	strace s2  }
0x97: {  	_ =	strace $0x8FFFFFFF  }
0x98: {  	s19 =	sld [smem:$0x3FDB];
	_ =	sdelay $0x1  }
0x99: {  	s20 =	simm.s32 $_scs_section_size  }
0x9a: {  	s4 =	simm.s32 $_size__tile_overlayer_lowered;
	s5 =	simm.s32 $_tile_overlayer_lowered  }
0x9b: {  	s6 =	simm.s32 $0x1BFF;
	s21 =	sshll.u32 s5, $0x1;
	s3 =	sadd.s32 s20, s19  }
0x9c: {  	s22 =	simm.s32 $0x0;
	s4 =	sshll.u32 s4, $0x1;
	s5 =	sadd.s32 s21, s3  }
0x9d: {  	[timem:s22], [sflag:s6] =	dma.local [hbm:s5], s4  }
0x9e: {  	_ =	swait.ge [sflag:s6], s4  }
0x9f: {  	s4 =	ssub.s32 $0x0, s4;
	[sflag:s6] =	ssyncset.done $0x0  }
0xa0: {  	[sflag:s6] =	ssyncadd.s32 s4;
	_ =	sdelay $0x1  }
0xa1: {  	s23 =	simm.s32 $0x1B8B  }
0xa2: {  	_ =	swait.ge [sflag:s23], $0x1  }
0xa3: {  	[sflag:s23] =	ssyncset.done $0x0  }
0xa4: {  	[sflag:s23] =	ssyncadd.s32 $0xFFFFFFFF  }
0xa5: {  	s4 =	sld [smem:$0x0]  }
0xa6: {  	s5 =	sand.u32 $0xFFFFFFFE, s1  }
0xa7: {  	p0 =	sne.s32 s1, s5  }
0xa8: {  	s5 =	sshll.u32 @p0 s5, $0xE  }
0xa9: {  	s5 =	sadd.s32 @p0 $0x11B8D, s5;
	s6 =	sshll.u32 @p0 s4, $0x11  }
0xaa: {  	s5 =	sor.u32 @p0 s6, s5  }
0xab: {  	[sflag:s5] =	ssyncadd.remote.s32 @p0 $0x1;
	_ =	sdelay $0x1  }
0xac: {  	s5 =	simm.s32 @p0 $0x1B8D  }
0xad: {  	_ =	swait.eq @p0 [sflag:s5], $0x1  }
0xae: {  	[sflag:s5] =	ssyncadd.s32 @p0 $0xFFFFFFFF  }
0xaf: {  	s6 =	sshll.u32 @!p0 s1, $0xE  }
0xb0: {  	s6 =	sor.u32 @!p0 $0x4000, s6;
	s5 =	simm.s32 @!p0 $0x1B8D  }
0xb1: {  	s4 =	sshll.u32 @!p0 s4, $0x11;
	s6 =	sadd.s32 @!p0 $0x11B8D, s6;
	_ =	swait.eq @!p0 [sflag:s5], $0x1  }
0xb2: {  	s4 =	sor.u32 @!p0 s4, s6;
	[sflag:s5] =	ssyncadd.s32 @!p0 $0xFFFFFFFF  }
0xb3: {  	s25 =	simm.s32 $0x1B8E;
	s24 =	sld [smem:$0x3FFE];
	[sflag:s4] =	ssyncadd.remote.s32 @!p0 $0x1  }
0xb4: {  	s26 =	simm.s32 $execute0_lowered;
	[smem:$0x3FD2] =	sst s25  }
0xb5: {  	s5 =	sshll.u32 s26, $0x1;
	_ =	strace $0x80000049;
	[dreg:$0x1] =	wrdreg $0xFFFFFFFF  }
0xb6: {  	s28 =	simm.s32 $_size_execute0_lowered;
	s3 =	sadd.s32 s3, s5;
	[dreg:$0x0] =	wrdreg $0x0  }
0xb7: {  	s5 =	sshll.u32 s28, $0x1;
	[dreg:$0x2] =	wrdreg s3  }
0xb8: {  	[dreg:$0x3] =	wrdreg s5  }
0xb9: {  	[dreg:$0x4] =	wrdreg $0xC0  }
0xba: {  	_ =	task [dreg:s22], $0x5FFFF  }
0xbb: {  	[dreg:$0x1] =	wrdreg $0xFFFFFFFF  }
0xbc: {  	[dreg:$0x0] =	wrdreg $0x60  }
0xbd: {  	[dreg:$0x2] =	wrdreg s24  }
0xbe: {  	[dreg:$0x3] =	wrdreg $0xB  }
0xbf: {  	_ =	task.clear_ibuf [dreg:s22], $0x4FFFF;
	_ =	strace $0x90000049  }
0xc0: {  	s29 =	simm.s32 $0xB;
	_ =	strace $0x8000004B  }
0xc1: {  	_ =	swait.ge [sflag:s29], $0x1  }
0xc2: {  	[sflag:s29] =	ssyncadd.s32 $0xFFFFFFFF  }
0xc3: {  	_ =	strace $0x9000004B  }
0xc4: {  	_ =	sfence  }
0xc5: {  	s30 =	sld [smem:$0x0];
	_ =	sdelay $0x2  }
0xc6: {  	s31 =	sshll.u32 s1, $0xD;
	s1 =	sshrl.u32 s1, $0x2  }
0xc7: {  	s4 =	sand.u32 $0x4000, s31;
	s1 =	sadd.s32 s1, s30  }
0xc8: {  	s0 =	sor.u32 s4, s0;
	s1 =	sshll.u32 s1, $0x11  }
0xc9: {  	s0 =	sor.u32 s1, s0  }
0xca: {  	s0 =	sadd.s32 $0x8F2B, s0  }
0xcb: {  	[sflag:s0] =	ssyncadd.remote.s32 $0x1  }
0xcc: {  	_ =	sfence.sel $0xFFFF  }
0xcd: {  	[dreg:$0x0] =	wrdreg $0xFFFFFFFF;
	(pc) =	sbr.abs _section_cstart, $3  }
0xce: {  	[dreg:$0x1] =	wrdreg $0xFFFFFFFF  }
0xcf: {  	_ =	task.clear_ibuf [dreg:s22], $0x2FFFF;
	_ =	strace $0x9FFFFFFF  }
0xd0: {  	(tm) =	ssettm $0x7FFFFFFF  }
0xd1: {  	_ =	shalt  }
tec
execute0_lowered:
.L_overlay_start_1:
0x0: {  	(tag) =	ssettag $0x1  }
0x1: {  	s4 =	rddreg [dreg:$0x0]  }
0x2: {  	s0 =	rddreg [dreg:$0x1];
	s2 =	simm.s32 $0x0;
	s3 =	srdreg.scid  }
0x3: {  	s1 =	stileid.u32;
	s10 =	simm.s32 $0x0;
	[smem:$0x7FF] =	sst s2  }
0x4: {  	s5 =	sand.u32 $0x1, s3;
	s6 =	sshll.u32 s1, $0xE;
	s3 =	sadd.s32 $0x4AD000, s4  }
0x5: {  	s8 =	sshll.u32 s1, $0x12;
	_ =	strace $0x8000004A;
	s7 =	sshll.u32 s5, $0xD  }
0x6: {  	s31 =	ssub.s32 $0x2, s5;
	s8 =	sadd.s32 s8, s4;
	s5 =	sshll.u32 s5, $0x11  }
0x7: {  	s6 =	sor.u32 s7, s6;
	s9 =	sshrl.u32 s31, $0x1;
	s5 =	sadd.s32 s5, s8  }
0x8: {  	s8 =	simm.s32 $0x80;
	s6 =	sshrl.u32 s6, $0x3;
	s7 =	ssub.s32 s31, s9  }
0x9: {  	s5 =	sadd.s32 $0x52D000, s5;
	s9 =	simm.s32 $0x1;
	s6 =	sadd.s32 s6, s4  }
0xa: {  	s4 =	smax.u32 s7, $0x1;
	s7 =	simm.s32 $0x2;
	s6 =	sadd.s32 $0xA5000, s6  }
.LBB2_1:
0xb: {  	s11 =	sadd.s32 $0x0, s6  }
0xc: {  	[tilespmem:s2], [sflag:$0x2] =	stream.linear.gather [hbm4b:s11+s2], $0x80, $0x38;
	[tilespmem:$0x4080] =	vst v63  }
0xd: {  	_ =	swait.ge [sflag:s7], $0x80  }
0xe: {  	[sflag:s7] =	ssyncset.done $0x0  }
0xf: {  	[sflag:s7] =	ssyncadd.s32 $0xFFFFFF80  }
0x10: {  	[tilespmem:s8], [sflag:$0x1] =	stream.indirect.gather [hbm4b:s3+s8], $0x80, s2, s8, $0xb8;
	[tilespmem:$0x4080] =	vst v63  }
0x11: {  	_ =	swait.ge [sflag:s9], $0x4000  }
0x12: {  	[sflag:s9] =	ssyncset.done $0x0  }
0x13: {  	[sflag:s9] =	ssyncadd.s32 $0xFFFFC000  }
0x14: {  	[hbm4b:s5+s2] =	stream.linear.scatter [tilespmem:s8], [sflag:$0x2], $0x4000, $0x38;
	[tilespmem:$0x4080] =	vst v63  }
0x15: {  	s12 =	simm.s32 $0x10;
	_ =	swait.ge [sflag:s7], $0x4000  }
0x16: {  	s13 =	simm.s32 $0x20;
	s11 =	sadd.s32 $0x800, s5;
	[sflag:s7] =	ssyncset.done $0x0  }
.LBB2_2:
0x17: {  	s14 =	sadd.s32 s12, s6  }
0x18: {  	[sflag:s7] =	ssyncadd.s32 $0xFFFFC000;
	s12 =	smov.u32 s13;
	s15 =	sadd.s32 $0x10, s13  }
0x19: {  	[tilespmem:s2], [sflag:$0x2] =	stream.linear.gather [hbm4b:s14+s2], $0x80, $0x38;
	[tilespmem:$0x4080] =	vst v63  }
0x1a: {  	p0 =	sne.s32 s13, $0x3F0;
	_ =	swait.ge [sflag:s7], $0x80  }
0x1b: {  	[sflag:s7] =	ssyncset.done $0x0  }
0x1c: {  	[sflag:s7] =	ssyncadd.s32 $0xFFFFFF80  }
0x1d: {  	[tilespmem:s8], [sflag:$0x1] =	stream.indirect.gather [hbm4b:s3+s8], $0x80, s2, s8, $0xb8;
	[tilespmem:$0x4080] =	vst v63  }
0x1e: {  	_ =	swait.ge [sflag:s9], $0x4000  }
.Ltmp0:
0x1f: {  	[sflag:s9] =	ssyncset.done $0x0;
	(pc) =	sbr.rel @p0 .LBB2_2-.Ltmp0, $4  }
0x20: {  	[sflag:s9] =	ssyncadd.s32 $0xFFFFC000  }
0x21: {  	[hbm4b:s11+s2] =	stream.linear.scatter [tilespmem:s8], [sflag:$0x2], $0x4000, $0x38;
	[tilespmem:$0x4080] =	vst v63  }
0x22: {  	_ =	swait.ge [sflag:s7], $0x4000  }
0x23: {  	s13 =	smov.u32 s15;
	s11 =	sadd.s32 $0x800, s11;
	[sflag:s7] =	ssyncset.done $0x0  }
0x24: {  	s12 =	sadd.s32 s12, s6;
	[sflag:s7] =	ssyncadd.s32 $0xFFFFC000  }
0x25: {  	[tilespmem:s2], [sflag:$0x2] =	stream.linear.gather [hbm4b:s12+s2], $0x80, $0x38;
	[tilespmem:$0x4080] =	vst v63  }
0x26: {  	_ =	swait.ge [sflag:s7], $0x80  }
0x27: {  	[sflag:s7] =	ssyncset.done $0x0  }
0x28: {  	[sflag:s7] =	ssyncadd.s32 $0xFFFFFF80  }
0x29: {  	[tilespmem:s8], [sflag:$0x1] =	stream.indirect.gather [hbm4b:s3+s8], $0x80, s2, s8, $0xb8;
	[tilespmem:$0x4080] =	vst v63  }
0x2a: {  	s10 =	sadd.s32 $0x1, s10;
	_ =	swait.ge [sflag:s9], $0x4000  }
0x2b: {  	p0 =	sne.s32 s10, s4;
	[sflag:s9] =	ssyncset.done $0x0  }
.Ltmp1:
0x2c: {  	[sflag:s9] =	ssyncadd.s32 $0xFFFFC000;
	(pc) =	sbr.rel @p0 .LBB2_1-.Ltmp1, $4  }
0x2d: {  	[hbm4b:s11+s2] =	stream.linear.scatter [tilespmem:s8], [sflag:$0x2], $0x4000, $0x38;
	[tilespmem:$0x4080] =	vst v63  }
0x2e: {  	_ =	swait.ge [sflag:s7], $0x4000  }
0x2f: {  	[sflag:s7] =	ssyncset.done $0x0  }
0x30: {  	[sflag:s7] =	ssyncadd.s32 $0xFFFFC000  }
0x31: {  	_ =	sfence.sel $0x180000  }
0x32: {  	[bflag:$0x0] =	sbarrier.arrive $0xFFFF  }
0x33: {  	p0 =	sne.s32 s1, $0x0;
	_ =	strace $0x9000004A  }
0x34: {  	s0 =	sadd.s32 @!p0 $0x100000, s0;
	[bflag:$0x2] =	sbarrier.arrive $0xFFFF  }
0x35: {  	[sflag:s0] =	ssyncadd.tile.s32 @!p0 $0x1;
	_ =	shalt  }
.Lfunc_end2:
_tile_overlayer_lowered:
.L_overlay_start_2:
0x36: {  	(tag) =	ssettag $0x2  }
0x37: {  	s0 =	rddreg [dreg:$0x0];
	s2 =	stileid.u32  }
0x38: {  	s1 =	rddreg [dreg:$0x1];
	p0 =	sne.s32 s2, $0x0  }
0x39: {  	s3 =	rddreg [dreg:$0x2];
	[bflag:$0x3] =	sbarrier.arrive $0xFFFF;
	s2 =	simm.s32 @!p0 $0x1C02  }
0x3a: {  	[timem:s3], [sflag:s2] =	dma.local @!p0 [hbm:s0], s1  }
0x3b: {  	s0 =	simm.s32 @!p0 $0x2  }
0x3c: {  	_ =	swait.ge @!p0 [sflag:s0], s1  }
0x3d: {  	s1 =	ssub.s32 @!p0 $0x0, s1;
	[sflag:s0] =	ssyncset.done @!p0 $0x0  }
0x3e: {  	[sflag:s0] =	ssyncadd.s32 @!p0 s1  }
0x3f: {  	[bflag:$0x3] =	sbarrier.arrive $0xFFFF  }
0x40: {  	_ =	shalt  }

// kernel: kernel.27.cloned.1.call-start
scs
__scs_entry_jumppad:
0x0: {  	(pc) =	sbr.rel $0x88, $3  }
0x1: {  	(tag) =	ssettag $0x0;
	lr =	simm.s32 $0x1  }
0x2: {  	[smem:$0x3F71] =	sst lr;
	_ =	strace $0xD0000000  }
0x3: {  	_ = 	snop  }
0x4: {  	_ = 	snop  }
0x5: {  	_ = 	snop  }
0x6: {  	_ = 	snop  }
0x7: {  	_ = 	snop  }
__scs_overlays_trampoline_lowered:
0x8: {  	[smem:$0x3F80] =	sst s0  }
0x9: {  	[smem:$0x3F81] =	sst s1  }
0xa: {  	[smem:$0x3F82] =	sst s2  }
0xb: {  	[smem:$0x3F83] =	sst s3  }
0xc: {  	[smem:$0x3F84] =	sst s4  }
0xd: {  	[smem:$0x3F85] =	sst s5  }
0xe: {  	[smem:$0x3F86] =	sst s6  }
0xf: {  	[smem:$0x3F87] =	sst s7  }
0x10: {  	[smem:$0x3F88] =	sst s8  }
0x11: {  	[smem:$0x3F89] =	sst s9;
	s0 =	simm.s32 @!p0 $0x0  }
0x12: {  	s1 =	sld [smem:$0x3F6F];
	s0 =	simm.s32 @p0 $0x1  }
0x13: {  	[smem:$0x3F8A] =	sst s0;
	s0 =	simm.s32 @!p1 $0x0  }
0x14: {  	s2 =	sld [smem:$0x3F6E];
	s0 =	simm.s32 @p1 $0x1  }
0x15: {  	[smem:$0x3F8B] =	sst s0;
	s0 =	simm.s32 @!p2 $0x0  }
0x16: {  	s3 =	sld [smem:$0x3FDB];
	s0 =	simm.s32 @p2 $0x1  }
0x17: {  	s4 =	simm.s32 $0x1BF5;
	[smem:$0x3F8D] =	sst s0  }
0x18: {  	s0 =	sld [smem:$0x3F70];
	_ =	swait.ge [sflag:s4], $0x0  }
0x19: {  	s7 =	sld [smem:$0x3F71]  }
0x1a: {  	s8 =	sadd.s32 $0xFFFFE003, lr  }
0x1b: {  	s9 =	sadd.s32 $0xFFFFFEF7, lr;
	s5 =	simm.s32 $0xFFFFFFFF;
	p2 =	slt.u32 s8, $0xFFFFF086  }
0x1c: {  	p1 =	slt.u32 s9, $0xF7A;
	s5 =	simm.s32 @!p2 $0x0  }
0x1d: {  	s5 =	simm.s32 @p1 $0x1;
	p0 =	seq.s32 s7, s2  }
0x1e: {  	s7 =	smul.u32 @!p0 $0xF7A, s2;
	p2 =	seq.s32 @!p0 s5, $0x0  }
0x1f: {  	s9 =	smul.u32 $0xF7A, s1;
	s8 =	simm.s32 @!p0 $0x1BF5;
	p2 =	por !p2, p0  }
0x20: {  	[sflag:s8] =	ssyncset.s32 @!p0 $0xFFFFF086;
	s6 =	sadd.s32 @!p0 s3, s7;
	s7 =	simm.s32 @!p0 $0x108  }
0x21: {  	s3 =	sadd.s32 s3, s9;
	s6 =	sadd.s32 @!p0 $0x88, s6;
	s7 =	simm.s32 @p2 $0x1082  }
0x22: {  	[simem:s7], [sflag:s8] =	dma.local @!p0 [hbm:s6], $0xF7A  }
0x23: {  	s9 =	sor.u32 $0xD0000000, s2;
	s6 =	simm.s32 $0x108;
	_ =	swait.ge @!p0 [sflag:s8], $0x0  }
0x24: {  	s3 =	sadd.s32 $0x88, s3;
	s6 =	simm.s32 @!p1 $0x1082;
	[sflag:s4] =	ssyncset.s32 $0xFFFFF086  }
0x25: {  	[simem:s6], [sflag:s4] =	dma.local [hbm:s3], $0xF7A  }
0x26: {  	[smem:$0x3F71] =	sst s1;
	(tag) =	ssettag s2;
	_ =	strace s9  }
0x27: {  	s1 =	sld [smem:$0x3F81]  }
0x28: {  	s2 =	sld [smem:$0x3F82]  }
0x29: {  	s4 =	sld [smem:$0x3F84]  }
0x2a: {  	p0 =	seq.s32 s5, $0x0;
	s5 =	sld [smem:$0x3F85]  }
0x2b: {  	s6 =	sld [smem:$0x3F86]  }
0x2c: {  	s7 =	sld [smem:$0x3F87]  }
0x2d: {  	s3 =	simm.s32 $0x108;
	s8 =	sld [smem:$0x3F88]  }
0x2e: {  	s3 =	simm.s32 @!p0 $0x1082;
	s9 =	sld [smem:$0x3F89]  }
0x2f: {  	lr =	sadd.s32 s0, s3;
	s0 =	sld [smem:$0x3F80]  }
0x30: {  	s3 =	sld [smem:$0x3F83]  }
0x31: {  	[smem:$0x3F8C] =	sst s10  }
0x32: {  	s10 =	sld [smem:$0x3F8A];
	_ =	sdelay $0x3  }
0x33: {  	p0 =	seq.s32 s10, $0x1;
	s10 =	sld [smem:$0x3F8C];
	_ =	sdelay $0x3  }
0x34: {  	[smem:$0x3F8C] =	sst s10  }
0x35: {  	s10 =	sld [smem:$0x3F8B];
	_ =	sdelay $0x3  }
0x36: {  	p1 =	seq.s32 s10, $0x1;
	s10 =	sld [smem:$0x3F8C];
	_ =	sdelay $0x3  }
0x37: {  	[smem:$0x3F8C] =	sst s10  }
0x38: {  	s10 =	sld [smem:$0x3F8D]  }
0x39: {  	_ = 	snop;
	(pc) =	sbr.ind lr, $3  }
0x3a: {  	_ = 	snop  }
0x3b: {  	_ = 	snop  }
0x3c: {  	p2 =	seq.s32 s10, $0x1;
	s10 =	sld [smem:$0x3F8C]  }
0x3d: {  	_ =	shalt  }
0x3e: {  	_ =	shalt  }
0x3f: {  	_ =	shalt  }
0x40: {  	_ =	shalt  }
0x41: {  	_ =	shalt  }
0x42: {  	_ =	shalt  }
0x43: {  	_ =	shalt  }
0x44: {  	_ =	shalt  }
0x45: {  	_ =	shalt  }
0x46: {  	_ =	shalt  }
0x47: {  	_ =	shalt  }
0x48: {  	_ =	shalt  }
0x49: {  	_ =	shalt  }
0x4a: {  	_ =	shalt  }
0x4b: {  	_ =	shalt  }
0x4c: {  	_ =	shalt  }
0x4d: {  	_ =	shalt  }
0x4e: {  	_ =	shalt  }
0x4f: {  	_ =	shalt  }
0x50: {  	_ =	shalt  }
0x51: {  	_ =	shalt  }
0x52: {  	_ =	shalt  }
0x53: {  	_ =	shalt  }
0x54: {  	_ =	shalt  }
0x55: {  	_ =	shalt  }
0x56: {  	_ =	shalt  }
0x57: {  	_ =	shalt  }
0x58: {  	_ =	shalt  }
0x59: {  	_ =	shalt  }
0x5a: {  	_ =	shalt  }
0x5b: {  	_ =	shalt  }
0x5c: {  	_ =	shalt  }
0x5d: {  	_ =	shalt  }
0x5e: {  	_ =	shalt  }
0x5f: {  	_ =	shalt  }
0x60: {  	_ =	shalt  }
0x61: {  	_ =	shalt  }
0x62: {  	_ =	shalt  }
0x63: {  	_ =	shalt  }
0x64: {  	_ =	shalt  }
0x65: {  	_ =	shalt  }
0x66: {  	_ =	shalt  }
0x67: {  	_ =	shalt  }
0x68: {  	_ =	shalt  }
0x69: {  	_ =	shalt  }
0x6a: {  	_ =	shalt  }
0x6b: {  	_ =	shalt  }
0x6c: {  	_ =	shalt  }
0x6d: {  	_ =	shalt  }
0x6e: {  	_ =	shalt  }
0x6f: {  	_ =	shalt  }
0x70: {  	_ =	shalt  }
0x71: {  	_ =	shalt  }
0x72: {  	_ =	shalt  }
0x73: {  	_ =	shalt  }
0x74: {  	_ =	shalt  }
0x75: {  	_ =	shalt  }
0x76: {  	_ =	shalt  }
0x77: {  	_ =	shalt  }
0x78: {  	_ =	shalt  }
0x79: {  	_ =	shalt  }
0x7a: {  	_ =	shalt  }
0x7b: {  	_ =	shalt  }
0x7c: {  	_ =	shalt  }
0x7d: {  	_ =	shalt  }
0x7e: {  	_ =	shalt  }
0x7f: {  	_ =	shalt  }
0x80: {  	_ =	shalt  }
0x81: {  	_ =	shalt  }
0x82: {  	_ =	shalt  }
0x83: {  	_ =	shalt  }
0x84: {  	_ =	shalt  }
0x85: {  	_ =	shalt  }
0x86: {  	_ =	shalt  }
0x87: {  	_ =	shalt  }
.Lfunc_end0:
.L_simem_size_0:
called_computation.2_lowered:
.L_overlay_start_0:
0x88: {  	s2 =	sld [smem:$0x3FD9]  }
0x89: {  	s3 =	sld [smem:$0x3FFE];
	_ =	sdelay $0x1  }
0x8a: {  	s1 =	srdreg.scid  }
0x8b: {  	s0 =	sand.u32 $0x1, s1  }
0x8c: {  	s17 =	sshll.u32 s0, $0xA;
	s2 =	sadd.s32 s3, s2  }
0x8d: {  	s2 =	sadd.s32 s2, s17  }
0x8e: {  	[smem:$0x3F98] =	sst s2  }
0x8f: {  	_ = 	snop  }
0x90: {  	(tm) =	ssettm $0x1  }
0x91: {  	s18 =	sld [smem:$0x3FFB];
	_ =	sdelay $0x3  }
0x92: {  	_ =	strace s18  }
0x93: {  	s2 =	sld [smem:$0x3FFC];
	_ =	sdelay $0x3  }
0x94: {  	_ =	strace s2  }
0x95: {  	s2 =	sld [smem:$0x3FFD];
	_ =	sdelay $0x3  }
0x96: {  	_ =	strace s2  }
0x97: {  	_ =	strace $0x8FFFFFFF  }
0x98: {  	s19 =	sld [smem:$0x3FDB];
	_ =	sdelay $0x1  }
0x99: {  	s20 =	simm.s32 $_scs_section_size  }
0x9a: {  	s4 =	simm.s32 $_size__tile_overlayer_lowered;
	s5 =	simm.s32 $_tile_overlayer_lowered  }
0x9b: {  	s6 =	simm.s32 $0x1BFF;
	s21 =	sshll.u32 s5, $0x1;
	s3 =	sadd.s32 s20, s19  }
0x9c: {  	s22 =	simm.s32 $0x0;
	s4 =	sshll.u32 s4, $0x1;
	s5 =	sadd.s32 s21, s3  }
0x9d: {  	[timem:s22], [sflag:s6] =	dma.local [hbm:s5], s4  }
0x9e: {  	_ =	swait.ge [sflag:s6], s4  }
0x9f: {  	s4 =	ssub.s32 $0x0, s4;
	[sflag:s6] =	ssyncset.done $0x0  }
0xa0: {  	[sflag:s6] =	ssyncadd.s32 s4;
	_ =	sdelay $0x1  }
0xa1: {  	s23 =	simm.s32 $0x1B8B  }
0xa2: {  	_ =	swait.ge [sflag:s23], $0x1  }
0xa3: {  	[sflag:s23] =	ssyncset.done $0x0  }
0xa4: {  	[sflag:s23] =	ssyncadd.s32 $0xFFFFFFFF  }
0xa5: {  	s4 =	sld [smem:$0x0]  }
0xa6: {  	s5 =	sand.u32 $0xFFFFFFFE, s1  }
0xa7: {  	p0 =	sne.s32 s1, s5  }
0xa8: {  	s5 =	sshll.u32 @p0 s5, $0xE  }
0xa9: {  	s5 =	sadd.s32 @p0 $0x11B8D, s5;
	s6 =	sshll.u32 @p0 s4, $0x11  }
0xaa: {  	s5 =	sor.u32 @p0 s6, s5  }
0xab: {  	[sflag:s5] =	ssyncadd.remote.s32 @p0 $0x1;
	_ =	sdelay $0x1  }
0xac: {  	s5 =	simm.s32 @p0 $0x1B8D  }
0xad: {  	_ =	swait.eq @p0 [sflag:s5], $0x1  }
0xae: {  	[sflag:s5] =	ssyncadd.s32 @p0 $0xFFFFFFFF  }
0xaf: {  	s6 =	sshll.u32 @!p0 s1, $0xE  }
0xb0: {  	s6 =	sor.u32 @!p0 $0x4000, s6;
	s5 =	simm.s32 @!p0 $0x1B8D  }
0xb1: {  	s4 =	sshll.u32 @!p0 s4, $0x11;
	s6 =	sadd.s32 @!p0 $0x11B8D, s6;
	_ =	swait.eq @!p0 [sflag:s5], $0x1  }
0xb2: {  	s4 =	sor.u32 @!p0 s4, s6;
	[sflag:s5] =	ssyncadd.s32 @!p0 $0xFFFFFFFF  }
0xb3: {  	s25 =	simm.s32 $0x1B8E;
	s24 =	sld [smem:$0x3FFE];
	[sflag:s4] =	ssyncadd.remote.s32 @!p0 $0x1  }
0xb4: {  	s26 =	simm.s32 $execute0_lowered;
	[smem:$0x3FD2] =	sst s25  }
0xb5: {  	s5 =	sshll.u32 s26, $0x1;
	_ =	strace $0x8000004F;
	[dreg:$0x1] =	wrdreg $0xFFFFFFFF  }
0xb6: {  	s28 =	simm.s32 $_size_execute0_lowered;
	s3 =	sadd.s32 s3, s5;
	[dreg:$0x0] =	wrdreg $0x0  }
0xb7: {  	s5 =	sshll.u32 s28, $0x1;
	[dreg:$0x2] =	wrdreg s3  }
0xb8: {  	[dreg:$0x3] =	wrdreg s5  }
0xb9: {  	[dreg:$0x4] =	wrdreg $0xC0  }
0xba: {  	_ =	task [dreg:s22], $0x5FFFF  }
0xbb: {  	[dreg:$0x1] =	wrdreg $0xFFFFFFFF  }
0xbc: {  	[dreg:$0x0] =	wrdreg $0x60  }
0xbd: {  	[dreg:$0x2] =	wrdreg s24  }
0xbe: {  	[dreg:$0x3] =	wrdreg $0xA  }
0xbf: {  	_ =	task.clear_ibuf [dreg:s22], $0x4FFFF;
	_ =	strace $0x9000004F  }
0xc0: {  	s29 =	simm.s32 $0xA;
	_ =	strace $0x80000051  }
0xc1: {  	_ =	swait.ge [sflag:s29], $0x1  }
0xc2: {  	[sflag:s29] =	ssyncadd.s32 $0xFFFFFFFF  }
0xc3: {  	_ =	strace $0x90000051  }
0xc4: {  	_ =	sfence  }
0xc5: {  	s30 =	sld [smem:$0x0];
	_ =	sdelay $0x2  }
0xc6: {  	s31 =	sshll.u32 s1, $0xD;
	s1 =	sshrl.u32 s1, $0x2  }
0xc7: {  	s4 =	sand.u32 $0x4000, s31;
	s1 =	sadd.s32 s1, s30  }
0xc8: {  	s0 =	sor.u32 s4, s0;
	s1 =	sshll.u32 s1, $0x11  }
0xc9: {  	s0 =	sor.u32 s1, s0  }
0xca: {  	s0 =	sadd.s32 $0x8F2B, s0  }
0xcb: {  	[sflag:s0] =	ssyncadd.remote.s32 $0x1  }
0xcc: {  	_ =	sfence.sel $0xFFFF  }
0xcd: {  	[dreg:$0x0] =	wrdreg $0xFFFFFFFF;
	(pc) =	sbr.abs _section_cstart, $3  }
0xce: {  	[dreg:$0x1] =	wrdreg $0xFFFFFFFF  }
0xcf: {  	_ =	task.clear_ibuf [dreg:s22], $0x2FFFF;
	_ =	strace $0x9FFFFFFF  }
0xd0: {  	(tm) =	ssettm $0x7FFFFFFF  }
0xd1: {  	_ =	shalt  }
tec
execute0_lowered:
.L_overlay_start_1:
0x0: {  	(tag) =	ssettag $0x1  }
0x1: {  	s4 =	rddreg [dreg:$0x0]  }
0x2: {  	s0 =	rddreg [dreg:$0x1];
	s2 =	simm.s32 $0x0;
	s3 =	srdreg.scid  }
0x3: {  	s1 =	stileid.u32;
	s10 =	simm.s32 $0x0;
	[smem:$0x7FF] =	sst s2  }
0x4: {  	s5 =	sand.u32 $0x1, s3;
	s6 =	sshll.u32 s1, $0xD;
	s3 =	sadd.s32 $0x25000, s4  }
0x5: {  	s8 =	sshll.u32 s1, $0x11;
	_ =	strace $0x80000050;
	s7 =	sshll.u32 s5, $0xC  }
0x6: {  	s31 =	ssub.s32 $0x2, s5;
	s8 =	sadd.s32 s8, s4;
	s5 =	sshll.u32 s5, $0x10  }
0x7: {  	s6 =	sor.u32 s7, s6;
	s9 =	sshrl.u32 s31, $0x1;
	s5 =	sadd.s32 s5, s8  }
0x8: {  	s8 =	simm.s32 $0x80;
	s6 =	sshrl.u32 s6, $0x3;
	s7 =	ssub.s32 s31, s9  }
0x9: {  	s5 =	sadd.s32 $0x45000, s5;
	s9 =	simm.s32 $0x1;
	s6 =	sadd.s32 s6, s4  }
0xa: {  	s4 =	smax.u32 s7, $0x1;
	s7 =	simm.s32 $0x2;
	s6 =	sadd.s32 $0x935000, s6  }
.LBB2_1:
0xb: {  	s11 =	sadd.s32 $0x0, s6  }
0xc: {  	[tilespmem:s2], [sflag:$0x2] =	stream.linear.gather [hbm4b:s11+s2], $0x80, $0x38;
	[tilespmem:$0x4080] =	vst v63  }
0xd: {  	_ =	swait.ge [sflag:s7], $0x80  }
0xe: {  	[sflag:s7] =	ssyncset.done $0x0  }
0xf: {  	[sflag:s7] =	ssyncadd.s32 $0xFFFFFF80  }
0x10: {  	[tilespmem:s8], [sflag:$0x1] =	stream.indirect.gather [hbm4b:s3+s8], $0x80, s2, s8, $0xb8;
	[tilespmem:$0x4080] =	vst v63  }
0x11: {  	_ =	swait.ge [sflag:s9], $0x4000  }
0x12: {  	[sflag:s9] =	ssyncset.done $0x0  }
0x13: {  	[sflag:s9] =	ssyncadd.s32 $0xFFFFC000  }
0x14: {  	[hbm4b:s5+s2] =	stream.linear.scatter [tilespmem:s8], [sflag:$0x2], $0x4000, $0x38;
	[tilespmem:$0x4080] =	vst v63  }
0x15: {  	s12 =	simm.s32 $0x10;
	_ =	swait.ge [sflag:s7], $0x4000  }
0x16: {  	s13 =	simm.s32 $0x20;
	s11 =	sadd.s32 $0x800, s5;
	[sflag:s7] =	ssyncset.done $0x0  }
.LBB2_2:
0x17: {  	s14 =	sadd.s32 s12, s6  }
0x18: {  	[sflag:s7] =	ssyncadd.s32 $0xFFFFC000;
	s12 =	smov.u32 s13;
	s15 =	sadd.s32 $0x10, s13  }
0x19: {  	[tilespmem:s2], [sflag:$0x2] =	stream.linear.gather [hbm4b:s14+s2], $0x80, $0x38;
	[tilespmem:$0x4080] =	vst v63  }
0x1a: {  	p0 =	sne.s32 s13, $0x1F0;
	_ =	swait.ge [sflag:s7], $0x80  }
0x1b: {  	[sflag:s7] =	ssyncset.done $0x0  }
0x1c: {  	[sflag:s7] =	ssyncadd.s32 $0xFFFFFF80  }
0x1d: {  	[tilespmem:s8], [sflag:$0x1] =	stream.indirect.gather [hbm4b:s3+s8], $0x80, s2, s8, $0xb8;
	[tilespmem:$0x4080] =	vst v63  }
0x1e: {  	_ =	swait.ge [sflag:s9], $0x4000  }
.Ltmp0:
0x1f: {  	[sflag:s9] =	ssyncset.done $0x0;
	(pc) =	sbr.rel @p0 .LBB2_2-.Ltmp0, $4  }
0x20: {  	[sflag:s9] =	ssyncadd.s32 $0xFFFFC000  }
0x21: {  	[hbm4b:s11+s2] =	stream.linear.scatter [tilespmem:s8], [sflag:$0x2], $0x4000, $0x38;
	[tilespmem:$0x4080] =	vst v63  }
0x22: {  	_ =	swait.ge [sflag:s7], $0x4000  }
0x23: {  	s13 =	smov.u32 s15;
	s11 =	sadd.s32 $0x800, s11;
	[sflag:s7] =	ssyncset.done $0x0  }
0x24: {  	s12 =	sadd.s32 s12, s6;
	[sflag:s7] =	ssyncadd.s32 $0xFFFFC000  }
0x25: {  	[tilespmem:s2], [sflag:$0x2] =	stream.linear.gather [hbm4b:s12+s2], $0x80, $0x38;
	[tilespmem:$0x4080] =	vst v63  }
0x26: {  	_ =	swait.ge [sflag:s7], $0x80  }
0x27: {  	[sflag:s7] =	ssyncset.done $0x0  }
0x28: {  	[sflag:s7] =	ssyncadd.s32 $0xFFFFFF80  }
0x29: {  	[tilespmem:s8], [sflag:$0x1] =	stream.indirect.gather [hbm4b:s3+s8], $0x80, s2, s8, $0xb8;
	[tilespmem:$0x4080] =	vst v63  }
0x2a: {  	s10 =	sadd.s32 $0x1, s10;
	_ =	swait.ge [sflag:s9], $0x4000  }
0x2b: {  	p0 =	sne.s32 s10, s4;
	[sflag:s9] =	ssyncset.done $0x0  }
.Ltmp1:
0x2c: {  	[sflag:s9] =	ssyncadd.s32 $0xFFFFC000;
	(pc) =	sbr.rel @p0 .LBB2_1-.Ltmp1, $4  }
0x2d: {  	[hbm4b:s11+s2] =	stream.linear.scatter [tilespmem:s8], [sflag:$0x2], $0x4000, $0x38;
	[tilespmem:$0x4080] =	vst v63  }
0x2e: {  	_ =	swait.ge [sflag:s7], $0x4000  }
0x2f: {  	[sflag:s7] =	ssyncset.done $0x0  }
0x30: {  	[sflag:s7] =	ssyncadd.s32 $0xFFFFC000  }
0x31: {  	_ =	sfence.sel $0x180000  }
0x32: {  	[bflag:$0x0] =	sbarrier.arrive $0xFFFF  }
0x33: {  	p0 =	sne.s32 s1, $0x0;
	_ =	strace $0x90000050  }
0x34: {  	s0 =	sadd.s32 @!p0 $0x100000, s0;
	[bflag:$0x2] =	sbarrier.arrive $0xFFFF  }
0x35: {  	[sflag:s0] =	ssyncadd.tile.s32 @!p0 $0x1;
	_ =	shalt  }
.Lfunc_end2:
_tile_overlayer_lowered:
.L_overlay_start_2:
0x36: {  	(tag) =	ssettag $0x2  }
0x37: {  	s0 =	rddreg [dreg:$0x0];
	s2 =	stileid.u32  }
0x38: {  	s1 =	rddreg [dreg:$0x1];
	p0 =	sne.s32 s2, $0x0  }
0x39: {  	s3 =	rddreg [dreg:$0x2];
	[bflag:$0x3] =	sbarrier.arrive $0xFFFF;
	s2 =	simm.s32 @!p0 $0x1C02  }
0x3a: {  	[timem:s3], [sflag:s2] =	dma.local @!p0 [hbm:s0], s1  }
0x3b: {  	s0 =	simm.s32 @!p0 $0x2  }
0x3c: {  	_ =	swait.ge @!p0 [sflag:s0], s1  }
0x3d: {  	s1 =	ssub.s32 @!p0 $0x0, s1;
	[sflag:s0] =	ssyncset.done @!p0 $0x0  }
0x3e: {  	[sflag:s0] =	ssyncadd.s32 @!p0 s1  }
0x3f: {  	[bflag:$0x3] =	sbarrier.arrive $0xFFFF  }
0x40: {  	_ =	shalt  }

// kernel: kernel.30.cloned.1.call-start
scs
__scs_entry_jumppad:
0x0: {  	(pc) =	sbr.rel $0x88, $3  }
0x1: {  	(tag) =	ssettag $0x0;
	lr =	simm.s32 $0x1  }
0x2: {  	[smem:$0x3F71] =	sst lr;
	_ =	strace $0xD0000000  }
0x3: {  	_ = 	snop  }
0x4: {  	_ = 	snop  }
0x5: {  	_ = 	snop  }
0x6: {  	_ = 	snop  }
0x7: {  	_ = 	snop  }
__scs_overlays_trampoline_lowered:
0x8: {  	[smem:$0x3F80] =	sst s0  }
0x9: {  	[smem:$0x3F81] =	sst s1  }
0xa: {  	[smem:$0x3F82] =	sst s2  }
0xb: {  	[smem:$0x3F83] =	sst s3  }
0xc: {  	[smem:$0x3F84] =	sst s4  }
0xd: {  	[smem:$0x3F85] =	sst s5  }
0xe: {  	[smem:$0x3F86] =	sst s6  }
0xf: {  	[smem:$0x3F87] =	sst s7  }
0x10: {  	[smem:$0x3F88] =	sst s8  }
0x11: {  	[smem:$0x3F89] =	sst s9;
	s0 =	simm.s32 @!p0 $0x0  }
0x12: {  	s1 =	sld [smem:$0x3F6F];
	s0 =	simm.s32 @p0 $0x1  }
0x13: {  	[smem:$0x3F8A] =	sst s0;
	s0 =	simm.s32 @!p1 $0x0  }
0x14: {  	s2 =	sld [smem:$0x3F6E];
	s0 =	simm.s32 @p1 $0x1  }
0x15: {  	[smem:$0x3F8B] =	sst s0;
	s0 =	simm.s32 @!p2 $0x0  }
0x16: {  	s3 =	sld [smem:$0x3FDB];
	s0 =	simm.s32 @p2 $0x1  }
0x17: {  	s4 =	simm.s32 $0x1BF5;
	[smem:$0x3F8D] =	sst s0  }
0x18: {  	s0 =	sld [smem:$0x3F70];
	_ =	swait.ge [sflag:s4], $0x0  }
0x19: {  	s7 =	sld [smem:$0x3F71]  }
0x1a: {  	s8 =	sadd.s32 $0xFFFFE003, lr  }
0x1b: {  	s9 =	sadd.s32 $0xFFFFFEF7, lr;
	s5 =	simm.s32 $0xFFFFFFFF;
	p2 =	slt.u32 s8, $0xFFFFF086  }
0x1c: {  	p1 =	slt.u32 s9, $0xF7A;
	s5 =	simm.s32 @!p2 $0x0  }
0x1d: {  	s5 =	simm.s32 @p1 $0x1;
	p0 =	seq.s32 s7, s2  }
0x1e: {  	s7 =	smul.u32 @!p0 $0xF7A, s2;
	p2 =	seq.s32 @!p0 s5, $0x0  }
0x1f: {  	s9 =	smul.u32 $0xF7A, s1;
	s8 =	simm.s32 @!p0 $0x1BF5;
	p2 =	por !p2, p0  }
0x20: {  	[sflag:s8] =	ssyncset.s32 @!p0 $0xFFFFF086;
	s6 =	sadd.s32 @!p0 s3, s7;
	s7 =	simm.s32 @!p0 $0x108  }
0x21: {  	s3 =	sadd.s32 s3, s9;
	s6 =	sadd.s32 @!p0 $0x88, s6;
	s7 =	simm.s32 @p2 $0x1082  }
0x22: {  	[simem:s7], [sflag:s8] =	dma.local @!p0 [hbm:s6], $0xF7A  }
0x23: {  	s9 =	sor.u32 $0xD0000000, s2;
	s6 =	simm.s32 $0x108;
	_ =	swait.ge @!p0 [sflag:s8], $0x0  }
0x24: {  	s3 =	sadd.s32 $0x88, s3;
	s6 =	simm.s32 @!p1 $0x1082;
	[sflag:s4] =	ssyncset.s32 $0xFFFFF086  }
0x25: {  	[simem:s6], [sflag:s4] =	dma.local [hbm:s3], $0xF7A  }
0x26: {  	[smem:$0x3F71] =	sst s1;
	(tag) =	ssettag s2;
	_ =	strace s9  }
0x27: {  	s1 =	sld [smem:$0x3F81]  }
0x28: {  	s2 =	sld [smem:$0x3F82]  }
0x29: {  	s4 =	sld [smem:$0x3F84]  }
0x2a: {  	p0 =	seq.s32 s5, $0x0;
	s5 =	sld [smem:$0x3F85]  }
0x2b: {  	s6 =	sld [smem:$0x3F86]  }
0x2c: {  	s7 =	sld [smem:$0x3F87]  }
0x2d: {  	s3 =	simm.s32 $0x108;
	s8 =	sld [smem:$0x3F88]  }
0x2e: {  	s3 =	simm.s32 @!p0 $0x1082;
	s9 =	sld [smem:$0x3F89]  }
0x2f: {  	lr =	sadd.s32 s0, s3;
	s0 =	sld [smem:$0x3F80]  }
0x30: {  	s3 =	sld [smem:$0x3F83]  }
0x31: {  	[smem:$0x3F8C] =	sst s10  }
0x32: {  	s10 =	sld [smem:$0x3F8A];
	_ =	sdelay $0x3  }
0x33: {  	p0 =	seq.s32 s10, $0x1;
	s10 =	sld [smem:$0x3F8C];
	_ =	sdelay $0x3  }
0x34: {  	[smem:$0x3F8C] =	sst s10  }
0x35: {  	s10 =	sld [smem:$0x3F8B];
	_ =	sdelay $0x3  }
0x36: {  	p1 =	seq.s32 s10, $0x1;
	s10 =	sld [smem:$0x3F8C];
	_ =	sdelay $0x3  }
0x37: {  	[smem:$0x3F8C] =	sst s10  }
0x38: {  	s10 =	sld [smem:$0x3F8D]  }
0x39: {  	_ = 	snop;
	(pc) =	sbr.ind lr, $3  }
0x3a: {  	_ = 	snop  }
0x3b: {  	_ = 	snop  }
0x3c: {  	p2 =	seq.s32 s10, $0x1;
	s10 =	sld [smem:$0x3F8C]  }
0x3d: {  	_ =	shalt  }
0x3e: {  	_ =	shalt  }
0x3f: {  	_ =	shalt  }
0x40: {  	_ =	shalt  }
0x41: {  	_ =	shalt  }
0x42: {  	_ =	shalt  }
0x43: {  	_ =	shalt  }
0x44: {  	_ =	shalt  }
0x45: {  	_ =	shalt  }
0x46: {  	_ =	shalt  }
0x47: {  	_ =	shalt  }
0x48: {  	_ =	shalt  }
0x49: {  	_ =	shalt  }
0x4a: {  	_ =	shalt  }
0x4b: {  	_ =	shalt  }
0x4c: {  	_ =	shalt  }
0x4d: {  	_ =	shalt  }
0x4e: {  	_ =	shalt  }
0x4f: {  	_ =	shalt  }
0x50: {  	_ =	shalt  }
0x51: {  	_ =	shalt  }
0x52: {  	_ =	shalt  }
0x53: {  	_ =	shalt  }
0x54: {  	_ =	shalt  }
0x55: {  	_ =	shalt  }
0x56: {  	_ =	shalt  }
0x57: {  	_ =	shalt  }
0x58: {  	_ =	shalt  }
0x59: {  	_ =	shalt  }
0x5a: {  	_ =	shalt  }
0x5b: {  	_ =	shalt  }
0x5c: {  	_ =	shalt  }
0x5d: {  	_ =	shalt  }
0x5e: {  	_ =	shalt  }
0x5f: {  	_ =	shalt  }
0x60: {  	_ =	shalt  }
0x61: {  	_ =	shalt  }
0x62: {  	_ =	shalt  }
0x63: {  	_ =	shalt  }
0x64: {  	_ =	shalt  }
0x65: {  	_ =	shalt  }
0x66: {  	_ =	shalt  }
0x67: {  	_ =	shalt  }
0x68: {  	_ =	shalt  }
0x69: {  	_ =	shalt  }
0x6a: {  	_ =	shalt  }
0x6b: {  	_ =	shalt  }
0x6c: {  	_ =	shalt  }
0x6d: {  	_ =	shalt  }
0x6e: {  	_ =	shalt  }
0x6f: {  	_ =	shalt  }
0x70: {  	_ =	shalt  }
0x71: {  	_ =	shalt  }
0x72: {  	_ =	shalt  }
0x73: {  	_ =	shalt  }
0x74: {  	_ =	shalt  }
0x75: {  	_ =	shalt  }
0x76: {  	_ =	shalt  }
0x77: {  	_ =	shalt  }
0x78: {  	_ =	shalt  }
0x79: {  	_ =	shalt  }
0x7a: {  	_ =	shalt  }
0x7b: {  	_ =	shalt  }
0x7c: {  	_ =	shalt  }
0x7d: {  	_ =	shalt  }
0x7e: {  	_ =	shalt  }
0x7f: {  	_ =	shalt  }
0x80: {  	_ =	shalt  }
0x81: {  	_ =	shalt  }
0x82: {  	_ =	shalt  }
0x83: {  	_ =	shalt  }
0x84: {  	_ =	shalt  }
0x85: {  	_ =	shalt  }
0x86: {  	_ =	shalt  }
0x87: {  	_ =	shalt  }
.Lfunc_end0:
.L_simem_size_0:
called_computation.3_lowered:
.L_overlay_start_0:
0x88: {  	s2 =	sld [smem:$0x3FD9]  }
0x89: {  	s3 =	sld [smem:$0x3FFE];
	_ =	sdelay $0x1  }
0x8a: {  	s1 =	srdreg.scid  }
0x8b: {  	s0 =	sand.u32 $0x1, s1  }
0x8c: {  	s17 =	sshll.u32 s0, $0xA;
	s2 =	sadd.s32 s3, s2  }
0x8d: {  	s2 =	sadd.s32 s2, s17  }
0x8e: {  	[smem:$0x3F98] =	sst s2  }
0x8f: {  	_ = 	snop  }
0x90: {  	(tm) =	ssettm $0x1  }
0x91: {  	s18 =	sld [smem:$0x3FFB];
	_ =	sdelay $0x3  }
0x92: {  	_ =	strace s18  }
0x93: {  	s2 =	sld [smem:$0x3FFC];
	_ =	sdelay $0x3  }
0x94: {  	_ =	strace s2  }
0x95: {  	s2 =	sld [smem:$0x3FFD];
	_ =	sdelay $0x3  }
0x96: {  	_ =	strace s2  }
0x97: {  	_ =	strace $0x8FFFFFFF  }
0x98: {  	s19 =	sld [smem:$0x3FDB];
	_ =	sdelay $0x1  }
0x99: {  	s20 =	simm.s32 $_scs_section_size  }
0x9a: {  	s4 =	simm.s32 $_size__tile_overlayer_lowered;
	s5 =	simm.s32 $_tile_overlayer_lowered  }
0x9b: {  	s6 =	simm.s32 $0x1BFF;
	s21 =	sshll.u32 s5, $0x1;
	s3 =	sadd.s32 s20, s19  }
0x9c: {  	s22 =	simm.s32 $0x0;
	s4 =	sshll.u32 s4, $0x1;
	s5 =	sadd.s32 s21, s3  }
0x9d: {  	[timem:s22], [sflag:s6] =	dma.local [hbm:s5], s4  }
0x9e: {  	_ =	swait.ge [sflag:s6], s4  }
0x9f: {  	s4 =	ssub.s32 $0x0, s4;
	[sflag:s6] =	ssyncset.done $0x0  }
0xa0: {  	[sflag:s6] =	ssyncadd.s32 s4;
	_ =	sdelay $0x1  }
0xa1: {  	s23 =	simm.s32 $0x1B8B  }
0xa2: {  	_ =	swait.ge [sflag:s23], $0x1  }
0xa3: {  	[sflag:s23] =	ssyncset.done $0x0  }
0xa4: {  	[sflag:s23] =	ssyncadd.s32 $0xFFFFFFFF  }
0xa5: {  	s4 =	sld [smem:$0x0]  }
0xa6: {  	s5 =	sand.u32 $0xFFFFFFFE, s1  }
0xa7: {  	p0 =	sne.s32 s1, s5  }
0xa8: {  	s5 =	sshll.u32 @p0 s5, $0xE  }
0xa9: {  	s5 =	sadd.s32 @p0 $0x11B8D, s5;
	s6 =	sshll.u32 @p0 s4, $0x11  }
0xaa: {  	s5 =	sor.u32 @p0 s6, s5  }
0xab: {  	[sflag:s5] =	ssyncadd.remote.s32 @p0 $0x1;
	_ =	sdelay $0x1  }
0xac: {  	s5 =	simm.s32 @p0 $0x1B8D  }
0xad: {  	_ =	swait.eq @p0 [sflag:s5], $0x1  }
0xae: {  	[sflag:s5] =	ssyncadd.s32 @p0 $0xFFFFFFFF  }
0xaf: {  	s6 =	sshll.u32 @!p0 s1, $0xE  }
0xb0: {  	s6 =	sor.u32 @!p0 $0x4000, s6;
	s5 =	simm.s32 @!p0 $0x1B8D  }
0xb1: {  	s4 =	sshll.u32 @!p0 s4, $0x11;
	s6 =	sadd.s32 @!p0 $0x11B8D, s6;
	_ =	swait.eq @!p0 [sflag:s5], $0x1  }
0xb2: {  	s4 =	sor.u32 @!p0 s4, s6;
	[sflag:s5] =	ssyncadd.s32 @!p0 $0xFFFFFFFF  }
0xb3: {  	s25 =	simm.s32 $0x1B8E;
	s24 =	sld [smem:$0x3FFE];
	[sflag:s4] =	ssyncadd.remote.s32 @!p0 $0x1  }
0xb4: {  	s26 =	simm.s32 $execute0_lowered;
	[smem:$0x3FD2] =	sst s25  }
0xb5: {  	s5 =	sshll.u32 s26, $0x1;
	_ =	strace $0x8000004C;
	[dreg:$0x1] =	wrdreg $0xFFFFFFFF  }
0xb6: {  	s28 =	simm.s32 $_size_execute0_lowered;
	s3 =	sadd.s32 s3, s5;
	[dreg:$0x0] =	wrdreg $0x0  }
0xb7: {  	s5 =	sshll.u32 s28, $0x1;
	[dreg:$0x2] =	wrdreg s3  }
0xb8: {  	[dreg:$0x3] =	wrdreg s5  }
0xb9: {  	[dreg:$0x4] =	wrdreg $0xC0  }
0xba: {  	_ =	task [dreg:s22], $0x5FFFF  }
0xbb: {  	[dreg:$0x1] =	wrdreg $0xFFFFFFFF  }
0xbc: {  	[dreg:$0x0] =	wrdreg $0x60  }
0xbd: {  	[dreg:$0x2] =	wrdreg s24  }
0xbe: {  	[dreg:$0x3] =	wrdreg $0x9  }
0xbf: {  	_ =	task.clear_ibuf [dreg:s22], $0x4FFFF;
	_ =	strace $0x9000004C  }
0xc0: {  	s29 =	simm.s32 $0x9;
	_ =	strace $0x8000004E  }
0xc1: {  	_ =	swait.ge [sflag:s29], $0x1  }
0xc2: {  	[sflag:s29] =	ssyncadd.s32 $0xFFFFFFFF  }
0xc3: {  	_ =	strace $0x9000004E  }
0xc4: {  	_ =	sfence  }
0xc5: {  	s30 =	sld [smem:$0x0];
	_ =	sdelay $0x2  }
0xc6: {  	s31 =	sshll.u32 s1, $0xD;
	s1 =	sshrl.u32 s1, $0x2  }
0xc7: {  	s4 =	sand.u32 $0x4000, s31;
	s1 =	sadd.s32 s1, s30  }
0xc8: {  	s0 =	sor.u32 s4, s0;
	s1 =	sshll.u32 s1, $0x11  }
0xc9: {  	s0 =	sor.u32 s1, s0  }
0xca: {  	s0 =	sadd.s32 $0x8F2B, s0  }
0xcb: {  	[sflag:s0] =	ssyncadd.remote.s32 $0x1  }
0xcc: {  	_ =	sfence.sel $0xFFFF  }
0xcd: {  	[dreg:$0x0] =	wrdreg $0xFFFFFFFF;
	(pc) =	sbr.abs _section_cstart, $3  }
0xce: {  	[dreg:$0x1] =	wrdreg $0xFFFFFFFF  }
0xcf: {  	_ =	task.clear_ibuf [dreg:s22], $0x2FFFF;
	_ =	strace $0x9FFFFFFF  }
0xd0: {  	(tm) =	ssettm $0x7FFFFFFF  }
0xd1: {  	_ =	shalt  }
tec
execute0_lowered:
.L_overlay_start_1:
0x0: {  	(tag) =	ssettag $0x1  }
0x1: {  	s4 =	rddreg [dreg:$0x0]  }
0x2: {  	s0 =	rddreg [dreg:$0x1];
	s2 =	simm.s32 $0x0;
	s3 =	srdreg.scid  }
0x3: {  	s1 =	stileid.u32;
	s10 =	simm.s32 $0x0;
	[smem:$0x7FF] =	sst s2  }
0x4: {  	s5 =	sand.u32 $0x1, s3;
	s6 =	sshll.u32 s1, $0xD;
	s3 =	sadd.s32 $0x5000, s4  }
0x5: {  	s8 =	sshll.u32 s1, $0x11;
	_ =	strace $0x8000004D;
	s7 =	sshll.u32 s5, $0xC  }
0x6: {  	s31 =	ssub.s32 $0x2, s5;
	s8 =	sadd.s32 s8, s4;
	s5 =	sshll.u32 s5, $0x10  }
0x7: {  	s6 =	sor.u32 s7, s6;
	s9 =	sshrl.u32 s31, $0x1;
	s5 =	sadd.s32 s5, s8  }
0x8: {  	s8 =	simm.s32 $0x80;
	s6 =	sshrl.u32 s6, $0x3;
	s7 =	ssub.s32 s31, s9  }
0x9: {  	s5 =	sadd.s32 $0x939000, s5;
	s9 =	simm.s32 $0x1;
	s6 =	sadd.s32 s6, s4  }
0xa: {  	s4 =	smax.u32 s7, $0x1;
	s7 =	simm.s32 $0x2;
	s6 =	sadd.s32 $0x935000, s6  }
.LBB2_1:
0xb: {  	s11 =	sadd.s32 $0x0, s6  }
0xc: {  	[tilespmem:s2], [sflag:$0x2] =	stream.linear.gather [hbm4b:s11+s2], $0x80, $0x38;
	[tilespmem:$0x4080] =	vst v63  }
0xd: {  	_ =	swait.ge [sflag:s7], $0x80  }
0xe: {  	[sflag:s7] =	ssyncset.done $0x0  }
0xf: {  	[sflag:s7] =	ssyncadd.s32 $0xFFFFFF80  }
0x10: {  	[tilespmem:s8], [sflag:$0x1] =	stream.indirect.gather [hbm4b:s3+s8], $0x80, s2, s8, $0xb8;
	[tilespmem:$0x4080] =	vst v63  }
0x11: {  	_ =	swait.ge [sflag:s9], $0x4000  }
0x12: {  	[sflag:s9] =	ssyncset.done $0x0  }
0x13: {  	[sflag:s9] =	ssyncadd.s32 $0xFFFFC000  }
0x14: {  	[hbm4b:s5+s2] =	stream.linear.scatter [tilespmem:s8], [sflag:$0x2], $0x4000, $0x38;
	[tilespmem:$0x4080] =	vst v63  }
0x15: {  	s12 =	simm.s32 $0x10;
	_ =	swait.ge [sflag:s7], $0x4000  }
0x16: {  	s13 =	simm.s32 $0x20;
	s11 =	sadd.s32 $0x800, s5;
	[sflag:s7] =	ssyncset.done $0x0  }
.LBB2_2:
0x17: {  	s14 =	sadd.s32 s12, s6  }
0x18: {  	[sflag:s7] =	ssyncadd.s32 $0xFFFFC000;
	s12 =	smov.u32 s13;
	s15 =	sadd.s32 $0x10, s13  }
0x19: {  	[tilespmem:s2], [sflag:$0x2] =	stream.linear.gather [hbm4b:s14+s2], $0x80, $0x38;
	[tilespmem:$0x4080] =	vst v63  }
0x1a: {  	p0 =	sne.s32 s13, $0x1F0;
	_ =	swait.ge [sflag:s7], $0x80  }
0x1b: {  	[sflag:s7] =	ssyncset.done $0x0  }
0x1c: {  	[sflag:s7] =	ssyncadd.s32 $0xFFFFFF80  }
0x1d: {  	[tilespmem:s8], [sflag:$0x1] =	stream.indirect.gather [hbm4b:s3+s8], $0x80, s2, s8, $0xb8;
	[tilespmem:$0x4080] =	vst v63  }
0x1e: {  	_ =	swait.ge [sflag:s9], $0x4000  }
.Ltmp0:
0x1f: {  	[sflag:s9] =	ssyncset.done $0x0;
	(pc) =	sbr.rel @p0 .LBB2_2-.Ltmp0, $4  }
0x20: {  	[sflag:s9] =	ssyncadd.s32 $0xFFFFC000  }
0x21: {  	[hbm4b:s11+s2] =	stream.linear.scatter [tilespmem:s8], [sflag:$0x2], $0x4000, $0x38;
	[tilespmem:$0x4080] =	vst v63  }
0x22: {  	_ =	swait.ge [sflag:s7], $0x4000  }
0x23: {  	s13 =	smov.u32 s15;
	s11 =	sadd.s32 $0x800, s11;
	[sflag:s7] =	ssyncset.done $0x0  }
0x24: {  	s12 =	sadd.s32 s12, s6;
	[sflag:s7] =	ssyncadd.s32 $0xFFFFC000  }
0x25: {  	[tilespmem:s2], [sflag:$0x2] =	stream.linear.gather [hbm4b:s12+s2], $0x80, $0x38;
	[tilespmem:$0x4080] =	vst v63  }
0x26: {  	_ =	swait.ge [sflag:s7], $0x80  }
0x27: {  	[sflag:s7] =	ssyncset.done $0x0  }
0x28: {  	[sflag:s7] =	ssyncadd.s32 $0xFFFFFF80  }
0x29: {  	[tilespmem:s8], [sflag:$0x1] =	stream.indirect.gather [hbm4b:s3+s8], $0x80, s2, s8, $0xb8;
	[tilespmem:$0x4080] =	vst v63  }
0x2a: {  	s10 =	sadd.s32 $0x1, s10;
	_ =	swait.ge [sflag:s9], $0x4000  }
0x2b: {  	p0 =	sne.s32 s10, s4;
	[sflag:s9] =	ssyncset.done $0x0  }
.Ltmp1:
0x2c: {  	[sflag:s9] =	ssyncadd.s32 $0xFFFFC000;
	(pc) =	sbr.rel @p0 .LBB2_1-.Ltmp1, $4  }
0x2d: {  	[hbm4b:s11+s2] =	stream.linear.scatter [tilespmem:s8], [sflag:$0x2], $0x4000, $0x38;
	[tilespmem:$0x4080] =	vst v63  }
0x2e: {  	_ =	swait.ge [sflag:s7], $0x4000  }
0x2f: {  	[sflag:s7] =	ssyncset.done $0x0  }
0x30: {  	[sflag:s7] =	ssyncadd.s32 $0xFFFFC000  }
0x31: {  	_ =	sfence.sel $0x180000  }
0x32: {  	[bflag:$0x0] =	sbarrier.arrive $0xFFFF  }
0x33: {  	p0 =	sne.s32 s1, $0x0;
	_ =	strace $0x9000004D  }
0x34: {  	s0 =	sadd.s32 @!p0 $0x100000, s0;
	[bflag:$0x2] =	sbarrier.arrive $0xFFFF  }
0x35: {  	[sflag:s0] =	ssyncadd.tile.s32 @!p0 $0x1;
	_ =	shalt  }
.Lfunc_end2:
_tile_overlayer_lowered:
.L_overlay_start_2:
0x36: {  	(tag) =	ssettag $0x2  }
0x37: {  	s0 =	rddreg [dreg:$0x0];
	s2 =	stileid.u32  }
0x38: {  	s1 =	rddreg [dreg:$0x1];
	p0 =	sne.s32 s2, $0x0  }
0x39: {  	s3 =	rddreg [dreg:$0x2];
	[bflag:$0x3] =	sbarrier.arrive $0xFFFF;
	s2 =	simm.s32 @!p0 $0x1C02  }
0x3a: {  	[timem:s3], [sflag:s2] =	dma.local @!p0 [hbm:s0], s1  }
0x3b: {  	s0 =	simm.s32 @!p0 $0x2  }
0x3c: {  	_ =	swait.ge @!p0 [sflag:s0], s1  }
0x3d: {  	s1 =	ssub.s32 @!p0 $0x0, s1;
	[sflag:s0] =	ssyncset.done @!p0 $0x0  }
0x3e: {  	[sflag:s0] =	ssyncadd.s32 @!p0 s1  }
0x3f: {  	[bflag:$0x3] =	sbarrier.arrive $0xFFFF  }
0x40: {  	_ =	shalt  }

</sc_bundles>
